<compile_context>
chip_gen: v7x
topology: tpu7x:2x2x1
jax: 0.10.2.dev20260603
libtpu: 0.0.44.dev20260713+nightly
codegen_flags: <defaults>
</compile_context>

<pallas_src>
import functools

import jax
import jax.numpy as jnp
from jax import lax
from jax.experimental import pallas as pl
from jax.experimental.pallas import tpu as pltpu
from jax.experimental.pallas import tpu_sc as plsc

LO, HI = 0.8, 5.2
LANES = 16
TILE_MINOR = 128
TILE_MAJOR = 8


def _build_sc_kernel(batch, emb, n_main, n_rows):
    info = plsc.get_sparse_core_info()
    nw = info.num_cores * info.num_subcores
    nc = info.num_cores
    b_per_w = batch // nw
    chunks = b_per_w // LANES
    n_tail = n_rows - n_main
    tq = n_main // TILE_MINOR
    te = emb // TILE_MAJOR
    plane = tq * 1024
    mesh = plsc.VectorSubcoreMesh(core_axis_name="c", subcore_axis_name="s")

    @functools.partial(
        pl.kernel,
        out_type=jax.ShapeDtypeStruct((batch,), jnp.float32),
        mesh=mesh,
        scratch_types=[
            pltpu.VMEM((b_per_w,), jnp.int32),
            pltpu.VMEM((b_per_w,), jnp.int32),
            pltpu.VMEM((b_per_w,), jnp.int32),
            pltpu.VMEM((b_per_w,), jnp.int32),
            pltpu.VMEM((b_per_w,), jnp.int32),
            pltpu.VMEM((b_per_w,), jnp.int32),
            pltpu.VMEM((emb * b_per_w,), jnp.float32),
            pltpu.VMEM((emb * b_per_w,), jnp.float32),
            pltpu.VMEM((b_per_w,), jnp.float32),
            pltpu.VMEM((b_per_w,), jnp.float32),
            pltpu.VMEM((emb, n_tail), jnp.float32),
            pltpu.VMEM((emb, n_tail), jnp.float32),
            pltpu.VMEM((n_tail,), jnp.float32),
            pltpu.VMEM((n_tail,), jnp.float32),
            pltpu.VMEM((b_per_w,), jnp.float32),
            pltpu.SemaphoreType.DMA,
            pltpu.SemaphoreType.DMA,
        ],
        compiler_params=pltpu.CompilerParams(
            needs_layout_passes=False, use_tc_tiling_on_sc=False),
    )
    def sc_kernel(uidx_hbm, midx_hbm, uflat_hbm, iflat_hbm, ub_hbm, ib_hbm,
                  utail_hbm, itail_hbm, ubt_hbm, ibt_hbm, out_hbm,
                  uidx_v, midx_v, ubase_v, mbase_v, uclamp_v, mclamp_v,
                  ucols_v, icols_v, ubias_v, ibias_v,
                  utail_v, itail_v, ubt_v, ibt_v, out_v,
                  sem_emb, sem_small):
        wid = lax.axis_index("s") * nc + lax.axis_index("c")
        base = wid * b_per_w
        pltpu.sync_copy(uidx_hbm.at[pl.ds(base, b_per_w)], uidx_v)
        pltpu.sync_copy(midx_hbm.at[pl.ds(base, b_per_w)], midx_v)
        ct = [
            pltpu.async_copy(utail_hbm, utail_v, sem_small),
            pltpu.async_copy(itail_hbm, itail_v, sem_small),
            pltpu.async_copy(ubt_hbm, ubt_v, sem_small),
            pltpu.async_copy(ibt_hbm, ibt_v, sem_small),
        ]

        def addr_body(c, carry):
            off = c * LANES
            for idx_v, base_v, clamp_v in (
                    (uidx_v, ubase_v, uclamp_v), (midx_v, mbase_v, mclamp_v)):
                r = idx_v[pl.ds(off, LANES)]
                rc = jnp.minimum(r, n_main - 1)
                q = lax.shift_right_logical(rc, 7)
                addr = lax.shift_left(q, 10) + (rc - lax.shift_left(q, 7))
                base_v[pl.ds(off, LANES)] = addr
                clamp_v[pl.ds(off, LANES)] = rc
            return carry

        lax.fori_loop(0, chunks, addr_body, 0)

        cub = pltpu.async_copy(ub_hbm.at[0].at[uidx_v], ubias_v, sem_small)
        cib = pltpu.async_copy(ib_hbm.at[0].at[midx_v], ibias_v, sem_small)
        copies = []
        for e in range(emb):
            off_e = (e // TILE_MAJOR) * plane + (e % TILE_MAJOR) * TILE_MINOR
            need = (tq - 1) * 1024 + TILE_MINOR
            copies.append(pltpu.async_copy(
                uflat_hbm.at[pl.ds(off_e, need)].at[ubase_v],
                ucols_v.at[pl.ds(e * b_per_w, b_per_w)], sem_emb))
            copies.append(pltpu.async_copy(
                iflat_hbm.at[pl.ds(off_e, need)].at[mbase_v],
                icols_v.at[pl.ds(e * b_per_w, b_per_w)], sem_emb))
        for c in ct:
            c.wait()
        cub.wait()
        cib.wait()
        for c in copies:
            c.wait()

        iot = lax.iota(jnp.int32, 16)

        def chunk_body(c, carry):
            off = c * LANES
            rowids = off + iot
            ru = uidx_v[pl.ds(off, LANES)]
            ri = midx_v[pl.ds(off, LANES)]
            umask = ru >= n_main
            imask = ri >= n_main
            ub = ubias_v[pl.ds(off, LANES)]
            ib = ibias_v[pl.ds(off, LANES)]
            any_tail = jnp.any(umask | imask)

            ut = jnp.minimum(jnp.maximum(ru - n_main, 0), n_tail - 1)
            it = jnp.minimum(jnp.maximum(ri - n_main, 0), n_tail - 1)

            def dot(patch):
                accs = ub + ib
                for e in range(emb):
                    uu = ucols_v[pl.ds(e * b_per_w + off, LANES)]
                    vv = icols_v[pl.ds(e * b_per_w + off, LANES)]
                    if patch:
                        ecol = jnp.full((LANES,), e, jnp.int32)
                        uu = jnp.where(
                            umask, plsc.load_gather(utail_v, [ecol, ut]), uu)
                        vv = jnp.where(
                            imask, plsc.load_gather(itail_v, [ecol, it]), vv)
                    accs = accs + uu * vv
                sig = 1.0 / (1.0 + jnp.exp(-accs))
                out_v[pl.ds(off, LANES)] = sig * (HI - LO) + LO

            @pl.when(any_tail)
            def _():
                dot(True)

            @pl.when(jnp.logical_not(any_tail))
            def _():
                dot(False)

            return carry

        lax.fori_loop(0, chunks, chunk_body, 0)
        pltpu.sync_copy(out_v, out_hbm.at[pl.ds(base, b_per_w)])

    return sc_kernel


def kernel(user_idx, movie_idx, user_emb_table, item_emb_table,
           user_bias_table, item_bias_table):
    batch = user_idx.shape[0]
    n_rows, emb = user_emb_table.shape
    n_main = (n_rows // TILE_MINOR) * TILE_MINOR
    tq = n_main // TILE_MINOR
    te = emb // TILE_MAJOR

    def flat_view(t):
        return (t[:n_main].T
                .reshape(te, TILE_MAJOR, tq, TILE_MINOR)
                .transpose(0, 2, 1, 3)
                .reshape(-1))

    sc = _build_sc_kernel(batch, emb, n_main, n_rows)
    return sc(
        user_idx.astype(jnp.int32),
        movie_idx.astype(jnp.int32),
        flat_view(user_emb_table),
        flat_view(item_emb_table),
        user_bias_table.T,
        item_bias_table.T,
        user_emb_table[n_main:].T,
        item_emb_table[n_main:].T,
        user_bias_table[n_main:].reshape(-1),
        item_bias_table[n_main:].reshape(-1),
    )

# --- scband reference (transcript-rebuilt; emitter-appended) ---
"""Pipeline reference for scband-mfnet-sigmoid-range-41171556499555 (READ-ONLY COPY).

The authoritative reference and input builder live on the scoring server;
editing this copy changes nothing except your own understanding.
"""

import jax, jax.numpy as jnp
import numpy as np

NUM_USERS = 1000000
NUM_ITEMS = 1000000
EMB = 32
BATCH = 16384
OUT_LO, OUT_HI = 0.8, 5.2

def setup_inputs(seed: int = 0) -> dict:
    key = jax.random.key(seed)
    k1, k2, k3, k4, k5, k6 = jax.random.split(key, 6)
    user_idx = jax.random.randint(k1, (BATCH,), 0, NUM_USERS, dtype=jnp.int64 if jax.config.jax_enable_x64 else jnp.int32)
    movie_idx = jax.random.randint(k2, (BATCH,), 0, NUM_ITEMS, dtype=jnp.int64 if jax.config.jax_enable_x64 else jnp.int32)
    user_emb_table = jax.random.normal(k3, (NUM_USERS, EMB), dtype=jnp.float32)
    item_emb_table = jax.random.normal(k4, (NUM_ITEMS, EMB), dtype=jnp.float32)
    user_bias_table = jax.random.normal(k5, (NUM_USERS, 1), dtype=jnp.float32)
    item_bias_table = jax.random.normal(k6, (NUM_ITEMS, 1), dtype=jnp.float32)
    return {
        'user_idx': user_idx,
        'movie_idx': movie_idx,
        'user_emb_table': user_emb_table,
        'item_emb_table': item_emb_table,
        'user_bias_table': user_bias_table,
        'item_bias_table': item_bias_table,
    }

def reference(user_idx, movie_idx, user_emb_table, item_emb_table, user_bias_table, item_bias_table):
    user_emb = jnp.take(user_emb_table, user_idx, axis=0)
    item_emb = jnp.take(item_emb_table, movie_idx, axis=0)
    user_bias = jnp.take(user_bias_table, user_idx, axis=0)
    item_bias = jnp.take(item_bias_table, movie_idx, axis=0)
    rating = jnp.sum(user_emb * item_emb, axis=1)
    rating = rating + jnp.squeeze(user_bias, axis=-1) + jnp.squeeze(item_bias, axis=-1)
    rating = jax.nn.sigmoid(rating)
    rating = rating * (OUT_HI - OUT_LO) + OUT_LO
    return rating

if __name__ == "__main__":
    import jax
    _d = setup_inputs()
    print(jax.jit(kernel)(*tuple(_d.values())))

</pallas_src>

<mosaic_0001>
#map = affine_map<(d0, d1) -> (0)>
#map1 = affine_map<(d0, d1) -> (0, 0)>
module attributes {stable_mosaic.version = 14 : i64} {
  func.func @sc_kernel(%arg0: i32, %arg1: i32, %arg2: memref<16384xi32, #tpu.memory_space<hbm>>, %arg3: memref<16384xi32, #tpu.memory_space<hbm>>, %arg4: memref<31997952xf32, #tpu.memory_space<hbm>>, %arg5: memref<31997952xf32, #tpu.memory_space<hbm>>, %arg6: memref<1x1000000xf32, #tpu.memory_space<hbm>>, %arg7: memref<1x1000000xf32, #tpu.memory_space<hbm>>, %arg8: memref<32x64xf32, #tpu.memory_space<hbm>>, %arg9: memref<32x64xf32, #tpu.memory_space<hbm>>, %arg10: memref<64xf32, #tpu.memory_space<hbm>>, %arg11: memref<64xf32, #tpu.memory_space<hbm>>, %arg12: memref<16384xf32, #tpu.memory_space<hbm>>, %arg13: memref<512xi32, #tpu.memory_space<vmem>>, %arg14: memref<512xi32, #tpu.memory_space<vmem>>, %arg15: memref<512xi32, #tpu.memory_space<vmem>>, %arg16: memref<512xi32, #tpu.memory_space<vmem>>, %arg17: memref<512xi32, #tpu.memory_space<vmem>>, %arg18: memref<512xi32, #tpu.memory_space<vmem>>, %arg19: memref<16384xf32, #tpu.memory_space<vmem>>, %arg20: memref<16384xf32, #tpu.memory_space<vmem>>, %arg21: memref<512xf32, #tpu.memory_space<vmem>>, %arg22: memref<512xf32, #tpu.memory_space<vmem>>, %arg23: memref<32x64xf32, #tpu.memory_space<vmem>>, %arg24: memref<32x64xf32, #tpu.memory_space<vmem>>, %arg25: memref<64xf32, #tpu.memory_space<vmem>>, %arg26: memref<64xf32, #tpu.memory_space<vmem>>, %arg27: memref<512xf32, #tpu.memory_space<vmem>>, %arg28: memref<!tpu.dma_semaphore, #tpu.memory_space<semaphore_mem>>, %arg29: memref<!tpu.dma_semaphore, #tpu.memory_space<semaphore_mem>>) attributes {dimension_semantics = [#tpu.dimension_semantics<core_parallel>, #tpu.dimension_semantics<subcore_parallel>], iteration_bounds = array<i64: 2, 16>, scalar_prefetch = 0 : i64, scratch_operands = 17 : i64, tpu.core_type = #tpu.core_type<sc_vector_subcore>, window_params = [{transform_indices = #map}, {transform_indices = #map}, {transform_indices = #map}, {transform_indices = #map}, {transform_indices = #map1}, {transform_indices = #map1}, {transform_indices = #map1}, {transform_indices = #map1}, {transform_indices = #map}, {transform_indices = #map}, {transform_indices = #map}]} {
    %mul3A = arith.constant 2 : i32
    %mul3A_0 = arith.muli %arg1, %mul3A : i32
    %add3A = arith.addi %mul3A_0, %arg0 : i32
    %mul3A_1 = arith.constant 512 : i32
    %mul3A_2 = arith.muli %add3A, %mul3A_1 : i32
    "tpu.region"() ({
      %run_scoped3A = tpu.sem_alloc : memref<!tpu.dma_semaphore, #tpu.memory_space<semaphore_mem>>
      %dma_start3A_804 = tpu.memref_slice %arg2[%mul3A_2] : memref<16384xi32, #tpu.memory_space<hbm>> -> memref<512xi32, #tpu.memory_space<hbm>>
      %dma_start3A_805 = tpu.memref_slice %arg2[%mul3A_2] : memref<16384xi32, #tpu.memory_space<hbm>> -> memref<512xi32, #tpu.memory_space<hbm>>
      tpu.enqueue_dma source(%dma_start3A_805 : memref<512xi32, #tpu.memory_space<hbm>>) target(%arg13 : memref<512xi32, #tpu.memory_space<vmem>>) target_semaphore(%run_scoped3A : memref<!tpu.dma_semaphore, #tpu.memory_space<semaphore_mem>>)
      %dma_wait3A_806 = tpu.memref_slice %arg2[%mul3A_2] : memref<16384xi32, #tpu.memory_space<hbm>> -> memref<512xi32, #tpu.memory_space<hbm>>
      %dma_wait3A_807 = tpu.memref_slice %arg2[%mul3A_2] : memref<16384xi32, #tpu.memory_space<hbm>> -> memref<512xi32, #tpu.memory_space<hbm>>
      tpu.wait_dma2 semaphore(%run_scoped3A : memref<!tpu.dma_semaphore, #tpu.memory_space<semaphore_mem>>) src(%dma_wait3A_807 : memref<512xi32, #tpu.memory_space<hbm>>) dst(%arg13 : memref<512xi32, #tpu.memory_space<vmem>>)
      tpu.yield
    }) : () -> ()
    "tpu.region"() ({
      %run_scoped3A = tpu.sem_alloc : memref<!tpu.dma_semaphore, #tpu.memory_space<semaphore_mem>>
      %dma_start3A_804 = tpu.memref_slice %arg3[%mul3A_2] : memref<16384xi32, #tpu.memory_space<hbm>> -> memref<512xi32, #tpu.memory_space<hbm>>
      %dma_start3A_805 = tpu.memref_slice %arg3[%mul3A_2] : memref<16384xi32, #tpu.memory_space<hbm>> -> memref<512xi32, #tpu.memory_space<hbm>>
      tpu.enqueue_dma source(%dma_start3A_805 : memref<512xi32, #tpu.memory_space<hbm>>) target(%arg14 : memref<512xi32, #tpu.memory_space<vmem>>) target_semaphore(%run_scoped3A : memref<!tpu.dma_semaphore, #tpu.memory_space<semaphore_mem>>)
      %dma_wait3A_806 = tpu.memref_slice %arg3[%mul3A_2] : memref<16384xi32, #tpu.memory_space<hbm>> -> memref<512xi32, #tpu.memory_space<hbm>>
      %dma_wait3A_807 = tpu.memref_slice %arg3[%mul3A_2] : memref<16384xi32, #tpu.memory_space<hbm>> -> memref<512xi32, #tpu.memory_space<hbm>>
      tpu.wait_dma2 semaphore(%run_scoped3A : memref<!tpu.dma_semaphore, #tpu.memory_space<semaphore_mem>>) src(%dma_wait3A_807 : memref<512xi32, #tpu.memory_space<hbm>>) dst(%arg14 : memref<512xi32, #tpu.memory_space<vmem>>)
      tpu.yield
    }) : () -> ()
    tpu.enqueue_dma source(%arg8 : memref<32x64xf32, #tpu.memory_space<hbm>>) target(%arg23 : memref<32x64xf32, #tpu.memory_space<vmem>>) target_semaphore(%arg29 : memref<!tpu.dma_semaphore, #tpu.memory_space<semaphore_mem>>)
    tpu.enqueue_dma source(%arg9 : memref<32x64xf32, #tpu.memory_space<hbm>>) target(%arg24 : memref<32x64xf32, #tpu.memory_space<vmem>>) target_semaphore(%arg29 : memref<!tpu.dma_semaphore, #tpu.memory_space<semaphore_mem>>)
    tpu.enqueue_dma source(%arg10 : memref<64xf32, #tpu.memory_space<hbm>>) target(%arg25 : memref<64xf32, #tpu.memory_space<vmem>>) target_semaphore(%arg29 : memref<!tpu.dma_semaphore, #tpu.memory_space<semaphore_mem>>)
    tpu.enqueue_dma source(%arg11 : memref<64xf32, #tpu.memory_space<hbm>>) target(%arg26 : memref<64xf32, #tpu.memory_space<vmem>>) target_semaphore(%arg29 : memref<!tpu.dma_semaphore, #tpu.memory_space<semaphore_mem>>)
    %scan3A = arith.constant 0 : i32
    %scan3A_3 = arith.constant 0 : i32
    %scan3A_4 = arith.constant 32 : i32
    %scan3A_5 = arith.addi %scan3A_3, %scan3A_4 : i32
    %scan3A_6 = arith.constant 1 : i32
    scf.for %scan3A_804 = %scan3A_3 to %scan3A_5 step %scan3A_6  : i32 {
      %mul3A_805 = arith.constant 16 : i32
      %mul3A_806 = arith.muli %scan3A_804, %mul3A_805 : i32
      %get3A = arith.index_cast %mul3A_806 : i32 to index
      %get3A_807 = tpu.vector_load %arg13[%get3A] {strides = array<i32>} : memref<512xi32, #tpu.memory_space<vmem>>, vector<16xi32>,
      %min3A = arith.constant 999935 : i32
      %min3A_808 = vector.broadcast %min3A : i32 to vector<16xi32>
      %min3A_809 = arith.minsi %get3A_807, %min3A_808 : vector<16xi32>
      %shift_right_logical3A = arith.constant 7 : i32
      %shift_right_logical3A_810 = vector.broadcast %shift_right_logical3A : i32 to vector<16xi32>
      %shift_right_logical3A_811 = arith.shrui %min3A_809, %shift_right_logical3A_810 : vector<16xi32>
      %shift_left3A = arith.constant 10 : i32
      %shift_left3A_812 = vector.broadcast %shift_left3A : i32 to vector<16xi32>
      %shift_left3A_813 = arith.shli %shift_right_logical3A_811, %shift_left3A_812 : vector<16xi32>
      %shift_left3A_814 = arith.constant 7 : i32
      %shift_left3A_815 = vector.broadcast %shift_left3A_814 : i32 to vector<16xi32>
      %shift_left3A_816 = arith.shli %shift_right_logical3A_811, %shift_left3A_815 : vector<16xi32>
      %sub3A = arith.subi %min3A_809, %shift_left3A_816 : vector<16xi32>
      %add3A_817 = arith.addi %shift_left3A_813, %sub3A : vector<16xi32>
      %swap3A = arith.index_cast %mul3A_806 : i32 to index
      %swap3A_818 = tpu.vector_load %arg15[%swap3A] {strides = array<i32>} : memref<512xi32, #tpu.memory_space<vmem>>, vector<16xi32>,
      tpu.vector_store %arg15[%swap3A], %add3A_817 {strides = array<i32>} : memref<512xi32, #tpu.memory_space<vmem>>, vector<16xi32>,
      %swap3A_819 = arith.index_cast %mul3A_806 : i32 to index
      %swap3A_820 = tpu.vector_load %arg17[%swap3A_819] {strides = array<i32>} : memref<512xi32, #tpu.memory_space<vmem>>, vector<16xi32>,
      tpu.vector_store %arg17[%swap3A_819], %min3A_809 {strides = array<i32>} : memref<512xi32, #tpu.memory_space<vmem>>, vector<16xi32>,
      %get3A_821 = arith.index_cast %mul3A_806 : i32 to index
      %get3A_822 = tpu.vector_load %arg14[%get3A_821] {strides = array<i32>} : memref<512xi32, #tpu.memory_space<vmem>>, vector<16xi32>,
      %min3A_823 = arith.constant 999935 : i32
      %min3A_824 = vector.broadcast %min3A_823 : i32 to vector<16xi32>
      %min3A_825 = arith.minsi %get3A_822, %min3A_824 : vector<16xi32>
      %shift_right_logical3A_826 = arith.constant 7 : i32
      %shift_right_logical3A_827 = vector.broadcast %shift_right_logical3A_826 : i32 to vector<16xi32>
      %shift_right_logical3A_828 = arith.shrui %min3A_825, %shift_right_logical3A_827 : vector<16xi32>
      %shift_left3A_829 = arith.constant 10 : i32
      %shift_left3A_830 = vector.broadcast %shift_left3A_829 : i32 to vector<16xi32>
      %shift_left3A_831 = arith.shli %shift_right_logical3A_828, %shift_left3A_830 : vector<16xi32>
      %shift_left3A_832 = arith.constant 7 : i32
      %shift_left3A_833 = vector.broadcast %shift_left3A_832 : i32 to vector<16xi32>
      %shift_left3A_834 = arith.shli %shift_right_logical3A_828, %shift_left3A_833 : vector<16xi32>
      %sub3A_835 = arith.subi %min3A_825, %shift_left3A_834 : vector<16xi32>
      %add3A_836 = arith.addi %shift_left3A_831, %sub3A_835 : vector<16xi32>
      %swap3A_837 = arith.index_cast %mul3A_806 : i32 to index
      %swap3A_838 = tpu.vector_load %arg16[%swap3A_837] {strides = array<i32>} : memref<512xi32, #tpu.memory_space<vmem>>, vector<16xi32>,
      tpu.vector_store %arg16[%swap3A_837], %add3A_836 {strides = array<i32>} : memref<512xi32, #tpu.memory_space<vmem>>, vector<16xi32>,
      %swap3A_839 = arith.index_cast %mul3A_806 : i32 to index
      %swap3A_840 = tpu.vector_load %arg18[%swap3A_839] {strides = array<i32>} : memref<512xi32, #tpu.memory_space<vmem>>, vector<16xi32>,
      tpu.vector_store %arg18[%swap3A_839], %min3A_825 {strides = array<i32>} : memref<512xi32, #tpu.memory_space<vmem>>, vector<16xi32>,
    }
    %scan3A_7 = arith.constant 32 : i32
    %dma_start3A = arith.constant 0 : i32
    %dma_start3A_8 = arith.constant 0 : i32
    %dma_start3A_9 = tpu.memref_slice %arg6[%dma_start3A, %dma_start3A_8] : memref<1x1000000xf32, #tpu.memory_space<hbm>> -> memref<1x1000000xf32, #tpu.memory_space<hbm>>
    %dma_start3A_10 = tpu.memref_squeeze %dma_start3A_9 : memref<1x1000000xf32, #tpu.memory_space<hbm>> -> memref<1000000xf32, #tpu.memory_space<hbm>>
    %dma_start3A_11 = arith.constant 0 : i32
    %dma_start3A_12 = tpu.memref_slice %dma_start3A_10[%dma_start3A_11] : memref<1000000xf32, #tpu.memory_space<hbm>> -> memref<1000000xf32, #tpu.memory_space<hbm>>
    tpu.enqueue_indirect_dma source(%dma_start3A_12 : memref<1000000xf32, #tpu.memory_space<hbm>>) target(%arg21 : memref<512xf32, #tpu.memory_space<vmem>>) offsets(%arg13 : memref<512xi32, #tpu.memory_space<vmem>>) semaphore(%arg29 : memref<!tpu.dma_semaphore, #tpu.memory_space<semaphore_mem>>)
    %dma_start3A_13 = arith.constant 0 : i32
    %dma_start3A_14 = arith.constant 0 : i32
    %dma_start3A_15 = tpu.memref_slice %arg7[%dma_start3A_13, %dma_start3A_14] : memref<1x1000000xf32, #tpu.memory_space<hbm>> -> memref<1x1000000xf32, #tpu.memory_space<hbm>>
    %dma_start3A_16 = tpu.memref_squeeze %dma_start3A_15 : memref<1x1000000xf32, #tpu.memory_space<hbm>> -> memref<1000000xf32, #tpu.memory_space<hbm>>
    %dma_start3A_17 = arith.constant 0 : i32
    %dma_start3A_18 = tpu.memref_slice %dma_start3A_16[%dma_start3A_17] : memref<1000000xf32, #tpu.memory_space<hbm>> -> memref<1000000xf32, #tpu.memory_space<hbm>>
    tpu.enqueue_indirect_dma source(%dma_start3A_18 : memref<1000000xf32, #tpu.memory_space<hbm>>) target(%arg22 : memref<512xf32, #tpu.memory_space<vmem>>) offsets(%arg14 : memref<512xi32, #tpu.memory_space<vmem>>) semaphore(%arg29 : memref<!tpu.dma_semaphore, #tpu.memory_space<semaphore_mem>>)
    %dma_start3A_19 = arith.constant 0 : i32
    %dma_start3A_20 = tpu.memref_slice %arg19[%dma_start3A_19] : memref<16384xf32, #tpu.memory_space<vmem>> -> memref<512xf32, #tpu.memory_space<vmem>>
    %dma_start3A_21 = arith.constant 0 : i32
    %dma_start3A_22 = tpu.memref_slice %arg4[%dma_start3A_21] : memref<31997952xf32, #tpu.memory_space<hbm>> -> memref<7998592xf32, #tpu.memory_space<hbm>>
    %dma_start3A_23 = arith.constant 0 : i32
    %dma_start3A_24 = tpu.memref_slice %dma_start3A_22[%dma_start3A_23] : memref<7998592xf32, #tpu.memory_space<hbm>> -> memref<7998592xf32, #tpu.memory_space<hbm>>
    tpu.enqueue_indirect_dma source(%dma_start3A_24 : memref<7998592xf32, #tpu.memory_space<hbm>>) target(%dma_start3A_20 : memref<512xf32, #tpu.memory_space<vmem>>) offsets(%arg15 : memref<512xi32, #tpu.memory_space<vmem>>) semaphore(%arg28 : memref<!tpu.dma_semaphore, #tpu.memory_space<semaphore_mem>>)
    %dma_start3A_25 = arith.constant 0 : i32
    %dma_start3A_26 = tpu.memref_slice %arg20[%dma_start3A_25] : memref<16384xf32, #tpu.memory_space<vmem>> -> memref<512xf32, #tpu.memory_space<vmem>>
    %dma_start3A_27 = arith.constant 0 : i32
    %dma_start3A_28 = tpu.memref_slice %arg5[%dma_start3A_27] : memref<31997952xf32, #tpu.memory_space<hbm>> -> memref<7998592xf32, #tpu.memory_space<hbm>>
    %dma_start3A_29 = arith.constant 0 : i32
    %dma_start3A_30 = tpu.memref_slice %dma_start3A_28[%dma_start3A_29] : memref<7998592xf32, #tpu.memory_space<hbm>> -> memref<7998592xf32, #tpu.memory_space<hbm>>
    tpu.enqueue_indirect_dma source(%dma_start3A_30 : memref<7998592xf32, #tpu.memory_space<hbm>>) target(%dma_start3A_26 : memref<512xf32, #tpu.memory_space<vmem>>) offsets(%arg16 : memref<512xi32, #tpu.memory_space<vmem>>) semaphore(%arg28 : memref<!tpu.dma_semaphore, #tpu.memory_space<semaphore_mem>>)
    %dma_start3A_31 = arith.constant 512 : i32
    %dma_start3A_32 = tpu.memref_slice %arg19[%dma_start3A_31] : memref<16384xf32, #tpu.memory_space<vmem>> -> memref<512xf32, #tpu.memory_space<vmem>>
    %dma_start3A_33 = arith.constant 128 : i32
    %dma_start3A_34 = tpu.memref_slice %arg4[%dma_start3A_33] : memref<31997952xf32, #tpu.memory_space<hbm>> -> memref<7998592xf32, #tpu.memory_space<hbm>>
    %dma_start3A_35 = arith.constant 0 : i32
    %dma_start3A_36 = tpu.memref_slice %dma_start3A_34[%dma_start3A_35] : memref<7998592xf32, #tpu.memory_space<hbm>> -> memref<7998592xf32, #tpu.memory_space<hbm>>
    tpu.enqueue_indirect_dma source(%dma_start3A_36 : memref<7998592xf32, #tpu.memory_space<hbm>>) target(%dma_start3A_32 : memref<512xf32, #tpu.memory_space<vmem>>) offsets(%arg15 : memref<512xi32, #tpu.memory_space<vmem>>) semaphore(%arg28 : memref<!tpu.dma_semaphore, #tpu.memory_space<semaphore_mem>>)
    %dma_start3A_37 = arith.constant 512 : i32
    %dma_start3A_38 = tpu.memref_slice %arg20[%dma_start3A_37] : memref<16384xf32, #tpu.memory_space<vmem>> -> memref<512xf32, #tpu.memory_space<vmem>>
    %dma_start3A_39 = arith.constant 128 : i32
    %dma_start3A_40 = tpu.memref_slice %arg5[%dma_start3A_39] : memref<31997952xf32, #tpu.memory_space<hbm>> -> memref<7998592xf32, #tpu.memory_space<hbm>>
    %dma_start3A_41 = arith.constant 0 : i32
    %dma_start3A_42 = tpu.memref_slice %dma_start3A_40[%dma_start3A_41] : memref<7998592xf32, #tpu.memory_space<hbm>> -> memref<7998592xf32, #tpu.memory_space<hbm>>
    tpu.enqueue_indirect_dma source(%dma_start3A_42 : memref<7998592xf32, #tpu.memory_space<hbm>>) target(%dma_start3A_38 : memref<512xf32, #tpu.memory_space<vmem>>) offsets(%arg16 : memref<512xi32, #tpu.memory_space<vmem>>) semaphore(%arg28 : memref<!tpu.dma_semaphore, #tpu.memory_space<semaphore_mem>>)
    %dma_start3A_43 = arith.constant 1024 : i32
    %dma_start3A_44 = tpu.memref_slice %arg19[%dma_start3A_43] : memref<16384xf32, #tpu.memory_space<vmem>> -> memref<512xf32, #tpu.memory_space<vmem>>
    %dma_start3A_45 = arith.constant 256 : i32
    %dma_start3A_46 = tpu.memref_slice %arg4[%dma_start3A_45] : memref<31997952xf32, #tpu.memory_space<hbm>> -> memref<7998592xf32, #tpu.memory_space<hbm>>
    %dma_start3A_47 = arith.constant 0 : i32
    %dma_start3A_48 = tpu.memref_slice %dma_start3A_46[%dma_start3A_47] : memref<7998592xf32, #tpu.memory_space<hbm>> -> memref<7998592xf32, #tpu.memory_space<hbm>>
    tpu.enqueue_indirect_dma source(%dma_start3A_48 : memref<7998592xf32, #tpu.memory_space<hbm>>) target(%dma_start3A_44 : memref<512xf32, #tpu.memory_space<vmem>>) offsets(%arg15 : memref<512xi32, #tpu.memory_space<vmem>>) semaphore(%arg28 : memref<!tpu.dma_semaphore, #tpu.memory_space<semaphore_mem>>)
    %dma_start3A_49 = arith.constant 1024 : i32
    %dma_start3A_50 = tpu.memref_slice %arg20[%dma_start3A_49] : memref<16384xf32, #tpu.memory_space<vmem>> -> memref<512xf32, #tpu.memory_space<vmem>>
    %dma_start3A_51 = arith.constant 256 : i32
    %dma_start3A_52 = tpu.memref_slice %arg5[%dma_start3A_51] : memref<31997952xf32, #tpu.memory_space<hbm>> -> memref<7998592xf32, #tpu.memory_space<hbm>>
    %dma_start3A_53 = arith.constant 0 : i32
    %dma_start3A_54 = tpu.memref_slice %dma_start3A_52[%dma_start3A_53] : memref<7998592xf32, #tpu.memory_space<hbm>> -> memref<7998592xf32, #tpu.memory_space<hbm>>
    tpu.enqueue_indirect_dma source(%dma_start3A_54 : memref<7998592xf32, #tpu.memory_space<hbm>>) target(%dma_start3A_50 : memref<512xf32, #tpu.memory_space<vmem>>) offsets(%arg16 : memref<512xi32, #tpu.memory_space<vmem>>) semaphore(%arg28 : memref<!tpu.dma_semaphore, #tpu.memory_space<semaphore_mem>>)
    %dma_start3A_55 = arith.constant 1536 : i32
    %dma_start3A_56 = tpu.memref_slice %arg19[%dma_start3A_55] : memref<16384xf32, #tpu.memory_space<vmem>> -> memref<512xf32, #tpu.memory_space<vmem>>
    %dma_start3A_57 = arith.constant 384 : i32
    %dma_start3A_58 = tpu.memref_slice %arg4[%dma_start3A_57] : memref<31997952xf32, #tpu.memory_space<hbm>> -> memref<7998592xf32, #tpu.memory_space<hbm>>
    %dma_start3A_59 = arith.constant 0 : i32
    %dma_start3A_60 = tpu.memref_slice %dma_start3A_58[%dma_start3A_59] : memref<7998592xf32, #tpu.memory_space<hbm>> -> memref<7998592xf32, #tpu.memory_space<hbm>>
    tpu.enqueue_indirect_dma source(%dma_start3A_60 : memref<7998592xf32, #tpu.memory_space<hbm>>) target(%dma_start3A_56 : memref<512xf32, #tpu.memory_space<vmem>>) offsets(%arg15 : memref<512xi32, #tpu.memory_space<vmem>>) semaphore(%arg28 : memref<!tpu.dma_semaphore, #tpu.memory_space<semaphore_mem>>)
    %dma_start3A_61 = arith.constant 1536 : i32
    %dma_start3A_62 = tpu.memref_slice %arg20[%dma_start3A_61] : memref<16384xf32, #tpu.memory_space<vmem>> -> memref<512xf32, #tpu.memory_space<vmem>>
    %dma_start3A_63 = arith.constant 384 : i32
    %dma_start3A_64 = tpu.memref_slice %arg5[%dma_start3A_63] : memref<31997952xf32, #tpu.memory_space<hbm>> -> memref<7998592xf32, #tpu.memory_space<hbm>>
    %dma_start3A_65 = arith.constant 0 : i32
    %dma_start3A_66 = tpu.memref_slice %dma_start3A_64[%dma_start3A_65] : memref<7998592xf32, #tpu.memory_space<hbm>> -> memref<7998592xf32, #tpu.memory_space<hbm>>
    tpu.enqueue_indirect_dma source(%dma_start3A_66 : memref<7998592xf32, #tpu.memory_space<hbm>>) target(%dma_start3A_62 : memref<512xf32, #tpu.memory_space<vmem>>) offsets(%arg16 : memref<512xi32, #tpu.memory_space<vmem>>) semaphore(%arg28 : memref<!tpu.dma_semaphore, #tpu.memory_space<semaphore_mem>>)
    %dma_start3A_67 = arith.constant 2048 : i32
    %dma_start3A_68 = tpu.memref_slice %arg19[%dma_start3A_67] : memref<16384xf32, #tpu.memory_space<vmem>> -> memref<512xf32, #tpu.memory_space<vmem>>
    %dma_start3A_69 = arith.constant 512 : i32
    %dma_start3A_70 = tpu.memref_slice %arg4[%dma_start3A_69] : memref<31997952xf32, #tpu.memory_space<hbm>> -> memref<7998592xf32, #tpu.memory_space<hbm>>
    %dma_start3A_71 = arith.constant 0 : i32
    %dma_start3A_72 = tpu.memref_slice %dma_start3A_70[%dma_start3A_71] : memref<7998592xf32, #tpu.memory_space<hbm>> -> memref<7998592xf32, #tpu.memory_space<hbm>>
    tpu.enqueue_indirect_dma source(%dma_start3A_72 : memref<7998592xf32, #tpu.memory_space<hbm>>) target(%dma_start3A_68 : memref<512xf32, #tpu.memory_space<vmem>>) offsets(%arg15 : memref<512xi32, #tpu.memory_space<vmem>>) semaphore(%arg28 : memref<!tpu.dma_semaphore, #tpu.memory_space<semaphore_mem>>)
    %dma_start3A_73 = arith.constant 2048 : i32
    %dma_start3A_74 = tpu.memref_slice %arg20[%dma_start3A_73] : memref<16384xf32, #tpu.memory_space<vmem>> -> memref<512xf32, #tpu.memory_space<vmem>>
    %dma_start3A_75 = arith.constant 512 : i32
    %dma_start3A_76 = tpu.memref_slice %arg5[%dma_start3A_75] : memref<31997952xf32, #tpu.memory_space<hbm>> -> memref<7998592xf32, #tpu.memory_space<hbm>>
    %dma_start3A_77 = arith.constant 0 : i32
    %dma_start3A_78 = tpu.memref_slice %dma_start3A_76[%dma_start3A_77] : memref<7998592xf32, #tpu.memory_space<hbm>> -> memref<7998592xf32, #tpu.memory_space<hbm>>
    tpu.enqueue_indirect_dma source(%dma_start3A_78 : memref<7998592xf32, #tpu.memory_space<hbm>>) target(%dma_start3A_74 : memref<512xf32, #tpu.memory_space<vmem>>) offsets(%arg16 : memref<512xi32, #tpu.memory_space<vmem>>) semaphore(%arg28 : memref<!tpu.dma_semaphore, #tpu.memory_space<semaphore_mem>>)
    %dma_start3A_79 = arith.constant 2560 : i32
    %dma_start3A_80 = tpu.memref_slice %arg19[%dma_start3A_79] : memref<16384xf32, #tpu.memory_space<vmem>> -> memref<512xf32, #tpu.memory_space<vmem>>
    %dma_start3A_81 = arith.constant 640 : i32
    %dma_start3A_82 = tpu.memref_slice %arg4[%dma_start3A_81] : memref<31997952xf32, #tpu.memory_space<hbm>> -> memref<7998592xf32, #tpu.memory_space<hbm>>
    %dma_start3A_83 = arith.constant 0 : i32
    %dma_start3A_84 = tpu.memref_slice %dma_start3A_82[%dma_start3A_83] : memref<7998592xf32, #tpu.memory_space<hbm>> -> memref<7998592xf32, #tpu.memory_space<hbm>>
    tpu.enqueue_indirect_dma source(%dma_start3A_84 : memref<7998592xf32, #tpu.memory_space<hbm>>) target(%dma_start3A_80 : memref<512xf32, #tpu.memory_space<vmem>>) offsets(%arg15 : memref<512xi32, #tpu.memory_space<vmem>>) semaphore(%arg28 : memref<!tpu.dma_semaphore, #tpu.memory_space<semaphore_mem>>)
    %dma_start3A_85 = arith.constant 2560 : i32
    %dma_start3A_86 = tpu.memref_slice %arg20[%dma_start3A_85] : memref<16384xf32, #tpu.memory_space<vmem>> -> memref<512xf32, #tpu.memory_space<vmem>>
    %dma_start3A_87 = arith.constant 640 : i32
    %dma_start3A_88 = tpu.memref_slice %arg5[%dma_start3A_87] : memref<31997952xf32, #tpu.memory_space<hbm>> -> memref<7998592xf32, #tpu.memory_space<hbm>>
    %dma_start3A_89 = arith.constant 0 : i32
    %dma_start3A_90 = tpu.memref_slice %dma_start3A_88[%dma_start3A_89] : memref<7998592xf32, #tpu.memory_space<hbm>> -> memref<7998592xf32, #tpu.memory_space<hbm>>
    tpu.enqueue_indirect_dma source(%dma_start3A_90 : memref<7998592xf32, #tpu.memory_space<hbm>>) target(%dma_start3A_86 : memref<512xf32, #tpu.memory_space<vmem>>) offsets(%arg16 : memref<512xi32, #tpu.memory_space<vmem>>) semaphore(%arg28 : memref<!tpu.dma_semaphore, #tpu.memory_space<semaphore_mem>>)
    %dma_start3A_91 = arith.constant 3072 : i32
    %dma_start3A_92 = tpu.memref_slice %arg19[%dma_start3A_91] : memref<16384xf32, #tpu.memory_space<vmem>> -> memref<512xf32, #tpu.memory_space<vmem>>
    %dma_start3A_93 = arith.constant 768 : i32
    %dma_start3A_94 = tpu.memref_slice %arg4[%dma_start3A_93] : memref<31997952xf32, #tpu.memory_space<hbm>> -> memref<7998592xf32, #tpu.memory_space<hbm>>
    %dma_start3A_95 = arith.constant 0 : i32
    %dma_start3A_96 = tpu.memref_slice %dma_start3A_94[%dma_start3A_95] : memref<7998592xf32, #tpu.memory_space<hbm>> -> memref<7998592xf32, #tpu.memory_space<hbm>>
    tpu.enqueue_indirect_dma source(%dma_start3A_96 : memref<7998592xf32, #tpu.memory_space<hbm>>) target(%dma_start3A_92 : memref<512xf32, #tpu.memory_space<vmem>>) offsets(%arg15 : memref<512xi32, #tpu.memory_space<vmem>>) semaphore(%arg28 : memref<!tpu.dma_semaphore, #tpu.memory_space<semaphore_mem>>)
    %dma_start3A_97 = arith.constant 3072 : i32
    %dma_start3A_98 = tpu.memref_slice %arg20[%dma_start3A_97] : memref<16384xf32, #tpu.memory_space<vmem>> -> memref<512xf32, #tpu.memory_space<vmem>>
    %dma_start3A_99 = arith.constant 768 : i32
    %dma_start3A_100 = tpu.memref_slice %arg5[%dma_start3A_99] : memref<31997952xf32, #tpu.memory_space<hbm>> -> memref<7998592xf32, #tpu.memory_space<hbm>>
    %dma_start3A_101 = arith.constant 0 : i32
    %dma_start3A_102 = tpu.memref_slice %dma_start3A_100[%dma_start3A_101] : memref<7998592xf32, #tpu.memory_space<hbm>> -> memref<7998592xf32, #tpu.memory_space<hbm>>
    tpu.enqueue_indirect_dma source(%dma_start3A_102 : memref<7998592xf32, #tpu.memory_space<hbm>>) target(%dma_start3A_98 : memref<512xf32, #tpu.memory_space<vmem>>) offsets(%arg16 : memref<512xi32, #tpu.memory_space<vmem>>) semaphore(%arg28 : memref<!tpu.dma_semaphore, #tpu.memory_space<semaphore_mem>>)
    %dma_start3A_103 = arith.constant 3584 : i32
    %dma_start3A_104 = tpu.memref_slice %arg19[%dma_start3A_103] : memref<16384xf32, #tpu.memory_space<vmem>> -> memref<512xf32, #tpu.memory_space<vmem>>
    %dma_start3A_105 = arith.constant 896 : i32
    %dma_start3A_106 = tpu.memref_slice %arg4[%dma_start3A_105] : memref<31997952xf32, #tpu.memory_space<hbm>> -> memref<7998592xf32, #tpu.memory_space<hbm>>
    %dma_start3A_107 = arith.constant 0 : i32
    %dma_start3A_108 = tpu.memref_slice %dma_start3A_106[%dma_start3A_107] : memref<7998592xf32, #tpu.memory_space<hbm>> -> memref<7998592xf32, #tpu.memory_space<hbm>>
    tpu.enqueue_indirect_dma source(%dma_start3A_108 : memref<7998592xf32, #tpu.memory_space<hbm>>) target(%dma_start3A_104 : memref<512xf32, #tpu.memory_space<vmem>>) offsets(%arg15 : memref<512xi32, #tpu.memory_space<vmem>>) semaphore(%arg28 : memref<!tpu.dma_semaphore, #tpu.memory_space<semaphore_mem>>)
    %dma_start3A_109 = arith.constant 3584 : i32
    %dma_start3A_110 = tpu.memref_slice %arg20[%dma_start3A_109] : memref<16384xf32, #tpu.memory_space<vmem>> -> memref<512xf32, #tpu.memory_space<vmem>>
    %dma_start3A_111 = arith.constant 896 : i32
    %dma_start3A_112 = tpu.memref_slice %arg5[%dma_start3A_111] : memref<31997952xf32, #tpu.memory_space<hbm>> -> memref<7998592xf32, #tpu.memory_space<hbm>>
    %dma_start3A_113 = arith.constant 0 : i32
    %dma_start3A_114 = tpu.memref_slice %dma_start3A_112[%dma_start3A_113] : memref<7998592xf32, #tpu.memory_space<hbm>> -> memref<7998592xf32, #tpu.memory_space<hbm>>
    tpu.enqueue_indirect_dma source(%dma_start3A_114 : memref<7998592xf32, #tpu.memory_space<hbm>>) target(%dma_start3A_110 : memref<512xf32, #tpu.memory_space<vmem>>) offsets(%arg16 : memref<512xi32, #tpu.memory_space<vmem>>) semaphore(%arg28 : memref<!tpu.dma_semaphore, #tpu.memory_space<semaphore_mem>>)
    %dma_start3A_115 = arith.constant 4096 : i32
    %dma_start3A_116 = tpu.memref_slice %arg19[%dma_start3A_115] : memref<16384xf32, #tpu.memory_space<vmem>> -> memref<512xf32, #tpu.memory_space<vmem>>
    %dma_start3A_117 = arith.constant 7999488 : i32
    %dma_start3A_118 = tpu.memref_slice %arg4[%dma_start3A_117] : memref<31997952xf32, #tpu.memory_space<hbm>> -> memref<7998592xf32, #tpu.memory_space<hbm>>
    %dma_start3A_119 = arith.constant 0 : i32
    %dma_start3A_120 = tpu.memref_slice %dma_start3A_118[%dma_start3A_119] : memref<7998592xf32, #tpu.memory_space<hbm>> -> memref<7998592xf32, #tpu.memory_space<hbm>>
    tpu.enqueue_indirect_dma source(%dma_start3A_120 : memref<7998592xf32, #tpu.memory_space<hbm>>) target(%dma_start3A_116 : memref<512xf32, #tpu.memory_space<vmem>>) offsets(%arg15 : memref<512xi32, #tpu.memory_space<vmem>>) semaphore(%arg28 : memref<!tpu.dma_semaphore, #tpu.memory_space<semaphore_mem>>)
    %dma_start3A_121 = arith.constant 4096 : i32
    %dma_start3A_122 = tpu.memref_slice %arg20[%dma_start3A_121] : memref<16384xf32, #tpu.memory_space<vmem>> -> memref<512xf32, #tpu.memory_space<vmem>>
    %dma_start3A_123 = arith.constant 7999488 : i32
    %dma_start3A_124 = tpu.memref_slice %arg5[%dma_start3A_123] : memref<31997952xf32, #tpu.memory_space<hbm>> -> memref<7998592xf32, #tpu.memory_space<hbm>>
    %dma_start3A_125 = arith.constant 0 : i32
    %dma_start3A_126 = tpu.memref_slice %dma_start3A_124[%dma_start3A_125] : memref<7998592xf32, #tpu.memory_space<hbm>> -> memref<7998592xf32, #tpu.memory_space<hbm>>
    tpu.enqueue_indirect_dma source(%dma_start3A_126 : memref<7998592xf32, #tpu.memory_space<hbm>>) target(%dma_start3A_122 : memref<512xf32, #tpu.memory_space<vmem>>) offsets(%arg16 : memref<512xi32, #tpu.memory_space<vmem>>) semaphore(%arg28 : memref<!tpu.dma_semaphore, #tpu.memory_space<semaphore_mem>>)
    %dma_start3A_127 = arith.constant 4608 : i32
    %dma_start3A_128 = tpu.memref_slice %arg19[%dma_start3A_127] : memref<16384xf32, #tpu.memory_space<vmem>> -> memref<512xf32, #tpu.memory_space<vmem>>
    %dma_start3A_129 = arith.constant 7999616 : i32
    %dma_start3A_130 = tpu.memref_slice %arg4[%dma_start3A_129] : memref<31997952xf32, #tpu.memory_space<hbm>> -> memref<7998592xf32, #tpu.memory_space<hbm>>
    %dma_start3A_131 = arith.constant 0 : i32
    %dma_start3A_132 = tpu.memref_slice %dma_start3A_130[%dma_start3A_131] : memref<7998592xf32, #tpu.memory_space<hbm>> -> memref<7998592xf32, #tpu.memory_space<hbm>>
    tpu.enqueue_indirect_dma source(%dma_start3A_132 : memref<7998592xf32, #tpu.memory_space<hbm>>) target(%dma_start3A_128 : memref<512xf32, #tpu.memory_space<vmem>>) offsets(%arg15 : memref<512xi32, #tpu.memory_space<vmem>>) semaphore(%arg28 : memref<!tpu.dma_semaphore, #tpu.memory_space<semaphore_mem>>)
    %dma_start3A_133 = arith.constant 4608 : i32
    %dma_start3A_134 = tpu.memref_slice %arg20[%dma_start3A_133] : memref<16384xf32, #tpu.memory_space<vmem>> -> memref<512xf32, #tpu.memory_space<vmem>>
    %dma_start3A_135 = arith.constant 7999616 : i32
    %dma_start3A_136 = tpu.memref_slice %arg5[%dma_start3A_135] : memref<31997952xf32, #tpu.memory_space<hbm>> -> memref<7998592xf32, #tpu.memory_space<hbm>>
    %dma_start3A_137 = arith.constant 0 : i32
    %dma_start3A_138 = tpu.memref_slice %dma_start3A_136[%dma_start3A_137] : memref<7998592xf32, #tpu.memory_space<hbm>> -> memref<7998592xf32, #tpu.memory_space<hbm>>
    tpu.enqueue_indirect_dma source(%dma_start3A_138 : memref<7998592xf32, #tpu.memory_space<hbm>>) target(%dma_start3A_134 : memref<512xf32, #tpu.memory_space<vmem>>) offsets(%arg16 : memref<512xi32, #tpu.memory_space<vmem>>) semaphore(%arg28 : memref<!tpu.dma_semaphore, #tpu.memory_space<semaphore_mem>>)
    %dma_start3A_139 = arith.constant 5120 : i32
    %dma_start3A_140 = tpu.memref_slice %arg19[%dma_start3A_139] : memref<16384xf32, #tpu.memory_space<vmem>> -> memref<512xf32, #tpu.memory_space<vmem>>
    %dma_start3A_141 = arith.constant 7999744 : i32
    %dma_start3A_142 = tpu.memref_slice %arg4[%dma_start3A_141] : memref<31997952xf32, #tpu.memory_space<hbm>> -> memref<7998592xf32, #tpu.memory_space<hbm>>
    %dma_start3A_143 = arith.constant 0 : i32
    %dma_start3A_144 = tpu.memref_slice %dma_start3A_142[%dma_start3A_143] : memref<7998592xf32, #tpu.memory_space<hbm>> -> memref<7998592xf32, #tpu.memory_space<hbm>>
    tpu.enqueue_indirect_dma source(%dma_start3A_144 : memref<7998592xf32, #tpu.memory_space<hbm>>) target(%dma_start3A_140 : memref<512xf32, #tpu.memory_space<vmem>>) offsets(%arg15 : memref<512xi32, #tpu.memory_space<vmem>>) semaphore(%arg28 : memref<!tpu.dma_semaphore, #tpu.memory_space<semaphore_mem>>)
    %dma_start3A_145 = arith.constant 5120 : i32
    %dma_start3A_146 = tpu.memref_slice %arg20[%dma_start3A_145] : memref<16384xf32, #tpu.memory_space<vmem>> -> memref<512xf32, #tpu.memory_space<vmem>>
    %dma_start3A_147 = arith.constant 7999744 : i32
    %dma_start3A_148 = tpu.memref_slice %arg5[%dma_start3A_147] : memref<31997952xf32, #tpu.memory_space<hbm>> -> memref<7998592xf32, #tpu.memory_space<hbm>>
    %dma_start3A_149 = arith.constant 0 : i32
    %dma_start3A_150 = tpu.memref_slice %dma_start3A_148[%dma_start3A_149] : memref<7998592xf32, #tpu.memory_space<hbm>> -> memref<7998592xf32, #tpu.memory_space<hbm>>
    tpu.enqueue_indirect_dma source(%dma_start3A_150 : memref<7998592xf32, #tpu.memory_space<hbm>>) target(%dma_start3A_146 : memref<512xf32, #tpu.memory_space<vmem>>) offsets(%arg16 : memref<512xi32, #tpu.memory_space<vmem>>) semaphore(%arg28 : memref<!tpu.dma_semaphore, #tpu.memory_space<semaphore_mem>>)
    %dma_start3A_151 = arith.constant 5632 : i32
    %dma_start3A_152 = tpu.memref_slice %arg19[%dma_start3A_151] : memref<16384xf32, #tpu.memory_space<vmem>> -> memref<512xf32, #tpu.memory_space<vmem>>
    %dma_start3A_153 = arith.constant 7999872 : i32
    %dma_start3A_154 = tpu.memref_slice %arg4[%dma_start3A_153] : memref<31997952xf32, #tpu.memory_space<hbm>> -> memref<7998592xf32, #tpu.memory_space<hbm>>
    %dma_start3A_155 = arith.constant 0 : i32
    %dma_start3A_156 = tpu.memref_slice %dma_start3A_154[%dma_start3A_155] : memref<7998592xf32, #tpu.memory_space<hbm>> -> memref<7998592xf32, #tpu.memory_space<hbm>>
    tpu.enqueue_indirect_dma source(%dma_start3A_156 : memref<7998592xf32, #tpu.memory_space<hbm>>) target(%dma_start3A_152 : memref<512xf32, #tpu.memory_space<vmem>>) offsets(%arg15 : memref<512xi32, #tpu.memory_space<vmem>>) semaphore(%arg28 : memref<!tpu.dma_semaphore, #tpu.memory_space<semaphore_mem>>)
    %dma_start3A_157 = arith.constant 5632 : i32
    %dma_start3A_158 = tpu.memref_slice %arg20[%dma_start3A_157] : memref<16384xf32, #tpu.memory_space<vmem>> -> memref<512xf32, #tpu.memory_space<vmem>>
    %dma_start3A_159 = arith.constant 7999872 : i32
    %dma_start3A_160 = tpu.memref_slice %arg5[%dma_start3A_159] : memref<31997952xf32, #tpu.memory_space<hbm>> -> memref<7998592xf32, #tpu.memory_space<hbm>>
    %dma_start3A_161 = arith.constant 0 : i32
    %dma_start3A_162 = tpu.memref_slice %dma_start3A_160[%dma_start3A_161] : memref<7998592xf32, #tpu.memory_space<hbm>> -> memref<7998592xf32, #tpu.memory_space<hbm>>
    tpu.enqueue_indirect_dma source(%dma_start3A_162 : memref<7998592xf32, #tpu.memory_space<hbm>>) target(%dma_start3A_158 : memref<512xf32, #tpu.memory_space<vmem>>) offsets(%arg16 : memref<512xi32, #tpu.memory_space<vmem>>) semaphore(%arg28 : memref<!tpu.dma_semaphore, #tpu.memory_space<semaphore_mem>>)
    %dma_start3A_163 = arith.constant 6144 : i32
    %dma_start3A_164 = tpu.memref_slice %arg19[%dma_start3A_163] : memref<16384xf32, #tpu.memory_space<vmem>> -> memref<512xf32, #tpu.memory_space<vmem>>
    %dma_start3A_165 = arith.constant 8000000 : i32
    %dma_start3A_166 = tpu.memref_slice %arg4[%dma_start3A_165] : memref<31997952xf32, #tpu.memory_space<hbm>> -> memref<7998592xf32, #tpu.memory_space<hbm>>
    %dma_start3A_167 = arith.constant 0 : i32
    %dma_start3A_168 = tpu.memref_slice %dma_start3A_166[%dma_start3A_167] : memref<7998592xf32, #tpu.memory_space<hbm>> -> memref<7998592xf32, #tpu.memory_space<hbm>>
    tpu.enqueue_indirect_dma source(%dma_start3A_168 : memref<7998592xf32, #tpu.memory_space<hbm>>) target(%dma_start3A_164 : memref<512xf32, #tpu.memory_space<vmem>>) offsets(%arg15 : memref<512xi32, #tpu.memory_space<vmem>>) semaphore(%arg28 : memref<!tpu.dma_semaphore, #tpu.memory_space<semaphore_mem>>)
    %dma_start3A_169 = arith.constant 6144 : i32
    %dma_start3A_170 = tpu.memref_slice %arg20[%dma_start3A_169] : memref<16384xf32, #tpu.memory_space<vmem>> -> memref<512xf32, #tpu.memory_space<vmem>>
    %dma_start3A_171 = arith.constant 8000000 : i32
    %dma_start3A_172 = tpu.memref_slice %arg5[%dma_start3A_171] : memref<31997952xf32, #tpu.memory_space<hbm>> -> memref<7998592xf32, #tpu.memory_space<hbm>>
    %dma_start3A_173 = arith.constant 0 : i32
    %dma_start3A_174 = tpu.memref_slice %dma_start3A_172[%dma_start3A_173] : memref<7998592xf32, #tpu.memory_space<hbm>> -> memref<7998592xf32, #tpu.memory_space<hbm>>
    tpu.enqueue_indirect_dma source(%dma_start3A_174 : memref<7998592xf32, #tpu.memory_space<hbm>>) target(%dma_start3A_170 : memref<512xf32, #tpu.memory_space<vmem>>) offsets(%arg16 : memref<512xi32, #tpu.memory_space<vmem>>) semaphore(%arg28 : memref<!tpu.dma_semaphore, #tpu.memory_space<semaphore_mem>>)
    %dma_start3A_175 = arith.constant 6656 : i32
    %dma_start3A_176 = tpu.memref_slice %arg19[%dma_start3A_175] : memref<16384xf32, #tpu.memory_space<vmem>> -> memref<512xf32, #tpu.memory_space<vmem>>
    %dma_start3A_177 = arith.constant 8000128 : i32
    %dma_start3A_178 = tpu.memref_slice %arg4[%dma_start3A_177] : memref<31997952xf32, #tpu.memory_space<hbm>> -> memref<7998592xf32, #tpu.memory_space<hbm>>
    %dma_start3A_179 = arith.constant 0 : i32
    %dma_start3A_180 = tpu.memref_slice %dma_start3A_178[%dma_start3A_179] : memref<7998592xf32, #tpu.memory_space<hbm>> -> memref<7998592xf32, #tpu.memory_space<hbm>>
    tpu.enqueue_indirect_dma source(%dma_start3A_180 : memref<7998592xf32, #tpu.memory_space<hbm>>) target(%dma_start3A_176 : memref<512xf32, #tpu.memory_space<vmem>>) offsets(%arg15 : memref<512xi32, #tpu.memory_space<vmem>>) semaphore(%arg28 : memref<!tpu.dma_semaphore, #tpu.memory_space<semaphore_mem>>)
    %dma_start3A_181 = arith.constant 6656 : i32
    %dma_start3A_182 = tpu.memref_slice %arg20[%dma_start3A_181] : memref<16384xf32, #tpu.memory_space<vmem>> -> memref<512xf32, #tpu.memory_space<vmem>>
    %dma_start3A_183 = arith.constant 8000128 : i32
    %dma_start3A_184 = tpu.memref_slice %arg5[%dma_start3A_183] : memref<31997952xf32, #tpu.memory_space<hbm>> -> memref<7998592xf32, #tpu.memory_space<hbm>>
    %dma_start3A_185 = arith.constant 0 : i32
    %dma_start3A_186 = tpu.memref_slice %dma_start3A_184[%dma_start3A_185] : memref<7998592xf32, #tpu.memory_space<hbm>> -> memref<7998592xf32, #tpu.memory_space<hbm>>
    tpu.enqueue_indirect_dma source(%dma_start3A_186 : memref<7998592xf32, #tpu.memory_space<hbm>>) target(%dma_start3A_182 : memref<512xf32, #tpu.memory_space<vmem>>) offsets(%arg16 : memref<512xi32, #tpu.memory_space<vmem>>) semaphore(%arg28 : memref<!tpu.dma_semaphore, #tpu.memory_space<semaphore_mem>>)
    %dma_start3A_187 = arith.constant 7168 : i32
    %dma_start3A_188 = tpu.memref_slice %arg19[%dma_start3A_187] : memref<16384xf32, #tpu.memory_space<vmem>> -> memref<512xf32, #tpu.memory_space<vmem>>
    %dma_start3A_189 = arith.constant 8000256 : i32
    %dma_start3A_190 = tpu.memref_slice %arg4[%dma_start3A_189] : memref<31997952xf32, #tpu.memory_space<hbm>> -> memref<7998592xf32, #tpu.memory_space<hbm>>
    %dma_start3A_191 = arith.constant 0 : i32
    %dma_start3A_192 = tpu.memref_slice %dma_start3A_190[%dma_start3A_191] : memref<7998592xf32, #tpu.memory_space<hbm>> -> memref<7998592xf32, #tpu.memory_space<hbm>>
    tpu.enqueue_indirect_dma source(%dma_start3A_192 : memref<7998592xf32, #tpu.memory_space<hbm>>) target(%dma_start3A_188 : memref<512xf32, #tpu.memory_space<vmem>>) offsets(%arg15 : memref<512xi32, #tpu.memory_space<vmem>>) semaphore(%arg28 : memref<!tpu.dma_semaphore, #tpu.memory_space<semaphore_mem>>)
    %dma_start3A_193 = arith.constant 7168 : i32
    %dma_start3A_194 = tpu.memref_slice %arg20[%dma_start3A_193] : memref<16384xf32, #tpu.memory_space<vmem>> -> memref<512xf32, #tpu.memory_space<vmem>>
    %dma_start3A_195 = arith.constant 8000256 : i32
    %dma_start3A_196 = tpu.memref_slice %arg5[%dma_start3A_195] : memref<31997952xf32, #tpu.memory_space<hbm>> -> memref<7998592xf32, #tpu.memory_space<hbm>>
    %dma_start3A_197 = arith.constant 0 : i32
    %dma_start3A_198 = tpu.memref_slice %dma_start3A_196[%dma_start3A_197] : memref<7998592xf32, #tpu.memory_space<hbm>> -> memref<7998592xf32, #tpu.memory_space<hbm>>
    tpu.enqueue_indirect_dma source(%dma_start3A_198 : memref<7998592xf32, #tpu.memory_space<hbm>>) target(%dma_start3A_194 : memref<512xf32, #tpu.memory_space<vmem>>) offsets(%arg16 : memref<512xi32, #tpu.memory_space<vmem>>) semaphore(%arg28 : memref<!tpu.dma_semaphore, #tpu.memory_space<semaphore_mem>>)
    %dma_start3A_199 = arith.constant 7680 : i32
    %dma_start3A_200 = tpu.memref_slice %arg19[%dma_start3A_199] : memref<16384xf32, #tpu.memory_space<vmem>> -> memref<512xf32, #tpu.memory_space<vmem>>
    %dma_start3A_201 = arith.constant 8000384 : i32
    %dma_start3A_202 = tpu.memref_slice %arg4[%dma_start3A_201] : memref<31997952xf32, #tpu.memory_space<hbm>> -> memref<7998592xf32, #tpu.memory_space<hbm>>
    %dma_start3A_203 = arith.constant 0 : i32
    %dma_start3A_204 = tpu.memref_slice %dma_start3A_202[%dma_start3A_203] : memref<7998592xf32, #tpu.memory_space<hbm>> -> memref<7998592xf32, #tpu.memory_space<hbm>>
    tpu.enqueue_indirect_dma source(%dma_start3A_204 : memref<7998592xf32, #tpu.memory_space<hbm>>) target(%dma_start3A_200 : memref<512xf32, #tpu.memory_space<vmem>>) offsets(%arg15 : memref<512xi32, #tpu.memory_space<vmem>>) semaphore(%arg28 : memref<!tpu.dma_semaphore, #tpu.memory_space<semaphore_mem>>)
    %dma_start3A_205 = arith.constant 7680 : i32
    %dma_start3A_206 = tpu.memref_slice %arg20[%dma_start3A_205] : memref<16384xf32, #tpu.memory_space<vmem>> -> memref<512xf32, #tpu.memory_space<vmem>>
    %dma_start3A_207 = arith.constant 8000384 : i32
    %dma_start3A_208 = tpu.memref_slice %arg5[%dma_start3A_207] : memref<31997952xf32, #tpu.memory_space<hbm>> -> memref<7998592xf32, #tpu.memory_space<hbm>>
    %dma_start3A_209 = arith.constant 0 : i32
    %dma_start3A_210 = tpu.memref_slice %dma_start3A_208[%dma_start3A_209] : memref<7998592xf32, #tpu.memory_space<hbm>> -> memref<7998592xf32, #tpu.memory_space<hbm>>
    tpu.enqueue_indirect_dma source(%dma_start3A_210 : memref<7998592xf32, #tpu.memory_space<hbm>>) target(%dma_start3A_206 : memref<512xf32, #tpu.memory_space<vmem>>) offsets(%arg16 : memref<512xi32, #tpu.memory_space<vmem>>) semaphore(%arg28 : memref<!tpu.dma_semaphore, #tpu.memory_space<semaphore_mem>>)
    %dma_start3A_211 = arith.constant 8192 : i32
    %dma_start3A_212 = tpu.memref_slice %arg19[%dma_start3A_211] : memref<16384xf32, #tpu.memory_space<vmem>> -> memref<512xf32, #tpu.memory_space<vmem>>
    %dma_start3A_213 = arith.constant 15998976 : i32
    %dma_start3A_214 = tpu.memref_slice %arg4[%dma_start3A_213] : memref<31997952xf32, #tpu.memory_space<hbm>> -> memref<7998592xf32, #tpu.memory_space<hbm>>
    %dma_start3A_215 = arith.constant 0 : i32
    %dma_start3A_216 = tpu.memref_slice %dma_start3A_214[%dma_start3A_215] : memref<7998592xf32, #tpu.memory_space<hbm>> -> memref<7998592xf32, #tpu.memory_space<hbm>>
    tpu.enqueue_indirect_dma source(%dma_start3A_216 : memref<7998592xf32, #tpu.memory_space<hbm>>) target(%dma_start3A_212 : memref<512xf32, #tpu.memory_space<vmem>>) offsets(%arg15 : memref<512xi32, #tpu.memory_space<vmem>>) semaphore(%arg28 : memref<!tpu.dma_semaphore, #tpu.memory_space<semaphore_mem>>)
    %dma_start3A_217 = arith.constant 8192 : i32
    %dma_start3A_218 = tpu.memref_slice %arg20[%dma_start3A_217] : memref<16384xf32, #tpu.memory_space<vmem>> -> memref<512xf32, #tpu.memory_space<vmem>>
    %dma_start3A_219 = arith.constant 15998976 : i32
    %dma_start3A_220 = tpu.memref_slice %arg5[%dma_start3A_219] : memref<31997952xf32, #tpu.memory_space<hbm>> -> memref<7998592xf32, #tpu.memory_space<hbm>>
    %dma_start3A_221 = arith.constant 0 : i32
    %dma_start3A_222 = tpu.memref_slice %dma_start3A_220[%dma_start3A_221] : memref<7998592xf32, #tpu.memory_space<hbm>> -> memref<7998592xf32, #tpu.memory_space<hbm>>
    tpu.enqueue_indirect_dma source(%dma_start3A_222 : memref<7998592xf32, #tpu.memory_space<hbm>>) target(%dma_start3A_218 : memref<512xf32, #tpu.memory_space<vmem>>) offsets(%arg16 : memref<512xi32, #tpu.memory_space<vmem>>) semaphore(%arg28 : memref<!tpu.dma_semaphore, #tpu.memory_space<semaphore_mem>>)
    %dma_start3A_223 = arith.constant 8704 : i32
    %dma_start3A_224 = tpu.memref_slice %arg19[%dma_start3A_223] : memref<16384xf32, #tpu.memory_space<vmem>> -> memref<512xf32, #tpu.memory_space<vmem>>
    %dma_start3A_225 = arith.constant 15999104 : i32
    %dma_start3A_226 = tpu.memref_slice %arg4[%dma_start3A_225] : memref<31997952xf32, #tpu.memory_space<hbm>> -> memref<7998592xf32, #tpu.memory_space<hbm>>
    %dma_start3A_227 = arith.constant 0 : i32
    %dma_start3A_228 = tpu.memref_slice %dma_start3A_226[%dma_start3A_227] : memref<7998592xf32, #tpu.memory_space<hbm>> -> memref<7998592xf32, #tpu.memory_space<hbm>>
    tpu.enqueue_indirect_dma source(%dma_start3A_228 : memref<7998592xf32, #tpu.memory_space<hbm>>) target(%dma_start3A_224 : memref<512xf32, #tpu.memory_space<vmem>>) offsets(%arg15 : memref<512xi32, #tpu.memory_space<vmem>>) semaphore(%arg28 : memref<!tpu.dma_semaphore, #tpu.memory_space<semaphore_mem>>)
    %dma_start3A_229 = arith.constant 8704 : i32
    %dma_start3A_230 = tpu.memref_slice %arg20[%dma_start3A_229] : memref<16384xf32, #tpu.memory_space<vmem>> -> memref<512xf32, #tpu.memory_space<vmem>>
    %dma_start3A_231 = arith.constant 15999104 : i32
    %dma_start3A_232 = tpu.memref_slice %arg5[%dma_start3A_231] : memref<31997952xf32, #tpu.memory_space<hbm>> -> memref<7998592xf32, #tpu.memory_space<hbm>>
    %dma_start3A_233 = arith.constant 0 : i32
    %dma_start3A_234 = tpu.memref_slice %dma_start3A_232[%dma_start3A_233] : memref<7998592xf32, #tpu.memory_space<hbm>> -> memref<7998592xf32, #tpu.memory_space<hbm>>
    tpu.enqueue_indirect_dma source(%dma_start3A_234 : memref<7998592xf32, #tpu.memory_space<hbm>>) target(%dma_start3A_230 : memref<512xf32, #tpu.memory_space<vmem>>) offsets(%arg16 : memref<512xi32, #tpu.memory_space<vmem>>) semaphore(%arg28 : memref<!tpu.dma_semaphore, #tpu.memory_space<semaphore_mem>>)
    %dma_start3A_235 = arith.constant 9216 : i32
    %dma_start3A_236 = tpu.memref_slice %arg19[%dma_start3A_235] : memref<16384xf32, #tpu.memory_space<vmem>> -> memref<512xf32, #tpu.memory_space<vmem>>
    %dma_start3A_237 = arith.constant 15999232 : i32
    %dma_start3A_238 = tpu.memref_slice %arg4[%dma_start3A_237] : memref<31997952xf32, #tpu.memory_space<hbm>> -> memref<7998592xf32, #tpu.memory_space<hbm>>
    %dma_start3A_239 = arith.constant 0 : i32
    %dma_start3A_240 = tpu.memref_slice %dma_start3A_238[%dma_start3A_239] : memref<7998592xf32, #tpu.memory_space<hbm>> -> memref<7998592xf32, #tpu.memory_space<hbm>>
    tpu.enqueue_indirect_dma source(%dma_start3A_240 : memref<7998592xf32, #tpu.memory_space<hbm>>) target(%dma_start3A_236 : memref<512xf32, #tpu.memory_space<vmem>>) offsets(%arg15 : memref<512xi32, #tpu.memory_space<vmem>>) semaphore(%arg28 : memref<!tpu.dma_semaphore, #tpu.memory_space<semaphore_mem>>)
    %dma_start3A_241 = arith.constant 9216 : i32
    %dma_start3A_242 = tpu.memref_slice %arg20[%dma_start3A_241] : memref<16384xf32, #tpu.memory_space<vmem>> -> memref<512xf32, #tpu.memory_space<vmem>>
    %dma_start3A_243 = arith.constant 15999232 : i32
    %dma_start3A_244 = tpu.memref_slice %arg5[%dma_start3A_243] : memref<31997952xf32, #tpu.memory_space<hbm>> -> memref<7998592xf32, #tpu.memory_space<hbm>>
    %dma_start3A_245 = arith.constant 0 : i32
    %dma_start3A_246 = tpu.memref_slice %dma_start3A_244[%dma_start3A_245] : memref<7998592xf32, #tpu.memory_space<hbm>> -> memref<7998592xf32, #tpu.memory_space<hbm>>
    tpu.enqueue_indirect_dma source(%dma_start3A_246 : memref<7998592xf32, #tpu.memory_space<hbm>>) target(%dma_start3A_242 : memref<512xf32, #tpu.memory_space<vmem>>) offsets(%arg16 : memref<512xi32, #tpu.memory_space<vmem>>) semaphore(%arg28 : memref<!tpu.dma_semaphore, #tpu.memory_space<semaphore_mem>>)
    %dma_start3A_247 = arith.constant 9728 : i32
    %dma_start3A_248 = tpu.memref_slice %arg19[%dma_start3A_247] : memref<16384xf32, #tpu.memory_space<vmem>> -> memref<512xf32, #tpu.memory_space<vmem>>
    %dma_start3A_249 = arith.constant 15999360 : i32
    %dma_start3A_250 = tpu.memref_slice %arg4[%dma_start3A_249] : memref<31997952xf32, #tpu.memory_space<hbm>> -> memref<7998592xf32, #tpu.memory_space<hbm>>
    %dma_start3A_251 = arith.constant 0 : i32
    %dma_start3A_252 = tpu.memref_slice %dma_start3A_250[%dma_start3A_251] : memref<7998592xf32, #tpu.memory_space<hbm>> -> memref<7998592xf32, #tpu.memory_space<hbm>>
    tpu.enqueue_indirect_dma source(%dma_start3A_252 : memref<7998592xf32, #tpu.memory_space<hbm>>) target(%dma_start3A_248 : memref<512xf32, #tpu.memory_space<vmem>>) offsets(%arg15 : memref<512xi32, #tpu.memory_space<vmem>>) semaphore(%arg28 : memref<!tpu.dma_semaphore, #tpu.memory_space<semaphore_mem>>)
    %dma_start3A_253 = arith.constant 9728 : i32
    %dma_start3A_254 = tpu.memref_slice %arg20[%dma_start3A_253] : memref<16384xf32, #tpu.memory_space<vmem>> -> memref<512xf32, #tpu.memory_space<vmem>>
    %dma_start3A_255 = arith.constant 15999360 : i32
    %dma_start3A_256 = tpu.memref_slice %arg5[%dma_start3A_255] : memref<31997952xf32, #tpu.memory_space<hbm>> -> memref<7998592xf32, #tpu.memory_space<hbm>>
    %dma_start3A_257 = arith.constant 0 : i32
    %dma_start3A_258 = tpu.memref_slice %dma_start3A_256[%dma_start3A_257] : memref<7998592xf32, #tpu.memory_space<hbm>> -> memref<7998592xf32, #tpu.memory_space<hbm>>
    tpu.enqueue_indirect_dma source(%dma_start3A_258 : memref<7998592xf32, #tpu.memory_space<hbm>>) target(%dma_start3A_254 : memref<512xf32, #tpu.memory_space<vmem>>) offsets(%arg16 : memref<512xi32, #tpu.memory_space<vmem>>) semaphore(%arg28 : memref<!tpu.dma_semaphore, #tpu.memory_space<semaphore_mem>>)
    %dma_start3A_259 = arith.constant 10240 : i32
    %dma_start3A_260 = tpu.memref_slice %arg19[%dma_start3A_259] : memref<16384xf32, #tpu.memory_space<vmem>> -> memref<512xf32, #tpu.memory_space<vmem>>
    %dma_start3A_261 = arith.constant 15999488 : i32
    %dma_start3A_262 = tpu.memref_slice %arg4[%dma_start3A_261] : memref<31997952xf32, #tpu.memory_space<hbm>> -> memref<7998592xf32, #tpu.memory_space<hbm>>
    %dma_start3A_263 = arith.constant 0 : i32
    %dma_start3A_264 = tpu.memref_slice %dma_start3A_262[%dma_start3A_263] : memref<7998592xf32, #tpu.memory_space<hbm>> -> memref<7998592xf32, #tpu.memory_space<hbm>>
    tpu.enqueue_indirect_dma source(%dma_start3A_264 : memref<7998592xf32, #tpu.memory_space<hbm>>) target(%dma_start3A_260 : memref<512xf32, #tpu.memory_space<vmem>>) offsets(%arg15 : memref<512xi32, #tpu.memory_space<vmem>>) semaphore(%arg28 : memref<!tpu.dma_semaphore, #tpu.memory_space<semaphore_mem>>)
    %dma_start3A_265 = arith.constant 10240 : i32
    %dma_start3A_266 = tpu.memref_slice %arg20[%dma_start3A_265] : memref<16384xf32, #tpu.memory_space<vmem>> -> memref<512xf32, #tpu.memory_space<vmem>>
    %dma_start3A_267 = arith.constant 15999488 : i32
    %dma_start3A_268 = tpu.memref_slice %arg5[%dma_start3A_267] : memref<31997952xf32, #tpu.memory_space<hbm>> -> memref<7998592xf32, #tpu.memory_space<hbm>>
    %dma_start3A_269 = arith.constant 0 : i32
    %dma_start3A_270 = tpu.memref_slice %dma_start3A_268[%dma_start3A_269] : memref<7998592xf32, #tpu.memory_space<hbm>> -> memref<7998592xf32, #tpu.memory_space<hbm>>
    tpu.enqueue_indirect_dma source(%dma_start3A_270 : memref<7998592xf32, #tpu.memory_space<hbm>>) target(%dma_start3A_266 : memref<512xf32, #tpu.memory_space<vmem>>) offsets(%arg16 : memref<512xi32, #tpu.memory_space<vmem>>) semaphore(%arg28 : memref<!tpu.dma_semaphore, #tpu.memory_space<semaphore_mem>>)
    %dma_start3A_271 = arith.constant 10752 : i32
    %dma_start3A_272 = tpu.memref_slice %arg19[%dma_start3A_271] : memref<16384xf32, #tpu.memory_space<vmem>> -> memref<512xf32, #tpu.memory_space<vmem>>
    %dma_start3A_273 = arith.constant 15999616 : i32
    %dma_start3A_274 = tpu.memref_slice %arg4[%dma_start3A_273] : memref<31997952xf32, #tpu.memory_space<hbm>> -> memref<7998592xf32, #tpu.memory_space<hbm>>
    %dma_start3A_275 = arith.constant 0 : i32
    %dma_start3A_276 = tpu.memref_slice %dma_start3A_274[%dma_start3A_275] : memref<7998592xf32, #tpu.memory_space<hbm>> -> memref<7998592xf32, #tpu.memory_space<hbm>>
    tpu.enqueue_indirect_dma source(%dma_start3A_276 : memref<7998592xf32, #tpu.memory_space<hbm>>) target(%dma_start3A_272 : memref<512xf32, #tpu.memory_space<vmem>>) offsets(%arg15 : memref<512xi32, #tpu.memory_space<vmem>>) semaphore(%arg28 : memref<!tpu.dma_semaphore, #tpu.memory_space<semaphore_mem>>)
    %dma_start3A_277 = arith.constant 10752 : i32
    %dma_start3A_278 = tpu.memref_slice %arg20[%dma_start3A_277] : memref<16384xf32, #tpu.memory_space<vmem>> -> memref<512xf32, #tpu.memory_space<vmem>>
    %dma_start3A_279 = arith.constant 15999616 : i32
    %dma_start3A_280 = tpu.memref_slice %arg5[%dma_start3A_279] : memref<31997952xf32, #tpu.memory_space<hbm>> -> memref<7998592xf32, #tpu.memory_space<hbm>>
    %dma_start3A_281 = arith.constant 0 : i32
    %dma_start3A_282 = tpu.memref_slice %dma_start3A_280[%dma_start3A_281] : memref<7998592xf32, #tpu.memory_space<hbm>> -> memref<7998592xf32, #tpu.memory_space<hbm>>
    tpu.enqueue_indirect_dma source(%dma_start3A_282 : memref<7998592xf32, #tpu.memory_space<hbm>>) target(%dma_start3A_278 : memref<512xf32, #tpu.memory_space<vmem>>) offsets(%arg16 : memref<512xi32, #tpu.memory_space<vmem>>) semaphore(%arg28 : memref<!tpu.dma_semaphore, #tpu.memory_space<semaphore_mem>>)
    %dma_start3A_283 = arith.constant 11264 : i32
    %dma_start3A_284 = tpu.memref_slice %arg19[%dma_start3A_283] : memref<16384xf32, #tpu.memory_space<vmem>> -> memref<512xf32, #tpu.memory_space<vmem>>
    %dma_start3A_285 = arith.constant 15999744 : i32
    %dma_start3A_286 = tpu.memref_slice %arg4[%dma_start3A_285] : memref<31997952xf32, #tpu.memory_space<hbm>> -> memref<7998592xf32, #tpu.memory_space<hbm>>
    %dma_start3A_287 = arith.constant 0 : i32
    %dma_start3A_288 = tpu.memref_slice %dma_start3A_286[%dma_start3A_287] : memref<7998592xf32, #tpu.memory_space<hbm>> -> memref<7998592xf32, #tpu.memory_space<hbm>>
    tpu.enqueue_indirect_dma source(%dma_start3A_288 : memref<7998592xf32, #tpu.memory_space<hbm>>) target(%dma_start3A_284 : memref<512xf32, #tpu.memory_space<vmem>>) offsets(%arg15 : memref<512xi32, #tpu.memory_space<vmem>>) semaphore(%arg28 : memref<!tpu.dma_semaphore, #tpu.memory_space<semaphore_mem>>)
    %dma_start3A_289 = arith.constant 11264 : i32
    %dma_start3A_290 = tpu.memref_slice %arg20[%dma_start3A_289] : memref<16384xf32, #tpu.memory_space<vmem>> -> memref<512xf32, #tpu.memory_space<vmem>>
    %dma_start3A_291 = arith.constant 15999744 : i32
    %dma_start3A_292 = tpu.memref_slice %arg5[%dma_start3A_291] : memref<31997952xf32, #tpu.memory_space<hbm>> -> memref<7998592xf32, #tpu.memory_space<hbm>>
    %dma_start3A_293 = arith.constant 0 : i32
    %dma_start3A_294 = tpu.memref_slice %dma_start3A_292[%dma_start3A_293] : memref<7998592xf32, #tpu.memory_space<hbm>> -> memref<7998592xf32, #tpu.memory_space<hbm>>
    tpu.enqueue_indirect_dma source(%dma_start3A_294 : memref<7998592xf32, #tpu.memory_space<hbm>>) target(%dma_start3A_290 : memref<512xf32, #tpu.memory_space<vmem>>) offsets(%arg16 : memref<512xi32, #tpu.memory_space<vmem>>) semaphore(%arg28 : memref<!tpu.dma_semaphore, #tpu.memory_space<semaphore_mem>>)
    %dma_start3A_295 = arith.constant 11776 : i32
    %dma_start3A_296 = tpu.memref_slice %arg19[%dma_start3A_295] : memref<16384xf32, #tpu.memory_space<vmem>> -> memref<512xf32, #tpu.memory_space<vmem>>
    %dma_start3A_297 = arith.constant 15999872 : i32
    %dma_start3A_298 = tpu.memref_slice %arg4[%dma_start3A_297] : memref<31997952xf32, #tpu.memory_space<hbm>> -> memref<7998592xf32, #tpu.memory_space<hbm>>
    %dma_start3A_299 = arith.constant 0 : i32
    %dma_start3A_300 = tpu.memref_slice %dma_start3A_298[%dma_start3A_299] : memref<7998592xf32, #tpu.memory_space<hbm>> -> memref<7998592xf32, #tpu.memory_space<hbm>>
    tpu.enqueue_indirect_dma source(%dma_start3A_300 : memref<7998592xf32, #tpu.memory_space<hbm>>) target(%dma_start3A_296 : memref<512xf32, #tpu.memory_space<vmem>>) offsets(%arg15 : memref<512xi32, #tpu.memory_space<vmem>>) semaphore(%arg28 : memref<!tpu.dma_semaphore, #tpu.memory_space<semaphore_mem>>)
    %dma_start3A_301 = arith.constant 11776 : i32
    %dma_start3A_302 = tpu.memref_slice %arg20[%dma_start3A_301] : memref<16384xf32, #tpu.memory_space<vmem>> -> memref<512xf32, #tpu.memory_space<vmem>>
    %dma_start3A_303 = arith.constant 15999872 : i32
    %dma_start3A_304 = tpu.memref_slice %arg5[%dma_start3A_303] : memref<31997952xf32, #tpu.memory_space<hbm>> -> memref<7998592xf32, #tpu.memory_space<hbm>>
    %dma_start3A_305 = arith.constant 0 : i32
    %dma_start3A_306 = tpu.memref_slice %dma_start3A_304[%dma_start3A_305] : memref<7998592xf32, #tpu.memory_space<hbm>> -> memref<7998592xf32, #tpu.memory_space<hbm>>
    tpu.enqueue_indirect_dma source(%dma_start3A_306 : memref<7998592xf32, #tpu.memory_space<hbm>>) target(%dma_start3A_302 : memref<512xf32, #tpu.memory_space<vmem>>) offsets(%arg16 : memref<512xi32, #tpu.memory_space<vmem>>) semaphore(%arg28 : memref<!tpu.dma_semaphore, #tpu.memory_space<semaphore_mem>>)
    %dma_start3A_307 = arith.constant 12288 : i32
    %dma_start3A_308 = tpu.memref_slice %arg19[%dma_start3A_307] : memref<16384xf32, #tpu.memory_space<vmem>> -> memref<512xf32, #tpu.memory_space<vmem>>
    %dma_start3A_309 = arith.constant 23998464 : i32
    %dma_start3A_310 = tpu.memref_slice %arg4[%dma_start3A_309] : memref<31997952xf32, #tpu.memory_space<hbm>> -> memref<7998592xf32, #tpu.memory_space<hbm>>
    %dma_start3A_311 = arith.constant 0 : i32
    %dma_start3A_312 = tpu.memref_slice %dma_start3A_310[%dma_start3A_311] : memref<7998592xf32, #tpu.memory_space<hbm>> -> memref<7998592xf32, #tpu.memory_space<hbm>>
    tpu.enqueue_indirect_dma source(%dma_start3A_312 : memref<7998592xf32, #tpu.memory_space<hbm>>) target(%dma_start3A_308 : memref<512xf32, #tpu.memory_space<vmem>>) offsets(%arg15 : memref<512xi32, #tpu.memory_space<vmem>>) semaphore(%arg28 : memref<!tpu.dma_semaphore, #tpu.memory_space<semaphore_mem>>)
    %dma_start3A_313 = arith.constant 12288 : i32
    %dma_start3A_314 = tpu.memref_slice %arg20[%dma_start3A_313] : memref<16384xf32, #tpu.memory_space<vmem>> -> memref<512xf32, #tpu.memory_space<vmem>>
    %dma_start3A_315 = arith.constant 23998464 : i32
    %dma_start3A_316 = tpu.memref_slice %arg5[%dma_start3A_315] : memref<31997952xf32, #tpu.memory_space<hbm>> -> memref<7998592xf32, #tpu.memory_space<hbm>>
    %dma_start3A_317 = arith.constant 0 : i32
    %dma_start3A_318 = tpu.memref_slice %dma_start3A_316[%dma_start3A_317] : memref<7998592xf32, #tpu.memory_space<hbm>> -> memref<7998592xf32, #tpu.memory_space<hbm>>
    tpu.enqueue_indirect_dma source(%dma_start3A_318 : memref<7998592xf32, #tpu.memory_space<hbm>>) target(%dma_start3A_314 : memref<512xf32, #tpu.memory_space<vmem>>) offsets(%arg16 : memref<512xi32, #tpu.memory_space<vmem>>) semaphore(%arg28 : memref<!tpu.dma_semaphore, #tpu.memory_space<semaphore_mem>>)
    %dma_start3A_319 = arith.constant 12800 : i32
    %dma_start3A_320 = tpu.memref_slice %arg19[%dma_start3A_319] : memref<16384xf32, #tpu.memory_space<vmem>> -> memref<512xf32, #tpu.memory_space<vmem>>
    %dma_start3A_321 = arith.constant 23998592 : i32
    %dma_start3A_322 = tpu.memref_slice %arg4[%dma_start3A_321] : memref<31997952xf32, #tpu.memory_space<hbm>> -> memref<7998592xf32, #tpu.memory_space<hbm>>
    %dma_start3A_323 = arith.constant 0 : i32
    %dma_start3A_324 = tpu.memref_slice %dma_start3A_322[%dma_start3A_323] : memref<7998592xf32, #tpu.memory_space<hbm>> -> memref<7998592xf32, #tpu.memory_space<hbm>>
    tpu.enqueue_indirect_dma source(%dma_start3A_324 : memref<7998592xf32, #tpu.memory_space<hbm>>) target(%dma_start3A_320 : memref<512xf32, #tpu.memory_space<vmem>>) offsets(%arg15 : memref<512xi32, #tpu.memory_space<vmem>>) semaphore(%arg28 : memref<!tpu.dma_semaphore, #tpu.memory_space<semaphore_mem>>)
    %dma_start3A_325 = arith.constant 12800 : i32
    %dma_start3A_326 = tpu.memref_slice %arg20[%dma_start3A_325] : memref<16384xf32, #tpu.memory_space<vmem>> -> memref<512xf32, #tpu.memory_space<vmem>>
    %dma_start3A_327 = arith.constant 23998592 : i32
    %dma_start3A_328 = tpu.memref_slice %arg5[%dma_start3A_327] : memref<31997952xf32, #tpu.memory_space<hbm>> -> memref<7998592xf32, #tpu.memory_space<hbm>>
    %dma_start3A_329 = arith.constant 0 : i32
    %dma_start3A_330 = tpu.memref_slice %dma_start3A_328[%dma_start3A_329] : memref<7998592xf32, #tpu.memory_space<hbm>> -> memref<7998592xf32, #tpu.memory_space<hbm>>
    tpu.enqueue_indirect_dma source(%dma_start3A_330 : memref<7998592xf32, #tpu.memory_space<hbm>>) target(%dma_start3A_326 : memref<512xf32, #tpu.memory_space<vmem>>) offsets(%arg16 : memref<512xi32, #tpu.memory_space<vmem>>) semaphore(%arg28 : memref<!tpu.dma_semaphore, #tpu.memory_space<semaphore_mem>>)
    %dma_start3A_331 = arith.constant 13312 : i32
    %dma_start3A_332 = tpu.memref_slice %arg19[%dma_start3A_331] : memref<16384xf32, #tpu.memory_space<vmem>> -> memref<512xf32, #tpu.memory_space<vmem>>
    %dma_start3A_333 = arith.constant 23998720 : i32
    %dma_start3A_334 = tpu.memref_slice %arg4[%dma_start3A_333] : memref<31997952xf32, #tpu.memory_space<hbm>> -> memref<7998592xf32, #tpu.memory_space<hbm>>
    %dma_start3A_335 = arith.constant 0 : i32
    %dma_start3A_336 = tpu.memref_slice %dma_start3A_334[%dma_start3A_335] : memref<7998592xf32, #tpu.memory_space<hbm>> -> memref<7998592xf32, #tpu.memory_space<hbm>>
    tpu.enqueue_indirect_dma source(%dma_start3A_336 : memref<7998592xf32, #tpu.memory_space<hbm>>) target(%dma_start3A_332 : memref<512xf32, #tpu.memory_space<vmem>>) offsets(%arg15 : memref<512xi32, #tpu.memory_space<vmem>>) semaphore(%arg28 : memref<!tpu.dma_semaphore, #tpu.memory_space<semaphore_mem>>)
    %dma_start3A_337 = arith.constant 13312 : i32
    %dma_start3A_338 = tpu.memref_slice %arg20[%dma_start3A_337] : memref<16384xf32, #tpu.memory_space<vmem>> -> memref<512xf32, #tpu.memory_space<vmem>>
    %dma_start3A_339 = arith.constant 23998720 : i32
    %dma_start3A_340 = tpu.memref_slice %arg5[%dma_start3A_339] : memref<31997952xf32, #tpu.memory_space<hbm>> -> memref<7998592xf32, #tpu.memory_space<hbm>>
    %dma_start3A_341 = arith.constant 0 : i32
    %dma_start3A_342 = tpu.memref_slice %dma_start3A_340[%dma_start3A_341] : memref<7998592xf32, #tpu.memory_space<hbm>> -> memref<7998592xf32, #tpu.memory_space<hbm>>
    tpu.enqueue_indirect_dma source(%dma_start3A_342 : memref<7998592xf32, #tpu.memory_space<hbm>>) target(%dma_start3A_338 : memref<512xf32, #tpu.memory_space<vmem>>) offsets(%arg16 : memref<512xi32, #tpu.memory_space<vmem>>) semaphore(%arg28 : memref<!tpu.dma_semaphore, #tpu.memory_space<semaphore_mem>>)
    %dma_start3A_343 = arith.constant 13824 : i32
    %dma_start3A_344 = tpu.memref_slice %arg19[%dma_start3A_343] : memref<16384xf32, #tpu.memory_space<vmem>> -> memref<512xf32, #tpu.memory_space<vmem>>
    %dma_start3A_345 = arith.constant 23998848 : i32
    %dma_start3A_346 = tpu.memref_slice %arg4[%dma_start3A_345] : memref<31997952xf32, #tpu.memory_space<hbm>> -> memref<7998592xf32, #tpu.memory_space<hbm>>
    %dma_start3A_347 = arith.constant 0 : i32
    %dma_start3A_348 = tpu.memref_slice %dma_start3A_346[%dma_start3A_347] : memref<7998592xf32, #tpu.memory_space<hbm>> -> memref<7998592xf32, #tpu.memory_space<hbm>>
    tpu.enqueue_indirect_dma source(%dma_start3A_348 : memref<7998592xf32, #tpu.memory_space<hbm>>) target(%dma_start3A_344 : memref<512xf32, #tpu.memory_space<vmem>>) offsets(%arg15 : memref<512xi32, #tpu.memory_space<vmem>>) semaphore(%arg28 : memref<!tpu.dma_semaphore, #tpu.memory_space<semaphore_mem>>)
    %dma_start3A_349 = arith.constant 13824 : i32
    %dma_start3A_350 = tpu.memref_slice %arg20[%dma_start3A_349] : memref<16384xf32, #tpu.memory_space<vmem>> -> memref<512xf32, #tpu.memory_space<vmem>>
    %dma_start3A_351 = arith.constant 23998848 : i32
    %dma_start3A_352 = tpu.memref_slice %arg5[%dma_start3A_351] : memref<31997952xf32, #tpu.memory_space<hbm>> -> memref<7998592xf32, #tpu.memory_space<hbm>>
    %dma_start3A_353 = arith.constant 0 : i32
    %dma_start3A_354 = tpu.memref_slice %dma_start3A_352[%dma_start3A_353] : memref<7998592xf32, #tpu.memory_space<hbm>> -> memref<7998592xf32, #tpu.memory_space<hbm>>
    tpu.enqueue_indirect_dma source(%dma_start3A_354 : memref<7998592xf32, #tpu.memory_space<hbm>>) target(%dma_start3A_350 : memref<512xf32, #tpu.memory_space<vmem>>) offsets(%arg16 : memref<512xi32, #tpu.memory_space<vmem>>) semaphore(%arg28 : memref<!tpu.dma_semaphore, #tpu.memory_space<semaphore_mem>>)
    %dma_start3A_355 = arith.constant 14336 : i32
    %dma_start3A_356 = tpu.memref_slice %arg19[%dma_start3A_355] : memref<16384xf32, #tpu.memory_space<vmem>> -> memref<512xf32, #tpu.memory_space<vmem>>
    %dma_start3A_357 = arith.constant 23998976 : i32
    %dma_start3A_358 = tpu.memref_slice %arg4[%dma_start3A_357] : memref<31997952xf32, #tpu.memory_space<hbm>> -> memref<7998592xf32, #tpu.memory_space<hbm>>
    %dma_start3A_359 = arith.constant 0 : i32
    %dma_start3A_360 = tpu.memref_slice %dma_start3A_358[%dma_start3A_359] : memref<7998592xf32, #tpu.memory_space<hbm>> -> memref<7998592xf32, #tpu.memory_space<hbm>>
    tpu.enqueue_indirect_dma source(%dma_start3A_360 : memref<7998592xf32, #tpu.memory_space<hbm>>) target(%dma_start3A_356 : memref<512xf32, #tpu.memory_space<vmem>>) offsets(%arg15 : memref<512xi32, #tpu.memory_space<vmem>>) semaphore(%arg28 : memref<!tpu.dma_semaphore, #tpu.memory_space<semaphore_mem>>)
    %dma_start3A_361 = arith.constant 14336 : i32
    %dma_start3A_362 = tpu.memref_slice %arg20[%dma_start3A_361] : memref<16384xf32, #tpu.memory_space<vmem>> -> memref<512xf32, #tpu.memory_space<vmem>>
    %dma_start3A_363 = arith.constant 23998976 : i32
    %dma_start3A_364 = tpu.memref_slice %arg5[%dma_start3A_363] : memref<31997952xf32, #tpu.memory_space<hbm>> -> memref<7998592xf32, #tpu.memory_space<hbm>>
    %dma_start3A_365 = arith.constant 0 : i32
    %dma_start3A_366 = tpu.memref_slice %dma_start3A_364[%dma_start3A_365] : memref<7998592xf32, #tpu.memory_space<hbm>> -> memref<7998592xf32, #tpu.memory_space<hbm>>
    tpu.enqueue_indirect_dma source(%dma_start3A_366 : memref<7998592xf32, #tpu.memory_space<hbm>>) target(%dma_start3A_362 : memref<512xf32, #tpu.memory_space<vmem>>) offsets(%arg16 : memref<512xi32, #tpu.memory_space<vmem>>) semaphore(%arg28 : memref<!tpu.dma_semaphore, #tpu.memory_space<semaphore_mem>>)
    %dma_start3A_367 = arith.constant 14848 : i32
    %dma_start3A_368 = tpu.memref_slice %arg19[%dma_start3A_367] : memref<16384xf32, #tpu.memory_space<vmem>> -> memref<512xf32, #tpu.memory_space<vmem>>
    %dma_start3A_369 = arith.constant 23999104 : i32
    %dma_start3A_370 = tpu.memref_slice %arg4[%dma_start3A_369] : memref<31997952xf32, #tpu.memory_space<hbm>> -> memref<7998592xf32, #tpu.memory_space<hbm>>
    %dma_start3A_371 = arith.constant 0 : i32
    %dma_start3A_372 = tpu.memref_slice %dma_start3A_370[%dma_start3A_371] : memref<7998592xf32, #tpu.memory_space<hbm>> -> memref<7998592xf32, #tpu.memory_space<hbm>>
    tpu.enqueue_indirect_dma source(%dma_start3A_372 : memref<7998592xf32, #tpu.memory_space<hbm>>) target(%dma_start3A_368 : memref<512xf32, #tpu.memory_space<vmem>>) offsets(%arg15 : memref<512xi32, #tpu.memory_space<vmem>>) semaphore(%arg28 : memref<!tpu.dma_semaphore, #tpu.memory_space<semaphore_mem>>)
    %dma_start3A_373 = arith.constant 14848 : i32
    %dma_start3A_374 = tpu.memref_slice %arg20[%dma_start3A_373] : memref<16384xf32, #tpu.memory_space<vmem>> -> memref<512xf32, #tpu.memory_space<vmem>>
    %dma_start3A_375 = arith.constant 23999104 : i32
    %dma_start3A_376 = tpu.memref_slice %arg5[%dma_start3A_375] : memref<31997952xf32, #tpu.memory_space<hbm>> -> memref<7998592xf32, #tpu.memory_space<hbm>>
    %dma_start3A_377 = arith.constant 0 : i32
    %dma_start3A_378 = tpu.memref_slice %dma_start3A_376[%dma_start3A_377] : memref<7998592xf32, #tpu.memory_space<hbm>> -> memref<7998592xf32, #tpu.memory_space<hbm>>
    tpu.enqueue_indirect_dma source(%dma_start3A_378 : memref<7998592xf32, #tpu.memory_space<hbm>>) target(%dma_start3A_374 : memref<512xf32, #tpu.memory_space<vmem>>) offsets(%arg16 : memref<512xi32, #tpu.memory_space<vmem>>) semaphore(%arg28 : memref<!tpu.dma_semaphore, #tpu.memory_space<semaphore_mem>>)
    %dma_start3A_379 = arith.constant 15360 : i32
    %dma_start3A_380 = tpu.memref_slice %arg19[%dma_start3A_379] : memref<16384xf32, #tpu.memory_space<vmem>> -> memref<512xf32, #tpu.memory_space<vmem>>
    %dma_start3A_381 = arith.constant 23999232 : i32
    %dma_start3A_382 = tpu.memref_slice %arg4[%dma_start3A_381] : memref<31997952xf32, #tpu.memory_space<hbm>> -> memref<7998592xf32, #tpu.memory_space<hbm>>
    %dma_start3A_383 = arith.constant 0 : i32
    %dma_start3A_384 = tpu.memref_slice %dma_start3A_382[%dma_start3A_383] : memref<7998592xf32, #tpu.memory_space<hbm>> -> memref<7998592xf32, #tpu.memory_space<hbm>>
    tpu.enqueue_indirect_dma source(%dma_start3A_384 : memref<7998592xf32, #tpu.memory_space<hbm>>) target(%dma_start3A_380 : memref<512xf32, #tpu.memory_space<vmem>>) offsets(%arg15 : memref<512xi32, #tpu.memory_space<vmem>>) semaphore(%arg28 : memref<!tpu.dma_semaphore, #tpu.memory_space<semaphore_mem>>)
    %dma_start3A_385 = arith.constant 15360 : i32
    %dma_start3A_386 = tpu.memref_slice %arg20[%dma_start3A_385] : memref<16384xf32, #tpu.memory_space<vmem>> -> memref<512xf32, #tpu.memory_space<vmem>>
    %dma_start3A_387 = arith.constant 23999232 : i32
    %dma_start3A_388 = tpu.memref_slice %arg5[%dma_start3A_387] : memref<31997952xf32, #tpu.memory_space<hbm>> -> memref<7998592xf32, #tpu.memory_space<hbm>>
    %dma_start3A_389 = arith.constant 0 : i32
    %dma_start3A_390 = tpu.memref_slice %dma_start3A_388[%dma_start3A_389] : memref<7998592xf32, #tpu.memory_space<hbm>> -> memref<7998592xf32, #tpu.memory_space<hbm>>
    tpu.enqueue_indirect_dma source(%dma_start3A_390 : memref<7998592xf32, #tpu.memory_space<hbm>>) target(%dma_start3A_386 : memref<512xf32, #tpu.memory_space<vmem>>) offsets(%arg16 : memref<512xi32, #tpu.memory_space<vmem>>) semaphore(%arg28 : memref<!tpu.dma_semaphore, #tpu.memory_space<semaphore_mem>>)
    %dma_start3A_391 = arith.constant 15872 : i32
    %dma_start3A_392 = tpu.memref_slice %arg19[%dma_start3A_391] : memref<16384xf32, #tpu.memory_space<vmem>> -> memref<512xf32, #tpu.memory_space<vmem>>
    %dma_start3A_393 = arith.constant 23999360 : i32
    %dma_start3A_394 = tpu.memref_slice %arg4[%dma_start3A_393] : memref<31997952xf32, #tpu.memory_space<hbm>> -> memref<7998592xf32, #tpu.memory_space<hbm>>
    %dma_start3A_395 = arith.constant 0 : i32
    %dma_start3A_396 = tpu.memref_slice %dma_start3A_394[%dma_start3A_395] : memref<7998592xf32, #tpu.memory_space<hbm>> -> memref<7998592xf32, #tpu.memory_space<hbm>>
    tpu.enqueue_indirect_dma source(%dma_start3A_396 : memref<7998592xf32, #tpu.memory_space<hbm>>) target(%dma_start3A_392 : memref<512xf32, #tpu.memory_space<vmem>>) offsets(%arg15 : memref<512xi32, #tpu.memory_space<vmem>>) semaphore(%arg28 : memref<!tpu.dma_semaphore, #tpu.memory_space<semaphore_mem>>)
    %dma_start3A_397 = arith.constant 15872 : i32
    %dma_start3A_398 = tpu.memref_slice %arg20[%dma_start3A_397] : memref<16384xf32, #tpu.memory_space<vmem>> -> memref<512xf32, #tpu.memory_space<vmem>>
    %dma_start3A_399 = arith.constant 23999360 : i32
    %dma_start3A_400 = tpu.memref_slice %arg5[%dma_start3A_399] : memref<31997952xf32, #tpu.memory_space<hbm>> -> memref<7998592xf32, #tpu.memory_space<hbm>>
    %dma_start3A_401 = arith.constant 0 : i32
    %dma_start3A_402 = tpu.memref_slice %dma_start3A_400[%dma_start3A_401] : memref<7998592xf32, #tpu.memory_space<hbm>> -> memref<7998592xf32, #tpu.memory_space<hbm>>
    tpu.enqueue_indirect_dma source(%dma_start3A_402 : memref<7998592xf32, #tpu.memory_space<hbm>>) target(%dma_start3A_398 : memref<512xf32, #tpu.memory_space<vmem>>) offsets(%arg16 : memref<512xi32, #tpu.memory_space<vmem>>) semaphore(%arg28 : memref<!tpu.dma_semaphore, #tpu.memory_space<semaphore_mem>>)
    tpu.wait_dma2 semaphore(%arg29 : memref<!tpu.dma_semaphore, #tpu.memory_space<semaphore_mem>>) src(%arg8 : memref<32x64xf32, #tpu.memory_space<hbm>>) dst(%arg23 : memref<32x64xf32, #tpu.memory_space<vmem>>)
    tpu.wait_dma2 semaphore(%arg29 : memref<!tpu.dma_semaphore, #tpu.memory_space<semaphore_mem>>) src(%arg9 : memref<32x64xf32, #tpu.memory_space<hbm>>) dst(%arg24 : memref<32x64xf32, #tpu.memory_space<vmem>>)
    tpu.wait_dma2 semaphore(%arg29 : memref<!tpu.dma_semaphore, #tpu.memory_space<semaphore_mem>>) src(%arg10 : memref<64xf32, #tpu.memory_space<hbm>>) dst(%arg25 : memref<64xf32, #tpu.memory_space<vmem>>)
    tpu.wait_dma2 semaphore(%arg29 : memref<!tpu.dma_semaphore, #tpu.memory_space<semaphore_mem>>) src(%arg11 : memref<64xf32, #tpu.memory_space<hbm>>) dst(%arg26 : memref<64xf32, #tpu.memory_space<vmem>>)
    %dma_wait3A = arith.constant 0 : i32
    %dma_wait3A_403 = arith.constant 0 : i32
    %dma_wait3A_404 = tpu.memref_slice %arg6[%dma_wait3A, %dma_wait3A_403] : memref<1x1000000xf32, #tpu.memory_space<hbm>> -> memref<1x1000000xf32, #tpu.memory_space<hbm>>
    %dma_wait3A_405 = tpu.memref_squeeze %dma_wait3A_404 : memref<1x1000000xf32, #tpu.memory_space<hbm>> -> memref<1000000xf32, #tpu.memory_space<hbm>>
    %dma_wait3A_406 = arith.constant 0 : i32
    %dma_wait3A_407 = tpu.memref_slice %dma_wait3A_405[%dma_wait3A_406] : memref<1000000xf32, #tpu.memory_space<hbm>> -> memref<1000000xf32, #tpu.memory_space<hbm>>
    tpu.wait_indirect_dma semaphore(%arg29 : memref<!tpu.dma_semaphore, #tpu.memory_space<semaphore_mem>>) src(%dma_wait3A_407 : memref<1000000xf32, #tpu.memory_space<hbm>>) dst(%arg21 : memref<512xf32, #tpu.memory_space<vmem>>)
    %dma_wait3A_408 = arith.constant 0 : i32
    %dma_wait3A_409 = arith.constant 0 : i32
    %dma_wait3A_410 = tpu.memref_slice %arg7[%dma_wait3A_408, %dma_wait3A_409] : memref<1x1000000xf32, #tpu.memory_space<hbm>> -> memref<1x1000000xf32, #tpu.memory_space<hbm>>
    %dma_wait3A_411 = tpu.memref_squeeze %dma_wait3A_410 : memref<1x1000000xf32, #tpu.memory_space<hbm>> -> memref<1000000xf32, #tpu.memory_space<hbm>>
    %dma_wait3A_412 = arith.constant 0 : i32
    %dma_wait3A_413 = tpu.memref_slice %dma_wait3A_411[%dma_wait3A_412] : memref<1000000xf32, #tpu.memory_space<hbm>> -> memref<1000000xf32, #tpu.memory_space<hbm>>
    tpu.wait_indirect_dma semaphore(%arg29 : memref<!tpu.dma_semaphore, #tpu.memory_space<semaphore_mem>>) src(%dma_wait3A_413 : memref<1000000xf32, #tpu.memory_space<hbm>>) dst(%arg22 : memref<512xf32, #tpu.memory_space<vmem>>)
    %dma_wait3A_414 = arith.constant 0 : i32
    %dma_wait3A_415 = tpu.memref_slice %arg19[%dma_wait3A_414] : memref<16384xf32, #tpu.memory_space<vmem>> -> memref<512xf32, #tpu.memory_space<vmem>>
    %dma_wait3A_416 = arith.constant 0 : i32
    %dma_wait3A_417 = tpu.memref_slice %arg4[%dma_wait3A_416] : memref<31997952xf32, #tpu.memory_space<hbm>> -> memref<7998592xf32, #tpu.memory_space<hbm>>
    %dma_wait3A_418 = arith.constant 0 : i32
    %dma_wait3A_419 = tpu.memref_slice %dma_wait3A_417[%dma_wait3A_418] : memref<7998592xf32, #tpu.memory_space<hbm>> -> memref<7998592xf32, #tpu.memory_space<hbm>>
    tpu.wait_indirect_dma semaphore(%arg28 : memref<!tpu.dma_semaphore, #tpu.memory_space<semaphore_mem>>) src(%dma_wait3A_419 : memref<7998592xf32, #tpu.memory_space<hbm>>) dst(%dma_wait3A_415 : memref<512xf32, #tpu.memory_space<vmem>>)
    %dma_wait3A_420 = arith.constant 0 : i32
    %dma_wait3A_421 = tpu.memref_slice %arg20[%dma_wait3A_420] : memref<16384xf32, #tpu.memory_space<vmem>> -> memref<512xf32, #tpu.memory_space<vmem>>
    %dma_wait3A_422 = arith.constant 0 : i32
    %dma_wait3A_423 = tpu.memref_slice %arg5[%dma_wait3A_422] : memref<31997952xf32, #tpu.memory_space<hbm>> -> memref<7998592xf32, #tpu.memory_space<hbm>>
    %dma_wait3A_424 = arith.constant 0 : i32
    %dma_wait3A_425 = tpu.memref_slice %dma_wait3A_423[%dma_wait3A_424] : memref<7998592xf32, #tpu.memory_space<hbm>> -> memref<7998592xf32, #tpu.memory_space<hbm>>
    tpu.wait_indirect_dma semaphore(%arg28 : memref<!tpu.dma_semaphore, #tpu.memory_space<semaphore_mem>>) src(%dma_wait3A_425 : memref<7998592xf32, #tpu.memory_space<hbm>>) dst(%dma_wait3A_421 : memref<512xf32, #tpu.memory_space<vmem>>)
    %dma_wait3A_426 = arith.constant 512 : i32
    %dma_wait3A_427 = tpu.memref_slice %arg19[%dma_wait3A_426] : memref<16384xf32, #tpu.memory_space<vmem>> -> memref<512xf32, #tpu.memory_space<vmem>>
    %dma_wait3A_428 = arith.constant 128 : i32
    %dma_wait3A_429 = tpu.memref_slice %arg4[%dma_wait3A_428] : memref<31997952xf32, #tpu.memory_space<hbm>> -> memref<7998592xf32, #tpu.memory_space<hbm>>
    %dma_wait3A_430 = arith.constant 0 : i32
    %dma_wait3A_431 = tpu.memref_slice %dma_wait3A_429[%dma_wait3A_430] : memref<7998592xf32, #tpu.memory_space<hbm>> -> memref<7998592xf32, #tpu.memory_space<hbm>>
    tpu.wait_indirect_dma semaphore(%arg28 : memref<!tpu.dma_semaphore, #tpu.memory_space<semaphore_mem>>) src(%dma_wait3A_431 : memref<7998592xf32, #tpu.memory_space<hbm>>) dst(%dma_wait3A_427 : memref<512xf32, #tpu.memory_space<vmem>>)
    %dma_wait3A_432 = arith.constant 512 : i32
    %dma_wait3A_433 = tpu.memref_slice %arg20[%dma_wait3A_432] : memref<16384xf32, #tpu.memory_space<vmem>> -> memref<512xf32, #tpu.memory_space<vmem>>
    %dma_wait3A_434 = arith.constant 128 : i32
    %dma_wait3A_435 = tpu.memref_slice %arg5[%dma_wait3A_434] : memref<31997952xf32, #tpu.memory_space<hbm>> -> memref<7998592xf32, #tpu.memory_space<hbm>>
    %dma_wait3A_436 = arith.constant 0 : i32
    %dma_wait3A_437 = tpu.memref_slice %dma_wait3A_435[%dma_wait3A_436] : memref<7998592xf32, #tpu.memory_space<hbm>> -> memref<7998592xf32, #tpu.memory_space<hbm>>
    tpu.wait_indirect_dma semaphore(%arg28 : memref<!tpu.dma_semaphore, #tpu.memory_space<semaphore_mem>>) src(%dma_wait3A_437 : memref<7998592xf32, #tpu.memory_space<hbm>>) dst(%dma_wait3A_433 : memref<512xf32, #tpu.memory_space<vmem>>)
    %dma_wait3A_438 = arith.constant 1024 : i32
    %dma_wait3A_439 = tpu.memref_slice %arg19[%dma_wait3A_438] : memref<16384xf32, #tpu.memory_space<vmem>> -> memref<512xf32, #tpu.memory_space<vmem>>
    %dma_wait3A_440 = arith.constant 256 : i32
    %dma_wait3A_441 = tpu.memref_slice %arg4[%dma_wait3A_440] : memref<31997952xf32, #tpu.memory_space<hbm>> -> memref<7998592xf32, #tpu.memory_space<hbm>>
    %dma_wait3A_442 = arith.constant 0 : i32
    %dma_wait3A_443 = tpu.memref_slice %dma_wait3A_441[%dma_wait3A_442] : memref<7998592xf32, #tpu.memory_space<hbm>> -> memref<7998592xf32, #tpu.memory_space<hbm>>
    tpu.wait_indirect_dma semaphore(%arg28 : memref<!tpu.dma_semaphore, #tpu.memory_space<semaphore_mem>>) src(%dma_wait3A_443 : memref<7998592xf32, #tpu.memory_space<hbm>>) dst(%dma_wait3A_439 : memref<512xf32, #tpu.memory_space<vmem>>)
    %dma_wait3A_444 = arith.constant 1024 : i32
    %dma_wait3A_445 = tpu.memref_slice %arg20[%dma_wait3A_444] : memref<16384xf32, #tpu.memory_space<vmem>> -> memref<512xf32, #tpu.memory_space<vmem>>
    %dma_wait3A_446 = arith.constant 256 : i32
    %dma_wait3A_447 = tpu.memref_slice %arg5[%dma_wait3A_446] : memref<31997952xf32, #tpu.memory_space<hbm>> -> memref<7998592xf32, #tpu.memory_space<hbm>>
    %dma_wait3A_448 = arith.constant 0 : i32
    %dma_wait3A_449 = tpu.memref_slice %dma_wait3A_447[%dma_wait3A_448] : memref<7998592xf32, #tpu.memory_space<hbm>> -> memref<7998592xf32, #tpu.memory_space<hbm>>
    tpu.wait_indirect_dma semaphore(%arg28 : memref<!tpu.dma_semaphore, #tpu.memory_space<semaphore_mem>>) src(%dma_wait3A_449 : memref<7998592xf32, #tpu.memory_space<hbm>>) dst(%dma_wait3A_445 : memref<512xf32, #tpu.memory_space<vmem>>)
    %dma_wait3A_450 = arith.constant 1536 : i32
    %dma_wait3A_451 = tpu.memref_slice %arg19[%dma_wait3A_450] : memref<16384xf32, #tpu.memory_space<vmem>> -> memref<512xf32, #tpu.memory_space<vmem>>
    %dma_wait3A_452 = arith.constant 384 : i32
    %dma_wait3A_453 = tpu.memref_slice %arg4[%dma_wait3A_452] : memref<31997952xf32, #tpu.memory_space<hbm>> -> memref<7998592xf32, #tpu.memory_space<hbm>>
    %dma_wait3A_454 = arith.constant 0 : i32
    %dma_wait3A_455 = tpu.memref_slice %dma_wait3A_453[%dma_wait3A_454] : memref<7998592xf32, #tpu.memory_space<hbm>> -> memref<7998592xf32, #tpu.memory_space<hbm>>
    tpu.wait_indirect_dma semaphore(%arg28 : memref<!tpu.dma_semaphore, #tpu.memory_space<semaphore_mem>>) src(%dma_wait3A_455 : memref<7998592xf32, #tpu.memory_space<hbm>>) dst(%dma_wait3A_451 : memref<512xf32, #tpu.memory_space<vmem>>)
    %dma_wait3A_456 = arith.constant 1536 : i32
    %dma_wait3A_457 = tpu.memref_slice %arg20[%dma_wait3A_456] : memref<16384xf32, #tpu.memory_space<vmem>> -> memref<512xf32, #tpu.memory_space<vmem>>
    %dma_wait3A_458 = arith.constant 384 : i32
    %dma_wait3A_459 = tpu.memref_slice %arg5[%dma_wait3A_458] : memref<31997952xf32, #tpu.memory_space<hbm>> -> memref<7998592xf32, #tpu.memory_space<hbm>>
    %dma_wait3A_460 = arith.constant 0 : i32
    %dma_wait3A_461 = tpu.memref_slice %dma_wait3A_459[%dma_wait3A_460] : memref<7998592xf32, #tpu.memory_space<hbm>> -> memref<7998592xf32, #tpu.memory_space<hbm>>
    tpu.wait_indirect_dma semaphore(%arg28 : memref<!tpu.dma_semaphore, #tpu.memory_space<semaphore_mem>>) src(%dma_wait3A_461 : memref<7998592xf32, #tpu.memory_space<hbm>>) dst(%dma_wait3A_457 : memref<512xf32, #tpu.memory_space<vmem>>)
    %dma_wait3A_462 = arith.constant 2048 : i32
    %dma_wait3A_463 = tpu.memref_slice %arg19[%dma_wait3A_462] : memref<16384xf32, #tpu.memory_space<vmem>> -> memref<512xf32, #tpu.memory_space<vmem>>
    %dma_wait3A_464 = arith.constant 512 : i32
    %dma_wait3A_465 = tpu.memref_slice %arg4[%dma_wait3A_464] : memref<31997952xf32, #tpu.memory_space<hbm>> -> memref<7998592xf32, #tpu.memory_space<hbm>>
    %dma_wait3A_466 = arith.constant 0 : i32
    %dma_wait3A_467 = tpu.memref_slice %dma_wait3A_465[%dma_wait3A_466] : memref<7998592xf32, #tpu.memory_space<hbm>> -> memref<7998592xf32, #tpu.memory_space<hbm>>
    tpu.wait_indirect_dma semaphore(%arg28 : memref<!tpu.dma_semaphore, #tpu.memory_space<semaphore_mem>>) src(%dma_wait3A_467 : memref<7998592xf32, #tpu.memory_space<hbm>>) dst(%dma_wait3A_463 : memref<512xf32, #tpu.memory_space<vmem>>)
    %dma_wait3A_468 = arith.constant 2048 : i32
    %dma_wait3A_469 = tpu.memref_slice %arg20[%dma_wait3A_468] : memref<16384xf32, #tpu.memory_space<vmem>> -> memref<512xf32, #tpu.memory_space<vmem>>
    %dma_wait3A_470 = arith.constant 512 : i32
    %dma_wait3A_471 = tpu.memref_slice %arg5[%dma_wait3A_470] : memref<31997952xf32, #tpu.memory_space<hbm>> -> memref<7998592xf32, #tpu.memory_space<hbm>>
    %dma_wait3A_472 = arith.constant 0 : i32
    %dma_wait3A_473 = tpu.memref_slice %dma_wait3A_471[%dma_wait3A_472] : memref<7998592xf32, #tpu.memory_space<hbm>> -> memref<7998592xf32, #tpu.memory_space<hbm>>
    tpu.wait_indirect_dma semaphore(%arg28 : memref<!tpu.dma_semaphore, #tpu.memory_space<semaphore_mem>>) src(%dma_wait3A_473 : memref<7998592xf32, #tpu.memory_space<hbm>>) dst(%dma_wait3A_469 : memref<512xf32, #tpu.memory_space<vmem>>)
    %dma_wait3A_474 = arith.constant 2560 : i32
    %dma_wait3A_475 = tpu.memref_slice %arg19[%dma_wait3A_474] : memref<16384xf32, #tpu.memory_space<vmem>> -> memref<512xf32, #tpu.memory_space<vmem>>
    %dma_wait3A_476 = arith.constant 640 : i32
    %dma_wait3A_477 = tpu.memref_slice %arg4[%dma_wait3A_476] : memref<31997952xf32, #tpu.memory_space<hbm>> -> memref<7998592xf32, #tpu.memory_space<hbm>>
    %dma_wait3A_478 = arith.constant 0 : i32
    %dma_wait3A_479 = tpu.memref_slice %dma_wait3A_477[%dma_wait3A_478] : memref<7998592xf32, #tpu.memory_space<hbm>> -> memref<7998592xf32, #tpu.memory_space<hbm>>
    tpu.wait_indirect_dma semaphore(%arg28 : memref<!tpu.dma_semaphore, #tpu.memory_space<semaphore_mem>>) src(%dma_wait3A_479 : memref<7998592xf32, #tpu.memory_space<hbm>>) dst(%dma_wait3A_475 : memref<512xf32, #tpu.memory_space<vmem>>)
    %dma_wait3A_480 = arith.constant 2560 : i32
    %dma_wait3A_481 = tpu.memref_slice %arg20[%dma_wait3A_480] : memref<16384xf32, #tpu.memory_space<vmem>> -> memref<512xf32, #tpu.memory_space<vmem>>
    %dma_wait3A_482 = arith.constant 640 : i32
    %dma_wait3A_483 = tpu.memref_slice %arg5[%dma_wait3A_482] : memref<31997952xf32, #tpu.memory_space<hbm>> -> memref<7998592xf32, #tpu.memory_space<hbm>>
    %dma_wait3A_484 = arith.constant 0 : i32
    %dma_wait3A_485 = tpu.memref_slice %dma_wait3A_483[%dma_wait3A_484] : memref<7998592xf32, #tpu.memory_space<hbm>> -> memref<7998592xf32, #tpu.memory_space<hbm>>
    tpu.wait_indirect_dma semaphore(%arg28 : memref<!tpu.dma_semaphore, #tpu.memory_space<semaphore_mem>>) src(%dma_wait3A_485 : memref<7998592xf32, #tpu.memory_space<hbm>>) dst(%dma_wait3A_481 : memref<512xf32, #tpu.memory_space<vmem>>)
    %dma_wait3A_486 = arith.constant 3072 : i32
    %dma_wait3A_487 = tpu.memref_slice %arg19[%dma_wait3A_486] : memref<16384xf32, #tpu.memory_space<vmem>> -> memref<512xf32, #tpu.memory_space<vmem>>
    %dma_wait3A_488 = arith.constant 768 : i32
    %dma_wait3A_489 = tpu.memref_slice %arg4[%dma_wait3A_488] : memref<31997952xf32, #tpu.memory_space<hbm>> -> memref<7998592xf32, #tpu.memory_space<hbm>>
    %dma_wait3A_490 = arith.constant 0 : i32
    %dma_wait3A_491 = tpu.memref_slice %dma_wait3A_489[%dma_wait3A_490] : memref<7998592xf32, #tpu.memory_space<hbm>> -> memref<7998592xf32, #tpu.memory_space<hbm>>
    tpu.wait_indirect_dma semaphore(%arg28 : memref<!tpu.dma_semaphore, #tpu.memory_space<semaphore_mem>>) src(%dma_wait3A_491 : memref<7998592xf32, #tpu.memory_space<hbm>>) dst(%dma_wait3A_487 : memref<512xf32, #tpu.memory_space<vmem>>)
    %dma_wait3A_492 = arith.constant 3072 : i32
    %dma_wait3A_493 = tpu.memref_slice %arg20[%dma_wait3A_492] : memref<16384xf32, #tpu.memory_space<vmem>> -> memref<512xf32, #tpu.memory_space<vmem>>
    %dma_wait3A_494 = arith.constant 768 : i32
    %dma_wait3A_495 = tpu.memref_slice %arg5[%dma_wait3A_494] : memref<31997952xf32, #tpu.memory_space<hbm>> -> memref<7998592xf32, #tpu.memory_space<hbm>>
    %dma_wait3A_496 = arith.constant 0 : i32
    %dma_wait3A_497 = tpu.memref_slice %dma_wait3A_495[%dma_wait3A_496] : memref<7998592xf32, #tpu.memory_space<hbm>> -> memref<7998592xf32, #tpu.memory_space<hbm>>
    tpu.wait_indirect_dma semaphore(%arg28 : memref<!tpu.dma_semaphore, #tpu.memory_space<semaphore_mem>>) src(%dma_wait3A_497 : memref<7998592xf32, #tpu.memory_space<hbm>>) dst(%dma_wait3A_493 : memref<512xf32, #tpu.memory_space<vmem>>)
    %dma_wait3A_498 = arith.constant 3584 : i32
    %dma_wait3A_499 = tpu.memref_slice %arg19[%dma_wait3A_498] : memref<16384xf32, #tpu.memory_space<vmem>> -> memref<512xf32, #tpu.memory_space<vmem>>
    %dma_wait3A_500 = arith.constant 896 : i32
    %dma_wait3A_501 = tpu.memref_slice %arg4[%dma_wait3A_500] : memref<31997952xf32, #tpu.memory_space<hbm>> -> memref<7998592xf32, #tpu.memory_space<hbm>>
    %dma_wait3A_502 = arith.constant 0 : i32
    %dma_wait3A_503 = tpu.memref_slice %dma_wait3A_501[%dma_wait3A_502] : memref<7998592xf32, #tpu.memory_space<hbm>> -> memref<7998592xf32, #tpu.memory_space<hbm>>
    tpu.wait_indirect_dma semaphore(%arg28 : memref<!tpu.dma_semaphore, #tpu.memory_space<semaphore_mem>>) src(%dma_wait3A_503 : memref<7998592xf32, #tpu.memory_space<hbm>>) dst(%dma_wait3A_499 : memref<512xf32, #tpu.memory_space<vmem>>)
    %dma_wait3A_504 = arith.constant 3584 : i32
    %dma_wait3A_505 = tpu.memref_slice %arg20[%dma_wait3A_504] : memref<16384xf32, #tpu.memory_space<vmem>> -> memref<512xf32, #tpu.memory_space<vmem>>
    %dma_wait3A_506 = arith.constant 896 : i32
    %dma_wait3A_507 = tpu.memref_slice %arg5[%dma_wait3A_506] : memref<31997952xf32, #tpu.memory_space<hbm>> -> memref<7998592xf32, #tpu.memory_space<hbm>>
    %dma_wait3A_508 = arith.constant 0 : i32
    %dma_wait3A_509 = tpu.memref_slice %dma_wait3A_507[%dma_wait3A_508] : memref<7998592xf32, #tpu.memory_space<hbm>> -> memref<7998592xf32, #tpu.memory_space<hbm>>
    tpu.wait_indirect_dma semaphore(%arg28 : memref<!tpu.dma_semaphore, #tpu.memory_space<semaphore_mem>>) src(%dma_wait3A_509 : memref<7998592xf32, #tpu.memory_space<hbm>>) dst(%dma_wait3A_505 : memref<512xf32, #tpu.memory_space<vmem>>)
    %dma_wait3A_510 = arith.constant 4096 : i32
    %dma_wait3A_511 = tpu.memref_slice %arg19[%dma_wait3A_510] : memref<16384xf32, #tpu.memory_space<vmem>> -> memref<512xf32, #tpu.memory_space<vmem>>
    %dma_wait3A_512 = arith.constant 7999488 : i32
    %dma_wait3A_513 = tpu.memref_slice %arg4[%dma_wait3A_512] : memref<31997952xf32, #tpu.memory_space<hbm>> -> memref<7998592xf32, #tpu.memory_space<hbm>>
    %dma_wait3A_514 = arith.constant 0 : i32
    %dma_wait3A_515 = tpu.memref_slice %dma_wait3A_513[%dma_wait3A_514] : memref<7998592xf32, #tpu.memory_space<hbm>> -> memref<7998592xf32, #tpu.memory_space<hbm>>
    tpu.wait_indirect_dma semaphore(%arg28 : memref<!tpu.dma_semaphore, #tpu.memory_space<semaphore_mem>>) src(%dma_wait3A_515 : memref<7998592xf32, #tpu.memory_space<hbm>>) dst(%dma_wait3A_511 : memref<512xf32, #tpu.memory_space<vmem>>)
    %dma_wait3A_516 = arith.constant 4096 : i32
    %dma_wait3A_517 = tpu.memref_slice %arg20[%dma_wait3A_516] : memref<16384xf32, #tpu.memory_space<vmem>> -> memref<512xf32, #tpu.memory_space<vmem>>
    %dma_wait3A_518 = arith.constant 7999488 : i32
    %dma_wait3A_519 = tpu.memref_slice %arg5[%dma_wait3A_518] : memref<31997952xf32, #tpu.memory_space<hbm>> -> memref<7998592xf32, #tpu.memory_space<hbm>>
    %dma_wait3A_520 = arith.constant 0 : i32
    %dma_wait3A_521 = tpu.memref_slice %dma_wait3A_519[%dma_wait3A_520] : memref<7998592xf32, #tpu.memory_space<hbm>> -> memref<7998592xf32, #tpu.memory_space<hbm>>
    tpu.wait_indirect_dma semaphore(%arg28 : memref<!tpu.dma_semaphore, #tpu.memory_space<semaphore_mem>>) src(%dma_wait3A_521 : memref<7998592xf32, #tpu.memory_space<hbm>>) dst(%dma_wait3A_517 : memref<512xf32, #tpu.memory_space<vmem>>)
    %dma_wait3A_522 = arith.constant 4608 : i32
    %dma_wait3A_523 = tpu.memref_slice %arg19[%dma_wait3A_522] : memref<16384xf32, #tpu.memory_space<vmem>> -> memref<512xf32, #tpu.memory_space<vmem>>
    %dma_wait3A_524 = arith.constant 7999616 : i32
    %dma_wait3A_525 = tpu.memref_slice %arg4[%dma_wait3A_524] : memref<31997952xf32, #tpu.memory_space<hbm>> -> memref<7998592xf32, #tpu.memory_space<hbm>>
    %dma_wait3A_526 = arith.constant 0 : i32
    %dma_wait3A_527 = tpu.memref_slice %dma_wait3A_525[%dma_wait3A_526] : memref<7998592xf32, #tpu.memory_space<hbm>> -> memref<7998592xf32, #tpu.memory_space<hbm>>
    tpu.wait_indirect_dma semaphore(%arg28 : memref<!tpu.dma_semaphore, #tpu.memory_space<semaphore_mem>>) src(%dma_wait3A_527 : memref<7998592xf32, #tpu.memory_space<hbm>>) dst(%dma_wait3A_523 : memref<512xf32, #tpu.memory_space<vmem>>)
    %dma_wait3A_528 = arith.constant 4608 : i32
    %dma_wait3A_529 = tpu.memref_slice %arg20[%dma_wait3A_528] : memref<16384xf32, #tpu.memory_space<vmem>> -> memref<512xf32, #tpu.memory_space<vmem>>
    %dma_wait3A_530 = arith.constant 7999616 : i32
    %dma_wait3A_531 = tpu.memref_slice %arg5[%dma_wait3A_530] : memref<31997952xf32, #tpu.memory_space<hbm>> -> memref<7998592xf32, #tpu.memory_space<hbm>>
    %dma_wait3A_532 = arith.constant 0 : i32
    %dma_wait3A_533 = tpu.memref_slice %dma_wait3A_531[%dma_wait3A_532] : memref<7998592xf32, #tpu.memory_space<hbm>> -> memref<7998592xf32, #tpu.memory_space<hbm>>
    tpu.wait_indirect_dma semaphore(%arg28 : memref<!tpu.dma_semaphore, #tpu.memory_space<semaphore_mem>>) src(%dma_wait3A_533 : memref<7998592xf32, #tpu.memory_space<hbm>>) dst(%dma_wait3A_529 : memref<512xf32, #tpu.memory_space<vmem>>)
    %dma_wait3A_534 = arith.constant 5120 : i32
    %dma_wait3A_535 = tpu.memref_slice %arg19[%dma_wait3A_534] : memref<16384xf32, #tpu.memory_space<vmem>> -> memref<512xf32, #tpu.memory_space<vmem>>
    %dma_wait3A_536 = arith.constant 7999744 : i32
    %dma_wait3A_537 = tpu.memref_slice %arg4[%dma_wait3A_536] : memref<31997952xf32, #tpu.memory_space<hbm>> -> memref<7998592xf32, #tpu.memory_space<hbm>>
    %dma_wait3A_538 = arith.constant 0 : i32
    %dma_wait3A_539 = tpu.memref_slice %dma_wait3A_537[%dma_wait3A_538] : memref<7998592xf32, #tpu.memory_space<hbm>> -> memref<7998592xf32, #tpu.memory_space<hbm>>
    tpu.wait_indirect_dma semaphore(%arg28 : memref<!tpu.dma_semaphore, #tpu.memory_space<semaphore_mem>>) src(%dma_wait3A_539 : memref<7998592xf32, #tpu.memory_space<hbm>>) dst(%dma_wait3A_535 : memref<512xf32, #tpu.memory_space<vmem>>)
    %dma_wait3A_540 = arith.constant 5120 : i32
    %dma_wait3A_541 = tpu.memref_slice %arg20[%dma_wait3A_540] : memref<16384xf32, #tpu.memory_space<vmem>> -> memref<512xf32, #tpu.memory_space<vmem>>
    %dma_wait3A_542 = arith.constant 7999744 : i32
    %dma_wait3A_543 = tpu.memref_slice %arg5[%dma_wait3A_542] : memref<31997952xf32, #tpu.memory_space<hbm>> -> memref<7998592xf32, #tpu.memory_space<hbm>>
    %dma_wait3A_544 = arith.constant 0 : i32
    %dma_wait3A_545 = tpu.memref_slice %dma_wait3A_543[%dma_wait3A_544] : memref<7998592xf32, #tpu.memory_space<hbm>> -> memref<7998592xf32, #tpu.memory_space<hbm>>
    tpu.wait_indirect_dma semaphore(%arg28 : memref<!tpu.dma_semaphore, #tpu.memory_space<semaphore_mem>>) src(%dma_wait3A_545 : memref<7998592xf32, #tpu.memory_space<hbm>>) dst(%dma_wait3A_541 : memref<512xf32, #tpu.memory_space<vmem>>)
    %dma_wait3A_546 = arith.constant 5632 : i32
    %dma_wait3A_547 = tpu.memref_slice %arg19[%dma_wait3A_546] : memref<16384xf32, #tpu.memory_space<vmem>> -> memref<512xf32, #tpu.memory_space<vmem>>
    %dma_wait3A_548 = arith.constant 7999872 : i32
    %dma_wait3A_549 = tpu.memref_slice %arg4[%dma_wait3A_548] : memref<31997952xf32, #tpu.memory_space<hbm>> -> memref<7998592xf32, #tpu.memory_space<hbm>>
    %dma_wait3A_550 = arith.constant 0 : i32
    %dma_wait3A_551 = tpu.memref_slice %dma_wait3A_549[%dma_wait3A_550] : memref<7998592xf32, #tpu.memory_space<hbm>> -> memref<7998592xf32, #tpu.memory_space<hbm>>
    tpu.wait_indirect_dma semaphore(%arg28 : memref<!tpu.dma_semaphore, #tpu.memory_space<semaphore_mem>>) src(%dma_wait3A_551 : memref<7998592xf32, #tpu.memory_space<hbm>>) dst(%dma_wait3A_547 : memref<512xf32, #tpu.memory_space<vmem>>)
    %dma_wait3A_552 = arith.constant 5632 : i32
    %dma_wait3A_553 = tpu.memref_slice %arg20[%dma_wait3A_552] : memref<16384xf32, #tpu.memory_space<vmem>> -> memref<512xf32, #tpu.memory_space<vmem>>
    %dma_wait3A_554 = arith.constant 7999872 : i32
    %dma_wait3A_555 = tpu.memref_slice %arg5[%dma_wait3A_554] : memref<31997952xf32, #tpu.memory_space<hbm>> -> memref<7998592xf32, #tpu.memory_space<hbm>>
    %dma_wait3A_556 = arith.constant 0 : i32
    %dma_wait3A_557 = tpu.memref_slice %dma_wait3A_555[%dma_wait3A_556] : memref<7998592xf32, #tpu.memory_space<hbm>> -> memref<7998592xf32, #tpu.memory_space<hbm>>
    tpu.wait_indirect_dma semaphore(%arg28 : memref<!tpu.dma_semaphore, #tpu.memory_space<semaphore_mem>>) src(%dma_wait3A_557 : memref<7998592xf32, #tpu.memory_space<hbm>>) dst(%dma_wait3A_553 : memref<512xf32, #tpu.memory_space<vmem>>)
    %dma_wait3A_558 = arith.constant 6144 : i32
    %dma_wait3A_559 = tpu.memref_slice %arg19[%dma_wait3A_558] : memref<16384xf32, #tpu.memory_space<vmem>> -> memref<512xf32, #tpu.memory_space<vmem>>
    %dma_wait3A_560 = arith.constant 8000000 : i32
    %dma_wait3A_561 = tpu.memref_slice %arg4[%dma_wait3A_560] : memref<31997952xf32, #tpu.memory_space<hbm>> -> memref<7998592xf32, #tpu.memory_space<hbm>>
    %dma_wait3A_562 = arith.constant 0 : i32
    %dma_wait3A_563 = tpu.memref_slice %dma_wait3A_561[%dma_wait3A_562] : memref<7998592xf32, #tpu.memory_space<hbm>> -> memref<7998592xf32, #tpu.memory_space<hbm>>
    tpu.wait_indirect_dma semaphore(%arg28 : memref<!tpu.dma_semaphore, #tpu.memory_space<semaphore_mem>>) src(%dma_wait3A_563 : memref<7998592xf32, #tpu.memory_space<hbm>>) dst(%dma_wait3A_559 : memref<512xf32, #tpu.memory_space<vmem>>)
    %dma_wait3A_564 = arith.constant 6144 : i32
    %dma_wait3A_565 = tpu.memref_slice %arg20[%dma_wait3A_564] : memref<16384xf32, #tpu.memory_space<vmem>> -> memref<512xf32, #tpu.memory_space<vmem>>
    %dma_wait3A_566 = arith.constant 8000000 : i32
    %dma_wait3A_567 = tpu.memref_slice %arg5[%dma_wait3A_566] : memref<31997952xf32, #tpu.memory_space<hbm>> -> memref<7998592xf32, #tpu.memory_space<hbm>>
    %dma_wait3A_568 = arith.constant 0 : i32
    %dma_wait3A_569 = tpu.memref_slice %dma_wait3A_567[%dma_wait3A_568] : memref<7998592xf32, #tpu.memory_space<hbm>> -> memref<7998592xf32, #tpu.memory_space<hbm>>
    tpu.wait_indirect_dma semaphore(%arg28 : memref<!tpu.dma_semaphore, #tpu.memory_space<semaphore_mem>>) src(%dma_wait3A_569 : memref<7998592xf32, #tpu.memory_space<hbm>>) dst(%dma_wait3A_565 : memref<512xf32, #tpu.memory_space<vmem>>)
    %dma_wait3A_570 = arith.constant 6656 : i32
    %dma_wait3A_571 = tpu.memref_slice %arg19[%dma_wait3A_570] : memref<16384xf32, #tpu.memory_space<vmem>> -> memref<512xf32, #tpu.memory_space<vmem>>
    %dma_wait3A_572 = arith.constant 8000128 : i32
    %dma_wait3A_573 = tpu.memref_slice %arg4[%dma_wait3A_572] : memref<31997952xf32, #tpu.memory_space<hbm>> -> memref<7998592xf32, #tpu.memory_space<hbm>>
    %dma_wait3A_574 = arith.constant 0 : i32
    %dma_wait3A_575 = tpu.memref_slice %dma_wait3A_573[%dma_wait3A_574] : memref<7998592xf32, #tpu.memory_space<hbm>> -> memref<7998592xf32, #tpu.memory_space<hbm>>
    tpu.wait_indirect_dma semaphore(%arg28 : memref<!tpu.dma_semaphore, #tpu.memory_space<semaphore_mem>>) src(%dma_wait3A_575 : memref<7998592xf32, #tpu.memory_space<hbm>>) dst(%dma_wait3A_571 : memref<512xf32, #tpu.memory_space<vmem>>)
    %dma_wait3A_576 = arith.constant 6656 : i32
    %dma_wait3A_577 = tpu.memref_slice %arg20[%dma_wait3A_576] : memref<16384xf32, #tpu.memory_space<vmem>> -> memref<512xf32, #tpu.memory_space<vmem>>
    %dma_wait3A_578 = arith.constant 8000128 : i32
    %dma_wait3A_579 = tpu.memref_slice %arg5[%dma_wait3A_578] : memref<31997952xf32, #tpu.memory_space<hbm>> -> memref<7998592xf32, #tpu.memory_space<hbm>>
    %dma_wait3A_580 = arith.constant 0 : i32
    %dma_wait3A_581 = tpu.memref_slice %dma_wait3A_579[%dma_wait3A_580] : memref<7998592xf32, #tpu.memory_space<hbm>> -> memref<7998592xf32, #tpu.memory_space<hbm>>
    tpu.wait_indirect_dma semaphore(%arg28 : memref<!tpu.dma_semaphore, #tpu.memory_space<semaphore_mem>>) src(%dma_wait3A_581 : memref<7998592xf32, #tpu.memory_space<hbm>>) dst(%dma_wait3A_577 : memref<512xf32, #tpu.memory_space<vmem>>)
    %dma_wait3A_582 = arith.constant 7168 : i32
    %dma_wait3A_583 = tpu.memref_slice %arg19[%dma_wait3A_582] : memref<16384xf32, #tpu.memory_space<vmem>> -> memref<512xf32, #tpu.memory_space<vmem>>
    %dma_wait3A_584 = arith.constant 8000256 : i32
    %dma_wait3A_585 = tpu.memref_slice %arg4[%dma_wait3A_584] : memref<31997952xf32, #tpu.memory_space<hbm>> -> memref<7998592xf32, #tpu.memory_space<hbm>>
    %dma_wait3A_586 = arith.constant 0 : i32
    %dma_wait3A_587 = tpu.memref_slice %dma_wait3A_585[%dma_wait3A_586] : memref<7998592xf32, #tpu.memory_space<hbm>> -> memref<7998592xf32, #tpu.memory_space<hbm>>
    tpu.wait_indirect_dma semaphore(%arg28 : memref<!tpu.dma_semaphore, #tpu.memory_space<semaphore_mem>>) src(%dma_wait3A_587 : memref<7998592xf32, #tpu.memory_space<hbm>>) dst(%dma_wait3A_583 : memref<512xf32, #tpu.memory_space<vmem>>)
    %dma_wait3A_588 = arith.constant 7168 : i32
    %dma_wait3A_589 = tpu.memref_slice %arg20[%dma_wait3A_588] : memref<16384xf32, #tpu.memory_space<vmem>> -> memref<512xf32, #tpu.memory_space<vmem>>
    %dma_wait3A_590 = arith.constant 8000256 : i32
    %dma_wait3A_591 = tpu.memref_slice %arg5[%dma_wait3A_590] : memref<31997952xf32, #tpu.memory_space<hbm>> -> memref<7998592xf32, #tpu.memory_space<hbm>>
    %dma_wait3A_592 = arith.constant 0 : i32
    %dma_wait3A_593 = tpu.memref_slice %dma_wait3A_591[%dma_wait3A_592] : memref<7998592xf32, #tpu.memory_space<hbm>> -> memref<7998592xf32, #tpu.memory_space<hbm>>
    tpu.wait_indirect_dma semaphore(%arg28 : memref<!tpu.dma_semaphore, #tpu.memory_space<semaphore_mem>>) src(%dma_wait3A_593 : memref<7998592xf32, #tpu.memory_space<hbm>>) dst(%dma_wait3A_589 : memref<512xf32, #tpu.memory_space<vmem>>)
    %dma_wait3A_594 = arith.constant 7680 : i32
    %dma_wait3A_595 = tpu.memref_slice %arg19[%dma_wait3A_594] : memref<16384xf32, #tpu.memory_space<vmem>> -> memref<512xf32, #tpu.memory_space<vmem>>
    %dma_wait3A_596 = arith.constant 8000384 : i32
    %dma_wait3A_597 = tpu.memref_slice %arg4[%dma_wait3A_596] : memref<31997952xf32, #tpu.memory_space<hbm>> -> memref<7998592xf32, #tpu.memory_space<hbm>>
    %dma_wait3A_598 = arith.constant 0 : i32
    %dma_wait3A_599 = tpu.memref_slice %dma_wait3A_597[%dma_wait3A_598] : memref<7998592xf32, #tpu.memory_space<hbm>> -> memref<7998592xf32, #tpu.memory_space<hbm>>
    tpu.wait_indirect_dma semaphore(%arg28 : memref<!tpu.dma_semaphore, #tpu.memory_space<semaphore_mem>>) src(%dma_wait3A_599 : memref<7998592xf32, #tpu.memory_space<hbm>>) dst(%dma_wait3A_595 : memref<512xf32, #tpu.memory_space<vmem>>)
    %dma_wait3A_600 = arith.constant 7680 : i32
    %dma_wait3A_601 = tpu.memref_slice %arg20[%dma_wait3A_600] : memref<16384xf32, #tpu.memory_space<vmem>> -> memref<512xf32, #tpu.memory_space<vmem>>
    %dma_wait3A_602 = arith.constant 8000384 : i32
    %dma_wait3A_603 = tpu.memref_slice %arg5[%dma_wait3A_602] : memref<31997952xf32, #tpu.memory_space<hbm>> -> memref<7998592xf32, #tpu.memory_space<hbm>>
    %dma_wait3A_604 = arith.constant 0 : i32
    %dma_wait3A_605 = tpu.memref_slice %dma_wait3A_603[%dma_wait3A_604] : memref<7998592xf32, #tpu.memory_space<hbm>> -> memref<7998592xf32, #tpu.memory_space<hbm>>
    tpu.wait_indirect_dma semaphore(%arg28 : memref<!tpu.dma_semaphore, #tpu.memory_space<semaphore_mem>>) src(%dma_wait3A_605 : memref<7998592xf32, #tpu.memory_space<hbm>>) dst(%dma_wait3A_601 : memref<512xf32, #tpu.memory_space<vmem>>)
    %dma_wait3A_606 = arith.constant 8192 : i32
    %dma_wait3A_607 = tpu.memref_slice %arg19[%dma_wait3A_606] : memref<16384xf32, #tpu.memory_space<vmem>> -> memref<512xf32, #tpu.memory_space<vmem>>
    %dma_wait3A_608 = arith.constant 15998976 : i32
    %dma_wait3A_609 = tpu.memref_slice %arg4[%dma_wait3A_608] : memref<31997952xf32, #tpu.memory_space<hbm>> -> memref<7998592xf32, #tpu.memory_space<hbm>>
    %dma_wait3A_610 = arith.constant 0 : i32
    %dma_wait3A_611 = tpu.memref_slice %dma_wait3A_609[%dma_wait3A_610] : memref<7998592xf32, #tpu.memory_space<hbm>> -> memref<7998592xf32, #tpu.memory_space<hbm>>
    tpu.wait_indirect_dma semaphore(%arg28 : memref<!tpu.dma_semaphore, #tpu.memory_space<semaphore_mem>>) src(%dma_wait3A_611 : memref<7998592xf32, #tpu.memory_space<hbm>>) dst(%dma_wait3A_607 : memref<512xf32, #tpu.memory_space<vmem>>)
    %dma_wait3A_612 = arith.constant 8192 : i32
    %dma_wait3A_613 = tpu.memref_slice %arg20[%dma_wait3A_612] : memref<16384xf32, #tpu.memory_space<vmem>> -> memref<512xf32, #tpu.memory_space<vmem>>
    %dma_wait3A_614 = arith.constant 15998976 : i32
    %dma_wait3A_615 = tpu.memref_slice %arg5[%dma_wait3A_614] : memref<31997952xf32, #tpu.memory_space<hbm>> -> memref<7998592xf32, #tpu.memory_space<hbm>>
    %dma_wait3A_616 = arith.constant 0 : i32
    %dma_wait3A_617 = tpu.memref_slice %dma_wait3A_615[%dma_wait3A_616] : memref<7998592xf32, #tpu.memory_space<hbm>> -> memref<7998592xf32, #tpu.memory_space<hbm>>
    tpu.wait_indirect_dma semaphore(%arg28 : memref<!tpu.dma_semaphore, #tpu.memory_space<semaphore_mem>>) src(%dma_wait3A_617 : memref<7998592xf32, #tpu.memory_space<hbm>>) dst(%dma_wait3A_613 : memref<512xf32, #tpu.memory_space<vmem>>)
    %dma_wait3A_618 = arith.constant 8704 : i32
    %dma_wait3A_619 = tpu.memref_slice %arg19[%dma_wait3A_618] : memref<16384xf32, #tpu.memory_space<vmem>> -> memref<512xf32, #tpu.memory_space<vmem>>
    %dma_wait3A_620 = arith.constant 15999104 : i32
    %dma_wait3A_621 = tpu.memref_slice %arg4[%dma_wait3A_620] : memref<31997952xf32, #tpu.memory_space<hbm>> -> memref<7998592xf32, #tpu.memory_space<hbm>>
    %dma_wait3A_622 = arith.constant 0 : i32
    %dma_wait3A_623 = tpu.memref_slice %dma_wait3A_621[%dma_wait3A_622] : memref<7998592xf32, #tpu.memory_space<hbm>> -> memref<7998592xf32, #tpu.memory_space<hbm>>
    tpu.wait_indirect_dma semaphore(%arg28 : memref<!tpu.dma_semaphore, #tpu.memory_space<semaphore_mem>>) src(%dma_wait3A_623 : memref<7998592xf32, #tpu.memory_space<hbm>>) dst(%dma_wait3A_619 : memref<512xf32, #tpu.memory_space<vmem>>)
    %dma_wait3A_624 = arith.constant 8704 : i32
    %dma_wait3A_625 = tpu.memref_slice %arg20[%dma_wait3A_624] : memref<16384xf32, #tpu.memory_space<vmem>> -> memref<512xf32, #tpu.memory_space<vmem>>
    %dma_wait3A_626 = arith.constant 15999104 : i32
    %dma_wait3A_627 = tpu.memref_slice %arg5[%dma_wait3A_626] : memref<31997952xf32, #tpu.memory_space<hbm>> -> memref<7998592xf32, #tpu.memory_space<hbm>>
    %dma_wait3A_628 = arith.constant 0 : i32
    %dma_wait3A_629 = tpu.memref_slice %dma_wait3A_627[%dma_wait3A_628] : memref<7998592xf32, #tpu.memory_space<hbm>> -> memref<7998592xf32, #tpu.memory_space<hbm>>
    tpu.wait_indirect_dma semaphore(%arg28 : memref<!tpu.dma_semaphore, #tpu.memory_space<semaphore_mem>>) src(%dma_wait3A_629 : memref<7998592xf32, #tpu.memory_space<hbm>>) dst(%dma_wait3A_625 : memref<512xf32, #tpu.memory_space<vmem>>)
    %dma_wait3A_630 = arith.constant 9216 : i32
    %dma_wait3A_631 = tpu.memref_slice %arg19[%dma_wait3A_630] : memref<16384xf32, #tpu.memory_space<vmem>> -> memref<512xf32, #tpu.memory_space<vmem>>
    %dma_wait3A_632 = arith.constant 15999232 : i32
    %dma_wait3A_633 = tpu.memref_slice %arg4[%dma_wait3A_632] : memref<31997952xf32, #tpu.memory_space<hbm>> -> memref<7998592xf32, #tpu.memory_space<hbm>>
    %dma_wait3A_634 = arith.constant 0 : i32
    %dma_wait3A_635 = tpu.memref_slice %dma_wait3A_633[%dma_wait3A_634] : memref<7998592xf32, #tpu.memory_space<hbm>> -> memref<7998592xf32, #tpu.memory_space<hbm>>
    tpu.wait_indirect_dma semaphore(%arg28 : memref<!tpu.dma_semaphore, #tpu.memory_space<semaphore_mem>>) src(%dma_wait3A_635 : memref<7998592xf32, #tpu.memory_space<hbm>>) dst(%dma_wait3A_631 : memref<512xf32, #tpu.memory_space<vmem>>)
    %dma_wait3A_636 = arith.constant 9216 : i32
    %dma_wait3A_637 = tpu.memref_slice %arg20[%dma_wait3A_636] : memref<16384xf32, #tpu.memory_space<vmem>> -> memref<512xf32, #tpu.memory_space<vmem>>
    %dma_wait3A_638 = arith.constant 15999232 : i32
    %dma_wait3A_639 = tpu.memref_slice %arg5[%dma_wait3A_638] : memref<31997952xf32, #tpu.memory_space<hbm>> -> memref<7998592xf32, #tpu.memory_space<hbm>>
    %dma_wait3A_640 = arith.constant 0 : i32
    %dma_wait3A_641 = tpu.memref_slice %dma_wait3A_639[%dma_wait3A_640] : memref<7998592xf32, #tpu.memory_space<hbm>> -> memref<7998592xf32, #tpu.memory_space<hbm>>
    tpu.wait_indirect_dma semaphore(%arg28 : memref<!tpu.dma_semaphore, #tpu.memory_space<semaphore_mem>>) src(%dma_wait3A_641 : memref<7998592xf32, #tpu.memory_space<hbm>>) dst(%dma_wait3A_637 : memref<512xf32, #tpu.memory_space<vmem>>)
    %dma_wait3A_642 = arith.constant 9728 : i32
    %dma_wait3A_643 = tpu.memref_slice %arg19[%dma_wait3A_642] : memref<16384xf32, #tpu.memory_space<vmem>> -> memref<512xf32, #tpu.memory_space<vmem>>
    %dma_wait3A_644 = arith.constant 15999360 : i32
    %dma_wait3A_645 = tpu.memref_slice %arg4[%dma_wait3A_644] : memref<31997952xf32, #tpu.memory_space<hbm>> -> memref<7998592xf32, #tpu.memory_space<hbm>>
    %dma_wait3A_646 = arith.constant 0 : i32
    %dma_wait3A_647 = tpu.memref_slice %dma_wait3A_645[%dma_wait3A_646] : memref<7998592xf32, #tpu.memory_space<hbm>> -> memref<7998592xf32, #tpu.memory_space<hbm>>
    tpu.wait_indirect_dma semaphore(%arg28 : memref<!tpu.dma_semaphore, #tpu.memory_space<semaphore_mem>>) src(%dma_wait3A_647 : memref<7998592xf32, #tpu.memory_space<hbm>>) dst(%dma_wait3A_643 : memref<512xf32, #tpu.memory_space<vmem>>)
    %dma_wait3A_648 = arith.constant 9728 : i32
    %dma_wait3A_649 = tpu.memref_slice %arg20[%dma_wait3A_648] : memref<16384xf32, #tpu.memory_space<vmem>> -> memref<512xf32, #tpu.memory_space<vmem>>
    %dma_wait3A_650 = arith.constant 15999360 : i32
    %dma_wait3A_651 = tpu.memref_slice %arg5[%dma_wait3A_650] : memref<31997952xf32, #tpu.memory_space<hbm>> -> memref<7998592xf32, #tpu.memory_space<hbm>>
    %dma_wait3A_652 = arith.constant 0 : i32
    %dma_wait3A_653 = tpu.memref_slice %dma_wait3A_651[%dma_wait3A_652] : memref<7998592xf32, #tpu.memory_space<hbm>> -> memref<7998592xf32, #tpu.memory_space<hbm>>
    tpu.wait_indirect_dma semaphore(%arg28 : memref<!tpu.dma_semaphore, #tpu.memory_space<semaphore_mem>>) src(%dma_wait3A_653 : memref<7998592xf32, #tpu.memory_space<hbm>>) dst(%dma_wait3A_649 : memref<512xf32, #tpu.memory_space<vmem>>)
    %dma_wait3A_654 = arith.constant 10240 : i32
    %dma_wait3A_655 = tpu.memref_slice %arg19[%dma_wait3A_654] : memref<16384xf32, #tpu.memory_space<vmem>> -> memref<512xf32, #tpu.memory_space<vmem>>
    %dma_wait3A_656 = arith.constant 15999488 : i32
    %dma_wait3A_657 = tpu.memref_slice %arg4[%dma_wait3A_656] : memref<31997952xf32, #tpu.memory_space<hbm>> -> memref<7998592xf32, #tpu.memory_space<hbm>>
    %dma_wait3A_658 = arith.constant 0 : i32
    %dma_wait3A_659 = tpu.memref_slice %dma_wait3A_657[%dma_wait3A_658] : memref<7998592xf32, #tpu.memory_space<hbm>> -> memref<7998592xf32, #tpu.memory_space<hbm>>
    tpu.wait_indirect_dma semaphore(%arg28 : memref<!tpu.dma_semaphore, #tpu.memory_space<semaphore_mem>>) src(%dma_wait3A_659 : memref<7998592xf32, #tpu.memory_space<hbm>>) dst(%dma_wait3A_655 : memref<512xf32, #tpu.memory_space<vmem>>)
    %dma_wait3A_660 = arith.constant 10240 : i32
    %dma_wait3A_661 = tpu.memref_slice %arg20[%dma_wait3A_660] : memref<16384xf32, #tpu.memory_space<vmem>> -> memref<512xf32, #tpu.memory_space<vmem>>
    %dma_wait3A_662 = arith.constant 15999488 : i32
    %dma_wait3A_663 = tpu.memref_slice %arg5[%dma_wait3A_662] : memref<31997952xf32, #tpu.memory_space<hbm>> -> memref<7998592xf32, #tpu.memory_space<hbm>>
    %dma_wait3A_664 = arith.constant 0 : i32
    %dma_wait3A_665 = tpu.memref_slice %dma_wait3A_663[%dma_wait3A_664] : memref<7998592xf32, #tpu.memory_space<hbm>> -> memref<7998592xf32, #tpu.memory_space<hbm>>
    tpu.wait_indirect_dma semaphore(%arg28 : memref<!tpu.dma_semaphore, #tpu.memory_space<semaphore_mem>>) src(%dma_wait3A_665 : memref<7998592xf32, #tpu.memory_space<hbm>>) dst(%dma_wait3A_661 : memref<512xf32, #tpu.memory_space<vmem>>)
    %dma_wait3A_666 = arith.constant 10752 : i32
    %dma_wait3A_667 = tpu.memref_slice %arg19[%dma_wait3A_666] : memref<16384xf32, #tpu.memory_space<vmem>> -> memref<512xf32, #tpu.memory_space<vmem>>
    %dma_wait3A_668 = arith.constant 15999616 : i32
    %dma_wait3A_669 = tpu.memref_slice %arg4[%dma_wait3A_668] : memref<31997952xf32, #tpu.memory_space<hbm>> -> memref<7998592xf32, #tpu.memory_space<hbm>>
    %dma_wait3A_670 = arith.constant 0 : i32
    %dma_wait3A_671 = tpu.memref_slice %dma_wait3A_669[%dma_wait3A_670] : memref<7998592xf32, #tpu.memory_space<hbm>> -> memref<7998592xf32, #tpu.memory_space<hbm>>
    tpu.wait_indirect_dma semaphore(%arg28 : memref<!tpu.dma_semaphore, #tpu.memory_space<semaphore_mem>>) src(%dma_wait3A_671 : memref<7998592xf32, #tpu.memory_space<hbm>>) dst(%dma_wait3A_667 : memref<512xf32, #tpu.memory_space<vmem>>)
    %dma_wait3A_672 = arith.constant 10752 : i32
    %dma_wait3A_673 = tpu.memref_slice %arg20[%dma_wait3A_672] : memref<16384xf32, #tpu.memory_space<vmem>> -> memref<512xf32, #tpu.memory_space<vmem>>
    %dma_wait3A_674 = arith.constant 15999616 : i32
    %dma_wait3A_675 = tpu.memref_slice %arg5[%dma_wait3A_674] : memref<31997952xf32, #tpu.memory_space<hbm>> -> memref<7998592xf32, #tpu.memory_space<hbm>>
    %dma_wait3A_676 = arith.constant 0 : i32
    %dma_wait3A_677 = tpu.memref_slice %dma_wait3A_675[%dma_wait3A_676] : memref<7998592xf32, #tpu.memory_space<hbm>> -> memref<7998592xf32, #tpu.memory_space<hbm>>
    tpu.wait_indirect_dma semaphore(%arg28 : memref<!tpu.dma_semaphore, #tpu.memory_space<semaphore_mem>>) src(%dma_wait3A_677 : memref<7998592xf32, #tpu.memory_space<hbm>>) dst(%dma_wait3A_673 : memref<512xf32, #tpu.memory_space<vmem>>)
    %dma_wait3A_678 = arith.constant 11264 : i32
    %dma_wait3A_679 = tpu.memref_slice %arg19[%dma_wait3A_678] : memref<16384xf32, #tpu.memory_space<vmem>> -> memref<512xf32, #tpu.memory_space<vmem>>
    %dma_wait3A_680 = arith.constant 15999744 : i32
    %dma_wait3A_681 = tpu.memref_slice %arg4[%dma_wait3A_680] : memref<31997952xf32, #tpu.memory_space<hbm>> -> memref<7998592xf32, #tpu.memory_space<hbm>>
    %dma_wait3A_682 = arith.constant 0 : i32
    %dma_wait3A_683 = tpu.memref_slice %dma_wait3A_681[%dma_wait3A_682] : memref<7998592xf32, #tpu.memory_space<hbm>> -> memref<7998592xf32, #tpu.memory_space<hbm>>
    tpu.wait_indirect_dma semaphore(%arg28 : memref<!tpu.dma_semaphore, #tpu.memory_space<semaphore_mem>>) src(%dma_wait3A_683 : memref<7998592xf32, #tpu.memory_space<hbm>>) dst(%dma_wait3A_679 : memref<512xf32, #tpu.memory_space<vmem>>)
    %dma_wait3A_684 = arith.constant 11264 : i32
    %dma_wait3A_685 = tpu.memref_slice %arg20[%dma_wait3A_684] : memref<16384xf32, #tpu.memory_space<vmem>> -> memref<512xf32, #tpu.memory_space<vmem>>
    %dma_wait3A_686 = arith.constant 15999744 : i32
    %dma_wait3A_687 = tpu.memref_slice %arg5[%dma_wait3A_686] : memref<31997952xf32, #tpu.memory_space<hbm>> -> memref<7998592xf32, #tpu.memory_space<hbm>>
    %dma_wait3A_688 = arith.constant 0 : i32
    %dma_wait3A_689 = tpu.memref_slice %dma_wait3A_687[%dma_wait3A_688] : memref<7998592xf32, #tpu.memory_space<hbm>> -> memref<7998592xf32, #tpu.memory_space<hbm>>
    tpu.wait_indirect_dma semaphore(%arg28 : memref<!tpu.dma_semaphore, #tpu.memory_space<semaphore_mem>>) src(%dma_wait3A_689 : memref<7998592xf32, #tpu.memory_space<hbm>>) dst(%dma_wait3A_685 : memref<512xf32, #tpu.memory_space<vmem>>)
    %dma_wait3A_690 = arith.constant 11776 : i32
    %dma_wait3A_691 = tpu.memref_slice %arg19[%dma_wait3A_690] : memref<16384xf32, #tpu.memory_space<vmem>> -> memref<512xf32, #tpu.memory_space<vmem>>
    %dma_wait3A_692 = arith.constant 15999872 : i32
    %dma_wait3A_693 = tpu.memref_slice %arg4[%dma_wait3A_692] : memref<31997952xf32, #tpu.memory_space<hbm>> -> memref<7998592xf32, #tpu.memory_space<hbm>>
    %dma_wait3A_694 = arith.constant 0 : i32
    %dma_wait3A_695 = tpu.memref_slice %dma_wait3A_693[%dma_wait3A_694] : memref<7998592xf32, #tpu.memory_space<hbm>> -> memref<7998592xf32, #tpu.memory_space<hbm>>
    tpu.wait_indirect_dma semaphore(%arg28 : memref<!tpu.dma_semaphore, #tpu.memory_space<semaphore_mem>>) src(%dma_wait3A_695 : memref<7998592xf32, #tpu.memory_space<hbm>>) dst(%dma_wait3A_691 : memref<512xf32, #tpu.memory_space<vmem>>)
    %dma_wait3A_696 = arith.constant 11776 : i32
    %dma_wait3A_697 = tpu.memref_slice %arg20[%dma_wait3A_696] : memref<16384xf32, #tpu.memory_space<vmem>> -> memref<512xf32, #tpu.memory_space<vmem>>
    %dma_wait3A_698 = arith.constant 15999872 : i32
    %dma_wait3A_699 = tpu.memref_slice %arg5[%dma_wait3A_698] : memref<31997952xf32, #tpu.memory_space<hbm>> -> memref<7998592xf32, #tpu.memory_space<hbm>>
    %dma_wait3A_700 = arith.constant 0 : i32
    %dma_wait3A_701 = tpu.memref_slice %dma_wait3A_699[%dma_wait3A_700] : memref<7998592xf32, #tpu.memory_space<hbm>> -> memref<7998592xf32, #tpu.memory_space<hbm>>
    tpu.wait_indirect_dma semaphore(%arg28 : memref<!tpu.dma_semaphore, #tpu.memory_space<semaphore_mem>>) src(%dma_wait3A_701 : memref<7998592xf32, #tpu.memory_space<hbm>>) dst(%dma_wait3A_697 : memref<512xf32, #tpu.memory_space<vmem>>)
    %dma_wait3A_702 = arith.constant 12288 : i32
    %dma_wait3A_703 = tpu.memref_slice %arg19[%dma_wait3A_702] : memref<16384xf32, #tpu.memory_space<vmem>> -> memref<512xf32, #tpu.memory_space<vmem>>
    %dma_wait3A_704 = arith.constant 23998464 : i32
    %dma_wait3A_705 = tpu.memref_slice %arg4[%dma_wait3A_704] : memref<31997952xf32, #tpu.memory_space<hbm>> -> memref<7998592xf32, #tpu.memory_space<hbm>>
    %dma_wait3A_706 = arith.constant 0 : i32
    %dma_wait3A_707 = tpu.memref_slice %dma_wait3A_705[%dma_wait3A_706] : memref<7998592xf32, #tpu.memory_space<hbm>> -> memref<7998592xf32, #tpu.memory_space<hbm>>
    tpu.wait_indirect_dma semaphore(%arg28 : memref<!tpu.dma_semaphore, #tpu.memory_space<semaphore_mem>>) src(%dma_wait3A_707 : memref<7998592xf32, #tpu.memory_space<hbm>>) dst(%dma_wait3A_703 : memref<512xf32, #tpu.memory_space<vmem>>)
    %dma_wait3A_708 = arith.constant 12288 : i32
    %dma_wait3A_709 = tpu.memref_slice %arg20[%dma_wait3A_708] : memref<16384xf32, #tpu.memory_space<vmem>> -> memref<512xf32, #tpu.memory_space<vmem>>
    %dma_wait3A_710 = arith.constant 23998464 : i32
    %dma_wait3A_711 = tpu.memref_slice %arg5[%dma_wait3A_710] : memref<31997952xf32, #tpu.memory_space<hbm>> -> memref<7998592xf32, #tpu.memory_space<hbm>>
    %dma_wait3A_712 = arith.constant 0 : i32
    %dma_wait3A_713 = tpu.memref_slice %dma_wait3A_711[%dma_wait3A_712] : memref<7998592xf32, #tpu.memory_space<hbm>> -> memref<7998592xf32, #tpu.memory_space<hbm>>
    tpu.wait_indirect_dma semaphore(%arg28 : memref<!tpu.dma_semaphore, #tpu.memory_space<semaphore_mem>>) src(%dma_wait3A_713 : memref<7998592xf32, #tpu.memory_space<hbm>>) dst(%dma_wait3A_709 : memref<512xf32, #tpu.memory_space<vmem>>)
    %dma_wait3A_714 = arith.constant 12800 : i32
    %dma_wait3A_715 = tpu.memref_slice %arg19[%dma_wait3A_714] : memref<16384xf32, #tpu.memory_space<vmem>> -> memref<512xf32, #tpu.memory_space<vmem>>
    %dma_wait3A_716 = arith.constant 23998592 : i32
    %dma_wait3A_717 = tpu.memref_slice %arg4[%dma_wait3A_716] : memref<31997952xf32, #tpu.memory_space<hbm>> -> memref<7998592xf32, #tpu.memory_space<hbm>>
    %dma_wait3A_718 = arith.constant 0 : i32
    %dma_wait3A_719 = tpu.memref_slice %dma_wait3A_717[%dma_wait3A_718] : memref<7998592xf32, #tpu.memory_space<hbm>> -> memref<7998592xf32, #tpu.memory_space<hbm>>
    tpu.wait_indirect_dma semaphore(%arg28 : memref<!tpu.dma_semaphore, #tpu.memory_space<semaphore_mem>>) src(%dma_wait3A_719 : memref<7998592xf32, #tpu.memory_space<hbm>>) dst(%dma_wait3A_715 : memref<512xf32, #tpu.memory_space<vmem>>)
    %dma_wait3A_720 = arith.constant 12800 : i32
    %dma_wait3A_721 = tpu.memref_slice %arg20[%dma_wait3A_720] : memref<16384xf32, #tpu.memory_space<vmem>> -> memref<512xf32, #tpu.memory_space<vmem>>
    %dma_wait3A_722 = arith.constant 23998592 : i32
    %dma_wait3A_723 = tpu.memref_slice %arg5[%dma_wait3A_722] : memref<31997952xf32, #tpu.memory_space<hbm>> -> memref<7998592xf32, #tpu.memory_space<hbm>>
    %dma_wait3A_724 = arith.constant 0 : i32
    %dma_wait3A_725 = tpu.memref_slice %dma_wait3A_723[%dma_wait3A_724] : memref<7998592xf32, #tpu.memory_space<hbm>> -> memref<7998592xf32, #tpu.memory_space<hbm>>
    tpu.wait_indirect_dma semaphore(%arg28 : memref<!tpu.dma_semaphore, #tpu.memory_space<semaphore_mem>>) src(%dma_wait3A_725 : memref<7998592xf32, #tpu.memory_space<hbm>>) dst(%dma_wait3A_721 : memref<512xf32, #tpu.memory_space<vmem>>)
    %dma_wait3A_726 = arith.constant 13312 : i32
    %dma_wait3A_727 = tpu.memref_slice %arg19[%dma_wait3A_726] : memref<16384xf32, #tpu.memory_space<vmem>> -> memref<512xf32, #tpu.memory_space<vmem>>
    %dma_wait3A_728 = arith.constant 23998720 : i32
    %dma_wait3A_729 = tpu.memref_slice %arg4[%dma_wait3A_728] : memref<31997952xf32, #tpu.memory_space<hbm>> -> memref<7998592xf32, #tpu.memory_space<hbm>>
    %dma_wait3A_730 = arith.constant 0 : i32
    %dma_wait3A_731 = tpu.memref_slice %dma_wait3A_729[%dma_wait3A_730] : memref<7998592xf32, #tpu.memory_space<hbm>> -> memref<7998592xf32, #tpu.memory_space<hbm>>
    tpu.wait_indirect_dma semaphore(%arg28 : memref<!tpu.dma_semaphore, #tpu.memory_space<semaphore_mem>>) src(%dma_wait3A_731 : memref<7998592xf32, #tpu.memory_space<hbm>>) dst(%dma_wait3A_727 : memref<512xf32, #tpu.memory_space<vmem>>)
    %dma_wait3A_732 = arith.constant 13312 : i32
    %dma_wait3A_733 = tpu.memref_slice %arg20[%dma_wait3A_732] : memref<16384xf32, #tpu.memory_space<vmem>> -> memref<512xf32, #tpu.memory_space<vmem>>
    %dma_wait3A_734 = arith.constant 23998720 : i32
    %dma_wait3A_735 = tpu.memref_slice %arg5[%dma_wait3A_734] : memref<31997952xf32, #tpu.memory_space<hbm>> -> memref<7998592xf32, #tpu.memory_space<hbm>>
    %dma_wait3A_736 = arith.constant 0 : i32
    %dma_wait3A_737 = tpu.memref_slice %dma_wait3A_735[%dma_wait3A_736] : memref<7998592xf32, #tpu.memory_space<hbm>> -> memref<7998592xf32, #tpu.memory_space<hbm>>
    tpu.wait_indirect_dma semaphore(%arg28 : memref<!tpu.dma_semaphore, #tpu.memory_space<semaphore_mem>>) src(%dma_wait3A_737 : memref<7998592xf32, #tpu.memory_space<hbm>>) dst(%dma_wait3A_733 : memref<512xf32, #tpu.memory_space<vmem>>)
    %dma_wait3A_738 = arith.constant 13824 : i32
    %dma_wait3A_739 = tpu.memref_slice %arg19[%dma_wait3A_738] : memref<16384xf32, #tpu.memory_space<vmem>> -> memref<512xf32, #tpu.memory_space<vmem>>
    %dma_wait3A_740 = arith.constant 23998848 : i32
    %dma_wait3A_741 = tpu.memref_slice %arg4[%dma_wait3A_740] : memref<31997952xf32, #tpu.memory_space<hbm>> -> memref<7998592xf32, #tpu.memory_space<hbm>>
    %dma_wait3A_742 = arith.constant 0 : i32
    %dma_wait3A_743 = tpu.memref_slice %dma_wait3A_741[%dma_wait3A_742] : memref<7998592xf32, #tpu.memory_space<hbm>> -> memref<7998592xf32, #tpu.memory_space<hbm>>
    tpu.wait_indirect_dma semaphore(%arg28 : memref<!tpu.dma_semaphore, #tpu.memory_space<semaphore_mem>>) src(%dma_wait3A_743 : memref<7998592xf32, #tpu.memory_space<hbm>>) dst(%dma_wait3A_739 : memref<512xf32, #tpu.memory_space<vmem>>)
    %dma_wait3A_744 = arith.constant 13824 : i32
    %dma_wait3A_745 = tpu.memref_slice %arg20[%dma_wait3A_744] : memref<16384xf32, #tpu.memory_space<vmem>> -> memref<512xf32, #tpu.memory_space<vmem>>
    %dma_wait3A_746 = arith.constant 23998848 : i32
    %dma_wait3A_747 = tpu.memref_slice %arg5[%dma_wait3A_746] : memref<31997952xf32, #tpu.memory_space<hbm>> -> memref<7998592xf32, #tpu.memory_space<hbm>>
    %dma_wait3A_748 = arith.constant 0 : i32
    %dma_wait3A_749 = tpu.memref_slice %dma_wait3A_747[%dma_wait3A_748] : memref<7998592xf32, #tpu.memory_space<hbm>> -> memref<7998592xf32, #tpu.memory_space<hbm>>
    tpu.wait_indirect_dma semaphore(%arg28 : memref<!tpu.dma_semaphore, #tpu.memory_space<semaphore_mem>>) src(%dma_wait3A_749 : memref<7998592xf32, #tpu.memory_space<hbm>>) dst(%dma_wait3A_745 : memref<512xf32, #tpu.memory_space<vmem>>)
    %dma_wait3A_750 = arith.constant 14336 : i32
    %dma_wait3A_751 = tpu.memref_slice %arg19[%dma_wait3A_750] : memref<16384xf32, #tpu.memory_space<vmem>> -> memref<512xf32, #tpu.memory_space<vmem>>
    %dma_wait3A_752 = arith.constant 23998976 : i32
    %dma_wait3A_753 = tpu.memref_slice %arg4[%dma_wait3A_752] : memref<31997952xf32, #tpu.memory_space<hbm>> -> memref<7998592xf32, #tpu.memory_space<hbm>>
    %dma_wait3A_754 = arith.constant 0 : i32
    %dma_wait3A_755 = tpu.memref_slice %dma_wait3A_753[%dma_wait3A_754] : memref<7998592xf32, #tpu.memory_space<hbm>> -> memref<7998592xf32, #tpu.memory_space<hbm>>
    tpu.wait_indirect_dma semaphore(%arg28 : memref<!tpu.dma_semaphore, #tpu.memory_space<semaphore_mem>>) src(%dma_wait3A_755 : memref<7998592xf32, #tpu.memory_space<hbm>>) dst(%dma_wait3A_751 : memref<512xf32, #tpu.memory_space<vmem>>)
    %dma_wait3A_756 = arith.constant 14336 : i32
    %dma_wait3A_757 = tpu.memref_slice %arg20[%dma_wait3A_756] : memref<16384xf32, #tpu.memory_space<vmem>> -> memref<512xf32, #tpu.memory_space<vmem>>
    %dma_wait3A_758 = arith.constant 23998976 : i32
    %dma_wait3A_759 = tpu.memref_slice %arg5[%dma_wait3A_758] : memref<31997952xf32, #tpu.memory_space<hbm>> -> memref<7998592xf32, #tpu.memory_space<hbm>>
    %dma_wait3A_760 = arith.constant 0 : i32
    %dma_wait3A_761 = tpu.memref_slice %dma_wait3A_759[%dma_wait3A_760] : memref<7998592xf32, #tpu.memory_space<hbm>> -> memref<7998592xf32, #tpu.memory_space<hbm>>
    tpu.wait_indirect_dma semaphore(%arg28 : memref<!tpu.dma_semaphore, #tpu.memory_space<semaphore_mem>>) src(%dma_wait3A_761 : memref<7998592xf32, #tpu.memory_space<hbm>>) dst(%dma_wait3A_757 : memref<512xf32, #tpu.memory_space<vmem>>)
    %dma_wait3A_762 = arith.constant 14848 : i32
    %dma_wait3A_763 = tpu.memref_slice %arg19[%dma_wait3A_762] : memref<16384xf32, #tpu.memory_space<vmem>> -> memref<512xf32, #tpu.memory_space<vmem>>
    %dma_wait3A_764 = arith.constant 23999104 : i32
    %dma_wait3A_765 = tpu.memref_slice %arg4[%dma_wait3A_764] : memref<31997952xf32, #tpu.memory_space<hbm>> -> memref<7998592xf32, #tpu.memory_space<hbm>>
    %dma_wait3A_766 = arith.constant 0 : i32
    %dma_wait3A_767 = tpu.memref_slice %dma_wait3A_765[%dma_wait3A_766] : memref<7998592xf32, #tpu.memory_space<hbm>> -> memref<7998592xf32, #tpu.memory_space<hbm>>
    tpu.wait_indirect_dma semaphore(%arg28 : memref<!tpu.dma_semaphore, #tpu.memory_space<semaphore_mem>>) src(%dma_wait3A_767 : memref<7998592xf32, #tpu.memory_space<hbm>>) dst(%dma_wait3A_763 : memref<512xf32, #tpu.memory_space<vmem>>)
    %dma_wait3A_768 = arith.constant 14848 : i32
    %dma_wait3A_769 = tpu.memref_slice %arg20[%dma_wait3A_768] : memref<16384xf32, #tpu.memory_space<vmem>> -> memref<512xf32, #tpu.memory_space<vmem>>
    %dma_wait3A_770 = arith.constant 23999104 : i32
    %dma_wait3A_771 = tpu.memref_slice %arg5[%dma_wait3A_770] : memref<31997952xf32, #tpu.memory_space<hbm>> -> memref<7998592xf32, #tpu.memory_space<hbm>>
    %dma_wait3A_772 = arith.constant 0 : i32
    %dma_wait3A_773 = tpu.memref_slice %dma_wait3A_771[%dma_wait3A_772] : memref<7998592xf32, #tpu.memory_space<hbm>> -> memref<7998592xf32, #tpu.memory_space<hbm>>
    tpu.wait_indirect_dma semaphore(%arg28 : memref<!tpu.dma_semaphore, #tpu.memory_space<semaphore_mem>>) src(%dma_wait3A_773 : memref<7998592xf32, #tpu.memory_space<hbm>>) dst(%dma_wait3A_769 : memref<512xf32, #tpu.memory_space<vmem>>)
    %dma_wait3A_774 = arith.constant 15360 : i32
    %dma_wait3A_775 = tpu.memref_slice %arg19[%dma_wait3A_774] : memref<16384xf32, #tpu.memory_space<vmem>> -> memref<512xf32, #tpu.memory_space<vmem>>
    %dma_wait3A_776 = arith.constant 23999232 : i32
    %dma_wait3A_777 = tpu.memref_slice %arg4[%dma_wait3A_776] : memref<31997952xf32, #tpu.memory_space<hbm>> -> memref<7998592xf32, #tpu.memory_space<hbm>>
    %dma_wait3A_778 = arith.constant 0 : i32
    %dma_wait3A_779 = tpu.memref_slice %dma_wait3A_777[%dma_wait3A_778] : memref<7998592xf32, #tpu.memory_space<hbm>> -> memref<7998592xf32, #tpu.memory_space<hbm>>
    tpu.wait_indirect_dma semaphore(%arg28 : memref<!tpu.dma_semaphore, #tpu.memory_space<semaphore_mem>>) src(%dma_wait3A_779 : memref<7998592xf32, #tpu.memory_space<hbm>>) dst(%dma_wait3A_775 : memref<512xf32, #tpu.memory_space<vmem>>)
    %dma_wait3A_780 = arith.constant 15360 : i32
    %dma_wait3A_781 = tpu.memref_slice %arg20[%dma_wait3A_780] : memref<16384xf32, #tpu.memory_space<vmem>> -> memref<512xf32, #tpu.memory_space<vmem>>
    %dma_wait3A_782 = arith.constant 23999232 : i32
    %dma_wait3A_783 = tpu.memref_slice %arg5[%dma_wait3A_782] : memref<31997952xf32, #tpu.memory_space<hbm>> -> memref<7998592xf32, #tpu.memory_space<hbm>>
    %dma_wait3A_784 = arith.constant 0 : i32
    %dma_wait3A_785 = tpu.memref_slice %dma_wait3A_783[%dma_wait3A_784] : memref<7998592xf32, #tpu.memory_space<hbm>> -> memref<7998592xf32, #tpu.memory_space<hbm>>
    tpu.wait_indirect_dma semaphore(%arg28 : memref<!tpu.dma_semaphore, #tpu.memory_space<semaphore_mem>>) src(%dma_wait3A_785 : memref<7998592xf32, #tpu.memory_space<hbm>>) dst(%dma_wait3A_781 : memref<512xf32, #tpu.memory_space<vmem>>)
    %dma_wait3A_786 = arith.constant 15872 : i32
    %dma_wait3A_787 = tpu.memref_slice %arg19[%dma_wait3A_786] : memref<16384xf32, #tpu.memory_space<vmem>> -> memref<512xf32, #tpu.memory_space<vmem>>
    %dma_wait3A_788 = arith.constant 23999360 : i32
    %dma_wait3A_789 = tpu.memref_slice %arg4[%dma_wait3A_788] : memref<31997952xf32, #tpu.memory_space<hbm>> -> memref<7998592xf32, #tpu.memory_space<hbm>>
    %dma_wait3A_790 = arith.constant 0 : i32
    %dma_wait3A_791 = tpu.memref_slice %dma_wait3A_789[%dma_wait3A_790] : memref<7998592xf32, #tpu.memory_space<hbm>> -> memref<7998592xf32, #tpu.memory_space<hbm>>
    tpu.wait_indirect_dma semaphore(%arg28 : memref<!tpu.dma_semaphore, #tpu.memory_space<semaphore_mem>>) src(%dma_wait3A_791 : memref<7998592xf32, #tpu.memory_space<hbm>>) dst(%dma_wait3A_787 : memref<512xf32, #tpu.memory_space<vmem>>)
    %dma_wait3A_792 = arith.constant 15872 : i32
    %dma_wait3A_793 = tpu.memref_slice %arg20[%dma_wait3A_792] : memref<16384xf32, #tpu.memory_space<vmem>> -> memref<512xf32, #tpu.memory_space<vmem>>
    %dma_wait3A_794 = arith.constant 23999360 : i32
    %dma_wait3A_795 = tpu.memref_slice %arg5[%dma_wait3A_794] : memref<31997952xf32, #tpu.memory_space<hbm>> -> memref<7998592xf32, #tpu.memory_space<hbm>>
    %dma_wait3A_796 = arith.constant 0 : i32
    %dma_wait3A_797 = tpu.memref_slice %dma_wait3A_795[%dma_wait3A_796] : memref<7998592xf32, #tpu.memory_space<hbm>> -> memref<7998592xf32, #tpu.memory_space<hbm>>
    tpu.wait_indirect_dma semaphore(%arg28 : memref<!tpu.dma_semaphore, #tpu.memory_space<semaphore_mem>>) src(%dma_wait3A_797 : memref<7998592xf32, #tpu.memory_space<hbm>>) dst(%dma_wait3A_793 : memref<512xf32, #tpu.memory_space<vmem>>)
    %iota3A = tpu.iota {dimensions = array<i32: 0>} : vector<16xi32>
    %scan3A_798 = arith.constant 0 : i32
    %scan3A_799 = arith.constant 0 : i32
    %scan3A_800 = arith.constant 32 : i32
    %scan3A_801 = arith.addi %scan3A_799, %scan3A_800 : i32
    %scan3A_802 = arith.constant 1 : i32
    scf.for %scan3A_804 = %scan3A_799 to %scan3A_801 step %scan3A_802  : i32 {
      %mul3A_805 = arith.constant 16 : i32
      %mul3A_806 = arith.muli %scan3A_804, %mul3A_805 : i32
      %add3A_807 = vector.broadcast %mul3A_806 : i32 to vector<16xi32>
      %add3A_808 = arith.addi %add3A_807, %iota3A : vector<16xi32>
      %get3A = arith.index_cast %mul3A_806 : i32 to index
      %get3A_809 = tpu.vector_load %arg13[%get3A] {strides = array<i32>} : memref<512xi32, #tpu.memory_space<vmem>>, vector<16xi32>,
      %get3A_810 = arith.index_cast %mul3A_806 : i32 to index
      %get3A_811 = tpu.vector_load %arg14[%get3A_810] {strides = array<i32>} : memref<512xi32, #tpu.memory_space<vmem>>, vector<16xi32>,
      %ge3A = arith.constant 999936 : i32
      %ge3A_812 = vector.broadcast %ge3A : i32 to vector<16xi32>
      %ge3A_813 = arith.cmpi sge, %get3A_809, %ge3A_812 : vector<16xi32>
      %ge3A_814 = arith.constant 999936 : i32
      %ge3A_815 = vector.broadcast %ge3A_814 : i32 to vector<16xi32>
      %ge3A_816 = arith.cmpi sge, %get3A_811, %ge3A_815 : vector<16xi32>
      %get3A_817 = arith.index_cast %mul3A_806 : i32 to index
      %get3A_818 = tpu.vector_load %arg21[%get3A_817] {strides = array<i32>} : memref<512xf32, #tpu.memory_space<vmem>>, vector<16xf32>,
      %get3A_819 = arith.index_cast %mul3A_806 : i32 to index
      %get3A_820 = tpu.vector_load %arg22[%get3A_819] {strides = array<i32>} : memref<512xf32, #tpu.memory_space<vmem>>, vector<16xf32>,
      %or3A = arith.ori %ge3A_813, %ge3A_816 : vector<16xi1>
      %reduce_or3A = arith.constant 1.000000e+00 : f32
      %reduce_or3A_821 = arith.constant 0.000000e+00 : f32
      %reduce_or3A_822 = vector.broadcast %reduce_or3A : f32 to vector<16xf32>
      %reduce_or3A_823 = vector.broadcast %reduce_or3A_821 : f32 to vector<16xf32>
      %reduce_or3A_824 = arith.select %or3A, %reduce_or3A_822, %reduce_or3A_823 : vector<16xi1>, vector<16xf32>
      %reduce_or3A_825 = arith.constant true
      %reduce_or3A_826 = vector.broadcast %reduce_or3A_825 : i1 to vector<16xi1>
      %reduce_or3A_827 = tpu.scan <max>, %reduce_or3A_824 masked %reduce_or3A_826 : vector<16xf32>, vector<16xi1> -> vector<16xf32>
      %reduce_or3A_828 = vector.extract %reduce_or3A_827[15] : f32 from vector<16xf32>
      %reduce_or3A_829 = arith.constant 0.000000e+00 : f32
      %reduce_or3A_830 = arith.cmpf ogt, %reduce_or3A_828, %reduce_or3A_829 : f32
      %sub3A = arith.constant 999936 : i32
      %sub3A_831 = vector.broadcast %sub3A : i32 to vector<16xi32>
      %sub3A_832 = arith.subi %get3A_809, %sub3A_831 : vector<16xi32>
      %max3A = arith.constant 0 : i32
      %max3A_833 = vector.broadcast %max3A : i32 to vector<16xi32>
      %max3A_834 = arith.maxsi %sub3A_832, %max3A_833 : vector<16xi32>
      %min3A = arith.constant 63 : i32
      %min3A_835 = vector.broadcast %min3A : i32 to vector<16xi32>
      %min3A_836 = arith.minsi %max3A_834, %min3A_835 : vector<16xi32>
      %sub3A_837 = arith.constant 999936 : i32
      %sub3A_838 = vector.broadcast %sub3A_837 : i32 to vector<16xi32>
      %sub3A_839 = arith.subi %get3A_811, %sub3A_838 : vector<16xi32>
      %max3A_840 = arith.constant 0 : i32
      %max3A_841 = vector.broadcast %max3A_840 : i32 to vector<16xi32>
      %max3A_842 = arith.maxsi %sub3A_839, %max3A_841 : vector<16xi32>
      %min3A_843 = arith.constant 63 : i32
      %min3A_844 = vector.broadcast %min3A_843 : i32 to vector<16xi32>
      %min3A_845 = arith.minsi %max3A_842, %min3A_844 : vector<16xi32>
      %convert_element_type3A = arith.extui %reduce_or3A_830 : i1 to i32
      %cond3A = arith.constant 0 : i32
      %cond3A_846 = arith.cmpi ne, %convert_element_type3A, %cond3A : i32
      scf.if %cond3A_846 {
        %add3A_851 = arith.addf %get3A_818, %get3A_820 : vector<16xf32>
        %add3A_852 = arith.constant 0 : i32
        %add3A_853 = arith.addi %add3A_852, %mul3A_806 : i32
        %get3A_854 = arith.index_cast %add3A_853 : i32 to index
        %get3A_855 = tpu.vector_load %arg19[%get3A_854] {strides = array<i32>} : memref<16384xf32, #tpu.memory_space<vmem>>, vector<16xf32>,
        %add3A_856 = arith.constant 0 : i32
        %add3A_857 = arith.addi %add3A_856, %mul3A_806 : i32
        %get3A_858 = arith.index_cast %add3A_857 : i32 to index
        %get3A_859 = tpu.vector_load %arg20[%get3A_858] {strides = array<i32>} : memref<16384xf32, #tpu.memory_space<vmem>>, vector<16xf32>,
        %broadcast_in_dim3A = arith.constant 0 : i32
        %broadcast_in_dim3A_860 = vector.broadcast %broadcast_in_dim3A : i32 to vector<16xi32>
        %gather3A = tpu.vector_load_idx %arg23[%broadcast_in_dim3A_860, %min3A_836] : memref<32x64xf32, #tpu.memory_space<vmem>>[vector<16xi32>, vector<16xi32>], vector<16xf32>,
        %select_n3A = arith.select %ge3A_813, %gather3A, %get3A_855 : vector<16xi1>, vector<16xf32>
        %gather3A_861 = tpu.vector_load_idx %arg24[%broadcast_in_dim3A_860, %min3A_845] : memref<32x64xf32, #tpu.memory_space<vmem>>[vector<16xi32>, vector<16xi32>], vector<16xf32>,
        %select_n3A_862 = arith.select %ge3A_816, %gather3A_861, %get3A_859 : vector<16xi1>, vector<16xf32>
        %mul3A_863 = arith.mulf %select_n3A, %select_n3A_862 : vector<16xf32>
        %add3A_864 = arith.addf %add3A_851, %mul3A_863 : vector<16xf32>
        %add3A_865 = arith.constant 512 : i32
        %add3A_866 = arith.addi %add3A_865, %mul3A_806 : i32
        %get3A_867 = arith.index_cast %add3A_866 : i32 to index
        %get3A_868 = tpu.vector_load %arg19[%get3A_867] {strides = array<i32>} : memref<16384xf32, #tpu.memory_space<vmem>>, vector<16xf32>,
        %add3A_869 = arith.constant 512 : i32
        %add3A_870 = arith.addi %add3A_869, %mul3A_806 : i32
        %get3A_871 = arith.index_cast %add3A_870 : i32 to index
        %get3A_872 = tpu.vector_load %arg20[%get3A_871] {strides = array<i32>} : memref<16384xf32, #tpu.memory_space<vmem>>, vector<16xf32>,
        %broadcast_in_dim3A_873 = arith.constant 1 : i32
        %broadcast_in_dim3A_874 = vector.broadcast %broadcast_in_dim3A_873 : i32 to vector<16xi32>
        %gather3A_875 = tpu.vector_load_idx %arg23[%broadcast_in_dim3A_874, %min3A_836] : memref<32x64xf32, #tpu.memory_space<vmem>>[vector<16xi32>, vector<16xi32>], vector<16xf32>,
        %select_n3A_876 = arith.select %ge3A_813, %gather3A_875, %get3A_868 : vector<16xi1>, vector<16xf32>
        %gather3A_877 = tpu.vector_load_idx %arg24[%broadcast_in_dim3A_874, %min3A_845] : memref<32x64xf32, #tpu.memory_space<vmem>>[vector<16xi32>, vector<16xi32>], vector<16xf32>,
        %select_n3A_878 = arith.select %ge3A_816, %gather3A_877, %get3A_872 : vector<16xi1>, vector<16xf32>
        %mul3A_879 = arith.mulf %select_n3A_876, %select_n3A_878 : vector<16xf32>
        %add3A_880 = arith.addf %add3A_864, %mul3A_879 : vector<16xf32>
        %add3A_881 = arith.constant 1024 : i32
        %add3A_882 = arith.addi %add3A_881, %mul3A_806 : i32
        %get3A_883 = arith.index_cast %add3A_882 : i32 to index
        %get3A_884 = tpu.vector_load %arg19[%get3A_883] {strides = array<i32>} : memref<16384xf32, #tpu.memory_space<vmem>>, vector<16xf32>,
        %add3A_885 = arith.constant 1024 : i32
        %add3A_886 = arith.addi %add3A_885, %mul3A_806 : i32
        %get3A_887 = arith.index_cast %add3A_886 : i32 to index
        %get3A_888 = tpu.vector_load %arg20[%get3A_887] {strides = array<i32>} : memref<16384xf32, #tpu.memory_space<vmem>>, vector<16xf32>,
        %broadcast_in_dim3A_889 = arith.constant 2 : i32
        %broadcast_in_dim3A_890 = vector.broadcast %broadcast_in_dim3A_889 : i32 to vector<16xi32>
        %gather3A_891 = tpu.vector_load_idx %arg23[%broadcast_in_dim3A_890, %min3A_836] : memref<32x64xf32, #tpu.memory_space<vmem>>[vector<16xi32>, vector<16xi32>], vector<16xf32>,
        %select_n3A_892 = arith.select %ge3A_813, %gather3A_891, %get3A_884 : vector<16xi1>, vector<16xf32>
        %gather3A_893 = tpu.vector_load_idx %arg24[%broadcast_in_dim3A_890, %min3A_845] : memref<32x64xf32, #tpu.memory_space<vmem>>[vector<16xi32>, vector<16xi32>], vector<16xf32>,
        %select_n3A_894 = arith.select %ge3A_816, %gather3A_893, %get3A_888 : vector<16xi1>, vector<16xf32>
        %mul3A_895 = arith.mulf %select_n3A_892, %select_n3A_894 : vector<16xf32>
        %add3A_896 = arith.addf %add3A_880, %mul3A_895 : vector<16xf32>
        %add3A_897 = arith.constant 1536 : i32
        %add3A_898 = arith.addi %add3A_897, %mul3A_806 : i32
        %get3A_899 = arith.index_cast %add3A_898 : i32 to index
        %get3A_900 = tpu.vector_load %arg19[%get3A_899] {strides = array<i32>} : memref<16384xf32, #tpu.memory_space<vmem>>, vector<16xf32>,
        %add3A_901 = arith.constant 1536 : i32
        %add3A_902 = arith.addi %add3A_901, %mul3A_806 : i32
        %get3A_903 = arith.index_cast %add3A_902 : i32 to index
        %get3A_904 = tpu.vector_load %arg20[%get3A_903] {strides = array<i32>} : memref<16384xf32, #tpu.memory_space<vmem>>, vector<16xf32>,
        %broadcast_in_dim3A_905 = arith.constant 3 : i32
        %broadcast_in_dim3A_906 = vector.broadcast %broadcast_in_dim3A_905 : i32 to vector<16xi32>
        %gather3A_907 = tpu.vector_load_idx %arg23[%broadcast_in_dim3A_906, %min3A_836] : memref<32x64xf32, #tpu.memory_space<vmem>>[vector<16xi32>, vector<16xi32>], vector<16xf32>,
        %select_n3A_908 = arith.select %ge3A_813, %gather3A_907, %get3A_900 : vector<16xi1>, vector<16xf32>
        %gather3A_909 = tpu.vector_load_idx %arg24[%broadcast_in_dim3A_906, %min3A_845] : memref<32x64xf32, #tpu.memory_space<vmem>>[vector<16xi32>, vector<16xi32>], vector<16xf32>,
        %select_n3A_910 = arith.select %ge3A_816, %gather3A_909, %get3A_904 : vector<16xi1>, vector<16xf32>
        %mul3A_911 = arith.mulf %select_n3A_908, %select_n3A_910 : vector<16xf32>
        %add3A_912 = arith.addf %add3A_896, %mul3A_911 : vector<16xf32>
        %add3A_913 = arith.constant 2048 : i32
        %add3A_914 = arith.addi %add3A_913, %mul3A_806 : i32
        %get3A_915 = arith.index_cast %add3A_914 : i32 to index
        %get3A_916 = tpu.vector_load %arg19[%get3A_915] {strides = array<i32>} : memref<16384xf32, #tpu.memory_space<vmem>>, vector<16xf32>,
        %add3A_917 = arith.constant 2048 : i32
        %add3A_918 = arith.addi %add3A_917, %mul3A_806 : i32
        %get3A_919 = arith.index_cast %add3A_918 : i32 to index
        %get3A_920 = tpu.vector_load %arg20[%get3A_919] {strides = array<i32>} : memref<16384xf32, #tpu.memory_space<vmem>>, vector<16xf32>,
        %broadcast_in_dim3A_921 = arith.constant 4 : i32
        %broadcast_in_dim3A_922 = vector.broadcast %broadcast_in_dim3A_921 : i32 to vector<16xi32>
        %gather3A_923 = tpu.vector_load_idx %arg23[%broadcast_in_dim3A_922, %min3A_836] : memref<32x64xf32, #tpu.memory_space<vmem>>[vector<16xi32>, vector<16xi32>], vector<16xf32>,
        %select_n3A_924 = arith.select %ge3A_813, %gather3A_923, %get3A_916 : vector<16xi1>, vector<16xf32>
        %gather3A_925 = tpu.vector_load_idx %arg24[%broadcast_in_dim3A_922, %min3A_845] : memref<32x64xf32, #tpu.memory_space<vmem>>[vector<16xi32>, vector<16xi32>], vector<16xf32>,
        %select_n3A_926 = arith.select %ge3A_816, %gather3A_925, %get3A_920 : vector<16xi1>, vector<16xf32>
        %mul3A_927 = arith.mulf %select_n3A_924, %select_n3A_926 : vector<16xf32>
        %add3A_928 = arith.addf %add3A_912, %mul3A_927 : vector<16xf32>
        %add3A_929 = arith.constant 2560 : i32
        %add3A_930 = arith.addi %add3A_929, %mul3A_806 : i32
        %get3A_931 = arith.index_cast %add3A_930 : i32 to index
        %get3A_932 = tpu.vector_load %arg19[%get3A_931] {strides = array<i32>} : memref<16384xf32, #tpu.memory_space<vmem>>, vector<16xf32>,
        %add3A_933 = arith.constant 2560 : i32
        %add3A_934 = arith.addi %add3A_933, %mul3A_806 : i32
        %get3A_935 = arith.index_cast %add3A_934 : i32 to index
        %get3A_936 = tpu.vector_load %arg20[%get3A_935] {strides = array<i32>} : memref<16384xf32, #tpu.memory_space<vmem>>, vector<16xf32>,
        %broadcast_in_dim3A_937 = arith.constant 5 : i32
        %broadcast_in_dim3A_938 = vector.broadcast %broadcast_in_dim3A_937 : i32 to vector<16xi32>
        %gather3A_939 = tpu.vector_load_idx %arg23[%broadcast_in_dim3A_938, %min3A_836] : memref<32x64xf32, #tpu.memory_space<vmem>>[vector<16xi32>, vector<16xi32>], vector<16xf32>,
        %select_n3A_940 = arith.select %ge3A_813, %gather3A_939, %get3A_932 : vector<16xi1>, vector<16xf32>
        %gather3A_941 = tpu.vector_load_idx %arg24[%broadcast_in_dim3A_938, %min3A_845] : memref<32x64xf32, #tpu.memory_space<vmem>>[vector<16xi32>, vector<16xi32>], vector<16xf32>,
        %select_n3A_942 = arith.select %ge3A_816, %gather3A_941, %get3A_936 : vector<16xi1>, vector<16xf32>
        %mul3A_943 = arith.mulf %select_n3A_940, %select_n3A_942 : vector<16xf32>
        %add3A_944 = arith.addf %add3A_928, %mul3A_943 : vector<16xf32>
        %add3A_945 = arith.constant 3072 : i32
        %add3A_946 = arith.addi %add3A_945, %mul3A_806 : i32
        %get3A_947 = arith.index_cast %add3A_946 : i32 to index
        %get3A_948 = tpu.vector_load %arg19[%get3A_947] {strides = array<i32>} : memref<16384xf32, #tpu.memory_space<vmem>>, vector<16xf32>,
        %add3A_949 = arith.constant 3072 : i32
        %add3A_950 = arith.addi %add3A_949, %mul3A_806 : i32
        %get3A_951 = arith.index_cast %add3A_950 : i32 to index
        %get3A_952 = tpu.vector_load %arg20[%get3A_951] {strides = array<i32>} : memref<16384xf32, #tpu.memory_space<vmem>>, vector<16xf32>,
        %broadcast_in_dim3A_953 = arith.constant 6 : i32
        %broadcast_in_dim3A_954 = vector.broadcast %broadcast_in_dim3A_953 : i32 to vector<16xi32>
        %gather3A_955 = tpu.vector_load_idx %arg23[%broadcast_in_dim3A_954, %min3A_836] : memref<32x64xf32, #tpu.memory_space<vmem>>[vector<16xi32>, vector<16xi32>], vector<16xf32>,
        %select_n3A_956 = arith.select %ge3A_813, %gather3A_955, %get3A_948 : vector<16xi1>, vector<16xf32>
        %gather3A_957 = tpu.vector_load_idx %arg24[%broadcast_in_dim3A_954, %min3A_845] : memref<32x64xf32, #tpu.memory_space<vmem>>[vector<16xi32>, vector<16xi32>], vector<16xf32>,
        %select_n3A_958 = arith.select %ge3A_816, %gather3A_957, %get3A_952 : vector<16xi1>, vector<16xf32>
        %mul3A_959 = arith.mulf %select_n3A_956, %select_n3A_958 : vector<16xf32>
        %add3A_960 = arith.addf %add3A_944, %mul3A_959 : vector<16xf32>
        %add3A_961 = arith.constant 3584 : i32
        %add3A_962 = arith.addi %add3A_961, %mul3A_806 : i32
        %get3A_963 = arith.index_cast %add3A_962 : i32 to index
        %get3A_964 = tpu.vector_load %arg19[%get3A_963] {strides = array<i32>} : memref<16384xf32, #tpu.memory_space<vmem>>, vector<16xf32>,
        %add3A_965 = arith.constant 3584 : i32
        %add3A_966 = arith.addi %add3A_965, %mul3A_806 : i32
        %get3A_967 = arith.index_cast %add3A_966 : i32 to index
        %get3A_968 = tpu.vector_load %arg20[%get3A_967] {strides = array<i32>} : memref<16384xf32, #tpu.memory_space<vmem>>, vector<16xf32>,
        %broadcast_in_dim3A_969 = arith.constant 7 : i32
        %broadcast_in_dim3A_970 = vector.broadcast %broadcast_in_dim3A_969 : i32 to vector<16xi32>
        %gather3A_971 = tpu.vector_load_idx %arg23[%broadcast_in_dim3A_970, %min3A_836] : memref<32x64xf32, #tpu.memory_space<vmem>>[vector<16xi32>, vector<16xi32>], vector<16xf32>,
        %select_n3A_972 = arith.select %ge3A_813, %gather3A_971, %get3A_964 : vector<16xi1>, vector<16xf32>
        %gather3A_973 = tpu.vector_load_idx %arg24[%broadcast_in_dim3A_970, %min3A_845] : memref<32x64xf32, #tpu.memory_space<vmem>>[vector<16xi32>, vector<16xi32>], vector<16xf32>,
        %select_n3A_974 = arith.select %ge3A_816, %gather3A_973, %get3A_968 : vector<16xi1>, vector<16xf32>
        %mul3A_975 = arith.mulf %select_n3A_972, %select_n3A_974 : vector<16xf32>
        %add3A_976 = arith.addf %add3A_960, %mul3A_975 : vector<16xf32>
        %add3A_977 = arith.constant 4096 : i32
        %add3A_978 = arith.addi %add3A_977, %mul3A_806 : i32
        %get3A_979 = arith.index_cast %add3A_978 : i32 to index
        %get3A_980 = tpu.vector_load %arg19[%get3A_979] {strides = array<i32>} : memref<16384xf32, #tpu.memory_space<vmem>>, vector<16xf32>,
        %add3A_981 = arith.constant 4096 : i32
        %add3A_982 = arith.addi %add3A_981, %mul3A_806 : i32
        %get3A_983 = arith.index_cast %add3A_982 : i32 to index
        %get3A_984 = tpu.vector_load %arg20[%get3A_983] {strides = array<i32>} : memref<16384xf32, #tpu.memory_space<vmem>>, vector<16xf32>,
        %broadcast_in_dim3A_985 = arith.constant 8 : i32
        %broadcast_in_dim3A_986 = vector.broadcast %broadcast_in_dim3A_985 : i32 to vector<16xi32>
        %gather3A_987 = tpu.vector_load_idx %arg23[%broadcast_in_dim3A_986, %min3A_836] : memref<32x64xf32, #tpu.memory_space<vmem>>[vector<16xi32>, vector<16xi32>], vector<16xf32>,
        %select_n3A_988 = arith.select %ge3A_813, %gather3A_987, %get3A_980 : vector<16xi1>, vector<16xf32>
        %gather3A_989 = tpu.vector_load_idx %arg24[%broadcast_in_dim3A_986, %min3A_845] : memref<32x64xf32, #tpu.memory_space<vmem>>[vector<16xi32>, vector<16xi32>], vector<16xf32>,
        %select_n3A_990 = arith.select %ge3A_816, %gather3A_989, %get3A_984 : vector<16xi1>, vector<16xf32>
        %mul3A_991 = arith.mulf %select_n3A_988, %select_n3A_990 : vector<16xf32>
        %add3A_992 = arith.addf %add3A_976, %mul3A_991 : vector<16xf32>
        %add3A_993 = arith.constant 4608 : i32
        %add3A_994 = arith.addi %add3A_993, %mul3A_806 : i32
        %get3A_995 = arith.index_cast %add3A_994 : i32 to index
        %get3A_996 = tpu.vector_load %arg19[%get3A_995] {strides = array<i32>} : memref<16384xf32, #tpu.memory_space<vmem>>, vector<16xf32>,
        %add3A_997 = arith.constant 4608 : i32
        %add3A_998 = arith.addi %add3A_997, %mul3A_806 : i32
        %get3A_999 = arith.index_cast %add3A_998 : i32 to index
        %get3A_1000 = tpu.vector_load %arg20[%get3A_999] {strides = array<i32>} : memref<16384xf32, #tpu.memory_space<vmem>>, vector<16xf32>,
        %broadcast_in_dim3A_1001 = arith.constant 9 : i32
        %broadcast_in_dim3A_1002 = vector.broadcast %broadcast_in_dim3A_1001 : i32 to vector<16xi32>
        %gather3A_1003 = tpu.vector_load_idx %arg23[%broadcast_in_dim3A_1002, %min3A_836] : memref<32x64xf32, #tpu.memory_space<vmem>>[vector<16xi32>, vector<16xi32>], vector<16xf32>,
        %select_n3A_1004 = arith.select %ge3A_813, %gather3A_1003, %get3A_996 : vector<16xi1>, vector<16xf32>
        %gather3A_1005 = tpu.vector_load_idx %arg24[%broadcast_in_dim3A_1002, %min3A_845] : memref<32x64xf32, #tpu.memory_space<vmem>>[vector<16xi32>, vector<16xi32>], vector<16xf32>,
        %select_n3A_1006 = arith.select %ge3A_816, %gather3A_1005, %get3A_1000 : vector<16xi1>, vector<16xf32>
        %mul3A_1007 = arith.mulf %select_n3A_1004, %select_n3A_1006 : vector<16xf32>
        %add3A_1008 = arith.addf %add3A_992, %mul3A_1007 : vector<16xf32>
        %add3A_1009 = arith.constant 5120 : i32
        %add3A_1010 = arith.addi %add3A_1009, %mul3A_806 : i32
        %get3A_1011 = arith.index_cast %add3A_1010 : i32 to index
        %get3A_1012 = tpu.vector_load %arg19[%get3A_1011] {strides = array<i32>} : memref<16384xf32, #tpu.memory_space<vmem>>, vector<16xf32>,
        %add3A_1013 = arith.constant 5120 : i32
        %add3A_1014 = arith.addi %add3A_1013, %mul3A_806 : i32
        %get3A_1015 = arith.index_cast %add3A_1014 : i32 to index
        %get3A_1016 = tpu.vector_load %arg20[%get3A_1015] {strides = array<i32>} : memref<16384xf32, #tpu.memory_space<vmem>>, vector<16xf32>,
        %broadcast_in_dim3A_1017 = arith.constant 10 : i32
        %broadcast_in_dim3A_1018 = vector.broadcast %broadcast_in_dim3A_1017 : i32 to vector<16xi32>
        %gather3A_1019 = tpu.vector_load_idx %arg23[%broadcast_in_dim3A_1018, %min3A_836] : memref<32x64xf32, #tpu.memory_space<vmem>>[vector<16xi32>, vector<16xi32>], vector<16xf32>,
        %select_n3A_1020 = arith.select %ge3A_813, %gather3A_1019, %get3A_1012 : vector<16xi1>, vector<16xf32>
        %gather3A_1021 = tpu.vector_load_idx %arg24[%broadcast_in_dim3A_1018, %min3A_845] : memref<32x64xf32, #tpu.memory_space<vmem>>[vector<16xi32>, vector<16xi32>], vector<16xf32>,
        %select_n3A_1022 = arith.select %ge3A_816, %gather3A_1021, %get3A_1016 : vector<16xi1>, vector<16xf32>
        %mul3A_1023 = arith.mulf %select_n3A_1020, %select_n3A_1022 : vector<16xf32>
        %add3A_1024 = arith.addf %add3A_1008, %mul3A_1023 : vector<16xf32>
        %add3A_1025 = arith.constant 5632 : i32
        %add3A_1026 = arith.addi %add3A_1025, %mul3A_806 : i32
        %get3A_1027 = arith.index_cast %add3A_1026 : i32 to index
        %get3A_1028 = tpu.vector_load %arg19[%get3A_1027] {strides = array<i32>} : memref<16384xf32, #tpu.memory_space<vmem>>, vector<16xf32>,
        %add3A_1029 = arith.constant 5632 : i32
        %add3A_1030 = arith.addi %add3A_1029, %mul3A_806 : i32
        %get3A_1031 = arith.index_cast %add3A_1030 : i32 to index
        %get3A_1032 = tpu.vector_load %arg20[%get3A_1031] {strides = array<i32>} : memref<16384xf32, #tpu.memory_space<vmem>>, vector<16xf32>,
        %broadcast_in_dim3A_1033 = arith.constant 11 : i32
        %broadcast_in_dim3A_1034 = vector.broadcast %broadcast_in_dim3A_1033 : i32 to vector<16xi32>
        %gather3A_1035 = tpu.vector_load_idx %arg23[%broadcast_in_dim3A_1034, %min3A_836] : memref<32x64xf32, #tpu.memory_space<vmem>>[vector<16xi32>, vector<16xi32>], vector<16xf32>,
        %select_n3A_1036 = arith.select %ge3A_813, %gather3A_1035, %get3A_1028 : vector<16xi1>, vector<16xf32>
        %gather3A_1037 = tpu.vector_load_idx %arg24[%broadcast_in_dim3A_1034, %min3A_845] : memref<32x64xf32, #tpu.memory_space<vmem>>[vector<16xi32>, vector<16xi32>], vector<16xf32>,
        %select_n3A_1038 = arith.select %ge3A_816, %gather3A_1037, %get3A_1032 : vector<16xi1>, vector<16xf32>
        %mul3A_1039 = arith.mulf %select_n3A_1036, %select_n3A_1038 : vector<16xf32>
        %add3A_1040 = arith.addf %add3A_1024, %mul3A_1039 : vector<16xf32>
        %add3A_1041 = arith.constant 6144 : i32
        %add3A_1042 = arith.addi %add3A_1041, %mul3A_806 : i32
        %get3A_1043 = arith.index_cast %add3A_1042 : i32 to index
        %get3A_1044 = tpu.vector_load %arg19[%get3A_1043] {strides = array<i32>} : memref<16384xf32, #tpu.memory_space<vmem>>, vector<16xf32>,
        %add3A_1045 = arith.constant 6144 : i32
        %add3A_1046 = arith.addi %add3A_1045, %mul3A_806 : i32
        %get3A_1047 = arith.index_cast %add3A_1046 : i32 to index
        %get3A_1048 = tpu.vector_load %arg20[%get3A_1047] {strides = array<i32>} : memref<16384xf32, #tpu.memory_space<vmem>>, vector<16xf32>,
        %broadcast_in_dim3A_1049 = arith.constant 12 : i32
        %broadcast_in_dim3A_1050 = vector.broadcast %broadcast_in_dim3A_1049 : i32 to vector<16xi32>
        %gather3A_1051 = tpu.vector_load_idx %arg23[%broadcast_in_dim3A_1050, %min3A_836] : memref<32x64xf32, #tpu.memory_space<vmem>>[vector<16xi32>, vector<16xi32>], vector<16xf32>,
        %select_n3A_1052 = arith.select %ge3A_813, %gather3A_1051, %get3A_1044 : vector<16xi1>, vector<16xf32>
        %gather3A_1053 = tpu.vector_load_idx %arg24[%broadcast_in_dim3A_1050, %min3A_845] : memref<32x64xf32, #tpu.memory_space<vmem>>[vector<16xi32>, vector<16xi32>], vector<16xf32>,
        %select_n3A_1054 = arith.select %ge3A_816, %gather3A_1053, %get3A_1048 : vector<16xi1>, vector<16xf32>
        %mul3A_1055 = arith.mulf %select_n3A_1052, %select_n3A_1054 : vector<16xf32>
        %add3A_1056 = arith.addf %add3A_1040, %mul3A_1055 : vector<16xf32>
        %add3A_1057 = arith.constant 6656 : i32
        %add3A_1058 = arith.addi %add3A_1057, %mul3A_806 : i32
        %get3A_1059 = arith.index_cast %add3A_1058 : i32 to index
        %get3A_1060 = tpu.vector_load %arg19[%get3A_1059] {strides = array<i32>} : memref<16384xf32, #tpu.memory_space<vmem>>, vector<16xf32>,
        %add3A_1061 = arith.constant 6656 : i32
        %add3A_1062 = arith.addi %add3A_1061, %mul3A_806 : i32
        %get3A_1063 = arith.index_cast %add3A_1062 : i32 to index
        %get3A_1064 = tpu.vector_load %arg20[%get3A_1063] {strides = array<i32>} : memref<16384xf32, #tpu.memory_space<vmem>>, vector<16xf32>,
        %broadcast_in_dim3A_1065 = arith.constant 13 : i32
        %broadcast_in_dim3A_1066 = vector.broadcast %broadcast_in_dim3A_1065 : i32 to vector<16xi32>
        %gather3A_1067 = tpu.vector_load_idx %arg23[%broadcast_in_dim3A_1066, %min3A_836] : memref<32x64xf32, #tpu.memory_space<vmem>>[vector<16xi32>, vector<16xi32>], vector<16xf32>,
        %select_n3A_1068 = arith.select %ge3A_813, %gather3A_1067, %get3A_1060 : vector<16xi1>, vector<16xf32>
        %gather3A_1069 = tpu.vector_load_idx %arg24[%broadcast_in_dim3A_1066, %min3A_845] : memref<32x64xf32, #tpu.memory_space<vmem>>[vector<16xi32>, vector<16xi32>], vector<16xf32>,
        %select_n3A_1070 = arith.select %ge3A_816, %gather3A_1069, %get3A_1064 : vector<16xi1>, vector<16xf32>
        %mul3A_1071 = arith.mulf %select_n3A_1068, %select_n3A_1070 : vector<16xf32>
        %add3A_1072 = arith.addf %add3A_1056, %mul3A_1071 : vector<16xf32>
        %add3A_1073 = arith.constant 7168 : i32
        %add3A_1074 = arith.addi %add3A_1073, %mul3A_806 : i32
        %get3A_1075 = arith.index_cast %add3A_1074 : i32 to index
        %get3A_1076 = tpu.vector_load %arg19[%get3A_1075] {strides = array<i32>} : memref<16384xf32, #tpu.memory_space<vmem>>, vector<16xf32>,
        %add3A_1077 = arith.constant 7168 : i32
        %add3A_1078 = arith.addi %add3A_1077, %mul3A_806 : i32
        %get3A_1079 = arith.index_cast %add3A_1078 : i32 to index
        %get3A_1080 = tpu.vector_load %arg20[%get3A_1079] {strides = array<i32>} : memref<16384xf32, #tpu.memory_space<vmem>>, vector<16xf32>,
        %broadcast_in_dim3A_1081 = arith.constant 14 : i32
        %broadcast_in_dim3A_1082 = vector.broadcast %broadcast_in_dim3A_1081 : i32 to vector<16xi32>
        %gather3A_1083 = tpu.vector_load_idx %arg23[%broadcast_in_dim3A_1082, %min3A_836] : memref<32x64xf32, #tpu.memory_space<vmem>>[vector<16xi32>, vector<16xi32>], vector<16xf32>,
        %select_n3A_1084 = arith.select %ge3A_813, %gather3A_1083, %get3A_1076 : vector<16xi1>, vector<16xf32>
        %gather3A_1085 = tpu.vector_load_idx %arg24[%broadcast_in_dim3A_1082, %min3A_845] : memref<32x64xf32, #tpu.memory_space<vmem>>[vector<16xi32>, vector<16xi32>], vector<16xf32>,
        %select_n3A_1086 = arith.select %ge3A_816, %gather3A_1085, %get3A_1080 : vector<16xi1>, vector<16xf32>
        %mul3A_1087 = arith.mulf %select_n3A_1084, %select_n3A_1086 : vector<16xf32>
        %add3A_1088 = arith.addf %add3A_1072, %mul3A_1087 : vector<16xf32>
        %add3A_1089 = arith.constant 7680 : i32
        %add3A_1090 = arith.addi %add3A_1089, %mul3A_806 : i32
        %get3A_1091 = arith.index_cast %add3A_1090 : i32 to index
        %get3A_1092 = tpu.vector_load %arg19[%get3A_1091] {strides = array<i32>} : memref<16384xf32, #tpu.memory_space<vmem>>, vector<16xf32>,
        %add3A_1093 = arith.constant 7680 : i32
        %add3A_1094 = arith.addi %add3A_1093, %mul3A_806 : i32
        %get3A_1095 = arith.index_cast %add3A_1094 : i32 to index
        %get3A_1096 = tpu.vector_load %arg20[%get3A_1095] {strides = array<i32>} : memref<16384xf32, #tpu.memory_space<vmem>>, vector<16xf32>,
        %broadcast_in_dim3A_1097 = arith.constant 15 : i32
        %broadcast_in_dim3A_1098 = vector.broadcast %broadcast_in_dim3A_1097 : i32 to vector<16xi32>
        %gather3A_1099 = tpu.vector_load_idx %arg23[%broadcast_in_dim3A_1098, %min3A_836] : memref<32x64xf32, #tpu.memory_space<vmem>>[vector<16xi32>, vector<16xi32>], vector<16xf32>,
        %select_n3A_1100 = arith.select %ge3A_813, %gather3A_1099, %get3A_1092 : vector<16xi1>, vector<16xf32>
        %gather3A_1101 = tpu.vector_load_idx %arg24[%broadcast_in_dim3A_1098, %min3A_845] : memref<32x64xf32, #tpu.memory_space<vmem>>[vector<16xi32>, vector<16xi32>], vector<16xf32>,
        %select_n3A_1102 = arith.select %ge3A_816, %gather3A_1101, %get3A_1096 : vector<16xi1>, vector<16xf32>
        %mul3A_1103 = arith.mulf %select_n3A_1100, %select_n3A_1102 : vector<16xf32>
        %add3A_1104 = arith.addf %add3A_1088, %mul3A_1103 : vector<16xf32>
        %add3A_1105 = arith.constant 8192 : i32
        %add3A_1106 = arith.addi %add3A_1105, %mul3A_806 : i32
        %get3A_1107 = arith.index_cast %add3A_1106 : i32 to index
        %get3A_1108 = tpu.vector_load %arg19[%get3A_1107] {strides = array<i32>} : memref<16384xf32, #tpu.memory_space<vmem>>, vector<16xf32>,
        %add3A_1109 = arith.constant 8192 : i32
        %add3A_1110 = arith.addi %add3A_1109, %mul3A_806 : i32
        %get3A_1111 = arith.index_cast %add3A_1110 : i32 to index
        %get3A_1112 = tpu.vector_load %arg20[%get3A_1111] {strides = array<i32>} : memref<16384xf32, #tpu.memory_space<vmem>>, vector<16xf32>,
        %broadcast_in_dim3A_1113 = arith.constant 16 : i32
        %broadcast_in_dim3A_1114 = vector.broadcast %broadcast_in_dim3A_1113 : i32 to vector<16xi32>
        %gather3A_1115 = tpu.vector_load_idx %arg23[%broadcast_in_dim3A_1114, %min3A_836] : memref<32x64xf32, #tpu.memory_space<vmem>>[vector<16xi32>, vector<16xi32>], vector<16xf32>,
        %select_n3A_1116 = arith.select %ge3A_813, %gather3A_1115, %get3A_1108 : vector<16xi1>, vector<16xf32>
        %gather3A_1117 = tpu.vector_load_idx %arg24[%broadcast_in_dim3A_1114, %min3A_845] : memref<32x64xf32, #tpu.memory_space<vmem>>[vector<16xi32>, vector<16xi32>], vector<16xf32>,
        %select_n3A_1118 = arith.select %ge3A_816, %gather3A_1117, %get3A_1112 : vector<16xi1>, vector<16xf32>
        %mul3A_1119 = arith.mulf %select_n3A_1116, %select_n3A_1118 : vector<16xf32>
        %add3A_1120 = arith.addf %add3A_1104, %mul3A_1119 : vector<16xf32>
        %add3A_1121 = arith.constant 8704 : i32
        %add3A_1122 = arith.addi %add3A_1121, %mul3A_806 : i32
        %get3A_1123 = arith.index_cast %add3A_1122 : i32 to index
        %get3A_1124 = tpu.vector_load %arg19[%get3A_1123] {strides = array<i32>} : memref<16384xf32, #tpu.memory_space<vmem>>, vector<16xf32>,
        %add3A_1125 = arith.constant 8704 : i32
        %add3A_1126 = arith.addi %add3A_1125, %mul3A_806 : i32
        %get3A_1127 = arith.index_cast %add3A_1126 : i32 to index
        %get3A_1128 = tpu.vector_load %arg20[%get3A_1127] {strides = array<i32>} : memref<16384xf32, #tpu.memory_space<vmem>>, vector<16xf32>,
        %broadcast_in_dim3A_1129 = arith.constant 17 : i32
        %broadcast_in_dim3A_1130 = vector.broadcast %broadcast_in_dim3A_1129 : i32 to vector<16xi32>
        %gather3A_1131 = tpu.vector_load_idx %arg23[%broadcast_in_dim3A_1130, %min3A_836] : memref<32x64xf32, #tpu.memory_space<vmem>>[vector<16xi32>, vector<16xi32>], vector<16xf32>,
        %select_n3A_1132 = arith.select %ge3A_813, %gather3A_1131, %get3A_1124 : vector<16xi1>, vector<16xf32>
        %gather3A_1133 = tpu.vector_load_idx %arg24[%broadcast_in_dim3A_1130, %min3A_845] : memref<32x64xf32, #tpu.memory_space<vmem>>[vector<16xi32>, vector<16xi32>], vector<16xf32>,
        %select_n3A_1134 = arith.select %ge3A_816, %gather3A_1133, %get3A_1128 : vector<16xi1>, vector<16xf32>
        %mul3A_1135 = arith.mulf %select_n3A_1132, %select_n3A_1134 : vector<16xf32>
        %add3A_1136 = arith.addf %add3A_1120, %mul3A_1135 : vector<16xf32>
        %add3A_1137 = arith.constant 9216 : i32
        %add3A_1138 = arith.addi %add3A_1137, %mul3A_806 : i32
        %get3A_1139 = arith.index_cast %add3A_1138 : i32 to index
        %get3A_1140 = tpu.vector_load %arg19[%get3A_1139] {strides = array<i32>} : memref<16384xf32, #tpu.memory_space<vmem>>, vector<16xf32>,
        %add3A_1141 = arith.constant 9216 : i32
        %add3A_1142 = arith.addi %add3A_1141, %mul3A_806 : i32
        %get3A_1143 = arith.index_cast %add3A_1142 : i32 to index
        %get3A_1144 = tpu.vector_load %arg20[%get3A_1143] {strides = array<i32>} : memref<16384xf32, #tpu.memory_space<vmem>>, vector<16xf32>,
        %broadcast_in_dim3A_1145 = arith.constant 18 : i32
        %broadcast_in_dim3A_1146 = vector.broadcast %broadcast_in_dim3A_1145 : i32 to vector<16xi32>
        %gather3A_1147 = tpu.vector_load_idx %arg23[%broadcast_in_dim3A_1146, %min3A_836] : memref<32x64xf32, #tpu.memory_space<vmem>>[vector<16xi32>, vector<16xi32>], vector<16xf32>,
        %select_n3A_1148 = arith.select %ge3A_813, %gather3A_1147, %get3A_1140 : vector<16xi1>, vector<16xf32>
        %gather3A_1149 = tpu.vector_load_idx %arg24[%broadcast_in_dim3A_1146, %min3A_845] : memref<32x64xf32, #tpu.memory_space<vmem>>[vector<16xi32>, vector<16xi32>], vector<16xf32>,
        %select_n3A_1150 = arith.select %ge3A_816, %gather3A_1149, %get3A_1144 : vector<16xi1>, vector<16xf32>
        %mul3A_1151 = arith.mulf %select_n3A_1148, %select_n3A_1150 : vector<16xf32>
        %add3A_1152 = arith.addf %add3A_1136, %mul3A_1151 : vector<16xf32>
        %add3A_1153 = arith.constant 9728 : i32
        %add3A_1154 = arith.addi %add3A_1153, %mul3A_806 : i32
        %get3A_1155 = arith.index_cast %add3A_1154 : i32 to index
        %get3A_1156 = tpu.vector_load %arg19[%get3A_1155] {strides = array<i32>} : memref<16384xf32, #tpu.memory_space<vmem>>, vector<16xf32>,
        %add3A_1157 = arith.constant 9728 : i32
        %add3A_1158 = arith.addi %add3A_1157, %mul3A_806 : i32
        %get3A_1159 = arith.index_cast %add3A_1158 : i32 to index
        %get3A_1160 = tpu.vector_load %arg20[%get3A_1159] {strides = array<i32>} : memref<16384xf32, #tpu.memory_space<vmem>>, vector<16xf32>,
        %broadcast_in_dim3A_1161 = arith.constant 19 : i32
        %broadcast_in_dim3A_1162 = vector.broadcast %broadcast_in_dim3A_1161 : i32 to vector<16xi32>
        %gather3A_1163 = tpu.vector_load_idx %arg23[%broadcast_in_dim3A_1162, %min3A_836] : memref<32x64xf32, #tpu.memory_space<vmem>>[vector<16xi32>, vector<16xi32>], vector<16xf32>,
        %select_n3A_1164 = arith.select %ge3A_813, %gather3A_1163, %get3A_1156 : vector<16xi1>, vector<16xf32>
        %gather3A_1165 = tpu.vector_load_idx %arg24[%broadcast_in_dim3A_1162, %min3A_845] : memref<32x64xf32, #tpu.memory_space<vmem>>[vector<16xi32>, vector<16xi32>], vector<16xf32>,
        %select_n3A_1166 = arith.select %ge3A_816, %gather3A_1165, %get3A_1160 : vector<16xi1>, vector<16xf32>
        %mul3A_1167 = arith.mulf %select_n3A_1164, %select_n3A_1166 : vector<16xf32>
        %add3A_1168 = arith.addf %add3A_1152, %mul3A_1167 : vector<16xf32>
        %add3A_1169 = arith.constant 10240 : i32
        %add3A_1170 = arith.addi %add3A_1169, %mul3A_806 : i32
        %get3A_1171 = arith.index_cast %add3A_1170 : i32 to index
        %get3A_1172 = tpu.vector_load %arg19[%get3A_1171] {strides = array<i32>} : memref<16384xf32, #tpu.memory_space<vmem>>, vector<16xf32>,
        %add3A_1173 = arith.constant 10240 : i32
        %add3A_1174 = arith.addi %add3A_1173, %mul3A_806 : i32
        %get3A_1175 = arith.index_cast %add3A_1174 : i32 to index
        %get3A_1176 = tpu.vector_load %arg20[%get3A_1175] {strides = array<i32>} : memref<16384xf32, #tpu.memory_space<vmem>>, vector<16xf32>,
        %broadcast_in_dim3A_1177 = arith.constant 20 : i32
        %broadcast_in_dim3A_1178 = vector.broadcast %broadcast_in_dim3A_1177 : i32 to vector<16xi32>
        %gather3A_1179 = tpu.vector_load_idx %arg23[%broadcast_in_dim3A_1178, %min3A_836] : memref<32x64xf32, #tpu.memory_space<vmem>>[vector<16xi32>, vector<16xi32>], vector<16xf32>,
        %select_n3A_1180 = arith.select %ge3A_813, %gather3A_1179, %get3A_1172 : vector<16xi1>, vector<16xf32>
        %gather3A_1181 = tpu.vector_load_idx %arg24[%broadcast_in_dim3A_1178, %min3A_845] : memref<32x64xf32, #tpu.memory_space<vmem>>[vector<16xi32>, vector<16xi32>], vector<16xf32>,
        %select_n3A_1182 = arith.select %ge3A_816, %gather3A_1181, %get3A_1176 : vector<16xi1>, vector<16xf32>
        %mul3A_1183 = arith.mulf %select_n3A_1180, %select_n3A_1182 : vector<16xf32>
        %add3A_1184 = arith.addf %add3A_1168, %mul3A_1183 : vector<16xf32>
        %add3A_1185 = arith.constant 10752 : i32
        %add3A_1186 = arith.addi %add3A_1185, %mul3A_806 : i32
        %get3A_1187 = arith.index_cast %add3A_1186 : i32 to index
        %get3A_1188 = tpu.vector_load %arg19[%get3A_1187] {strides = array<i32>} : memref<16384xf32, #tpu.memory_space<vmem>>, vector<16xf32>,
        %add3A_1189 = arith.constant 10752 : i32
        %add3A_1190 = arith.addi %add3A_1189, %mul3A_806 : i32
        %get3A_1191 = arith.index_cast %add3A_1190 : i32 to index
        %get3A_1192 = tpu.vector_load %arg20[%get3A_1191] {strides = array<i32>} : memref<16384xf32, #tpu.memory_space<vmem>>, vector<16xf32>,
        %broadcast_in_dim3A_1193 = arith.constant 21 : i32
        %broadcast_in_dim3A_1194 = vector.broadcast %broadcast_in_dim3A_1193 : i32 to vector<16xi32>
        %gather3A_1195 = tpu.vector_load_idx %arg23[%broadcast_in_dim3A_1194, %min3A_836] : memref<32x64xf32, #tpu.memory_space<vmem>>[vector<16xi32>, vector<16xi32>], vector<16xf32>,
        %select_n3A_1196 = arith.select %ge3A_813, %gather3A_1195, %get3A_1188 : vector<16xi1>, vector<16xf32>
        %gather3A_1197 = tpu.vector_load_idx %arg24[%broadcast_in_dim3A_1194, %min3A_845] : memref<32x64xf32, #tpu.memory_space<vmem>>[vector<16xi32>, vector<16xi32>], vector<16xf32>,
        %select_n3A_1198 = arith.select %ge3A_816, %gather3A_1197, %get3A_1192 : vector<16xi1>, vector<16xf32>
        %mul3A_1199 = arith.mulf %select_n3A_1196, %select_n3A_1198 : vector<16xf32>
        %add3A_1200 = arith.addf %add3A_1184, %mul3A_1199 : vector<16xf32>
        %add3A_1201 = arith.constant 11264 : i32
        %add3A_1202 = arith.addi %add3A_1201, %mul3A_806 : i32
        %get3A_1203 = arith.index_cast %add3A_1202 : i32 to index
        %get3A_1204 = tpu.vector_load %arg19[%get3A_1203] {strides = array<i32>} : memref<16384xf32, #tpu.memory_space<vmem>>, vector<16xf32>,
        %add3A_1205 = arith.constant 11264 : i32
        %add3A_1206 = arith.addi %add3A_1205, %mul3A_806 : i32
        %get3A_1207 = arith.index_cast %add3A_1206 : i32 to index
        %get3A_1208 = tpu.vector_load %arg20[%get3A_1207] {strides = array<i32>} : memref<16384xf32, #tpu.memory_space<vmem>>, vector<16xf32>,
        %broadcast_in_dim3A_1209 = arith.constant 22 : i32
        %broadcast_in_dim3A_1210 = vector.broadcast %broadcast_in_dim3A_1209 : i32 to vector<16xi32>
        %gather3A_1211 = tpu.vector_load_idx %arg23[%broadcast_in_dim3A_1210, %min3A_836] : memref<32x64xf32, #tpu.memory_space<vmem>>[vector<16xi32>, vector<16xi32>], vector<16xf32>,
        %select_n3A_1212 = arith.select %ge3A_813, %gather3A_1211, %get3A_1204 : vector<16xi1>, vector<16xf32>
        %gather3A_1213 = tpu.vector_load_idx %arg24[%broadcast_in_dim3A_1210, %min3A_845] : memref<32x64xf32, #tpu.memory_space<vmem>>[vector<16xi32>, vector<16xi32>], vector<16xf32>,
        %select_n3A_1214 = arith.select %ge3A_816, %gather3A_1213, %get3A_1208 : vector<16xi1>, vector<16xf32>
        %mul3A_1215 = arith.mulf %select_n3A_1212, %select_n3A_1214 : vector<16xf32>
        %add3A_1216 = arith.addf %add3A_1200, %mul3A_1215 : vector<16xf32>
        %add3A_1217 = arith.constant 11776 : i32
        %add3A_1218 = arith.addi %add3A_1217, %mul3A_806 : i32
        %get3A_1219 = arith.index_cast %add3A_1218 : i32 to index
        %get3A_1220 = tpu.vector_load %arg19[%get3A_1219] {strides = array<i32>} : memref<16384xf32, #tpu.memory_space<vmem>>, vector<16xf32>,
        %add3A_1221 = arith.constant 11776 : i32
        %add3A_1222 = arith.addi %add3A_1221, %mul3A_806 : i32
        %get3A_1223 = arith.index_cast %add3A_1222 : i32 to index
        %get3A_1224 = tpu.vector_load %arg20[%get3A_1223] {strides = array<i32>} : memref<16384xf32, #tpu.memory_space<vmem>>, vector<16xf32>,
        %broadcast_in_dim3A_1225 = arith.constant 23 : i32
        %broadcast_in_dim3A_1226 = vector.broadcast %broadcast_in_dim3A_1225 : i32 to vector<16xi32>
        %gather3A_1227 = tpu.vector_load_idx %arg23[%broadcast_in_dim3A_1226, %min3A_836] : memref<32x64xf32, #tpu.memory_space<vmem>>[vector<16xi32>, vector<16xi32>], vector<16xf32>,
        %select_n3A_1228 = arith.select %ge3A_813, %gather3A_1227, %get3A_1220 : vector<16xi1>, vector<16xf32>
        %gather3A_1229 = tpu.vector_load_idx %arg24[%broadcast_in_dim3A_1226, %min3A_845] : memref<32x64xf32, #tpu.memory_space<vmem>>[vector<16xi32>, vector<16xi32>], vector<16xf32>,
        %select_n3A_1230 = arith.select %ge3A_816, %gather3A_1229, %get3A_1224 : vector<16xi1>, vector<16xf32>
        %mul3A_1231 = arith.mulf %select_n3A_1228, %select_n3A_1230 : vector<16xf32>
        %add3A_1232 = arith.addf %add3A_1216, %mul3A_1231 : vector<16xf32>
        %add3A_1233 = arith.constant 12288 : i32
        %add3A_1234 = arith.addi %add3A_1233, %mul3A_806 : i32
        %get3A_1235 = arith.index_cast %add3A_1234 : i32 to index
        %get3A_1236 = tpu.vector_load %arg19[%get3A_1235] {strides = array<i32>} : memref<16384xf32, #tpu.memory_space<vmem>>, vector<16xf32>,
        %add3A_1237 = arith.constant 12288 : i32
        %add3A_1238 = arith.addi %add3A_1237, %mul3A_806 : i32
        %get3A_1239 = arith.index_cast %add3A_1238 : i32 to index
        %get3A_1240 = tpu.vector_load %arg20[%get3A_1239] {strides = array<i32>} : memref<16384xf32, #tpu.memory_space<vmem>>, vector<16xf32>,
        %broadcast_in_dim3A_1241 = arith.constant 24 : i32
        %broadcast_in_dim3A_1242 = vector.broadcast %broadcast_in_dim3A_1241 : i32 to vector<16xi32>
        %gather3A_1243 = tpu.vector_load_idx %arg23[%broadcast_in_dim3A_1242, %min3A_836] : memref<32x64xf32, #tpu.memory_space<vmem>>[vector<16xi32>, vector<16xi32>], vector<16xf32>,
        %select_n3A_1244 = arith.select %ge3A_813, %gather3A_1243, %get3A_1236 : vector<16xi1>, vector<16xf32>
        %gather3A_1245 = tpu.vector_load_idx %arg24[%broadcast_in_dim3A_1242, %min3A_845] : memref<32x64xf32, #tpu.memory_space<vmem>>[vector<16xi32>, vector<16xi32>], vector<16xf32>,
        %select_n3A_1246 = arith.select %ge3A_816, %gather3A_1245, %get3A_1240 : vector<16xi1>, vector<16xf32>
        %mul3A_1247 = arith.mulf %select_n3A_1244, %select_n3A_1246 : vector<16xf32>
        %add3A_1248 = arith.addf %add3A_1232, %mul3A_1247 : vector<16xf32>
        %add3A_1249 = arith.constant 12800 : i32
        %add3A_1250 = arith.addi %add3A_1249, %mul3A_806 : i32
        %get3A_1251 = arith.index_cast %add3A_1250 : i32 to index
        %get3A_1252 = tpu.vector_load %arg19[%get3A_1251] {strides = array<i32>} : memref<16384xf32, #tpu.memory_space<vmem>>, vector<16xf32>,
        %add3A_1253 = arith.constant 12800 : i32
        %add3A_1254 = arith.addi %add3A_1253, %mul3A_806 : i32
        %get3A_1255 = arith.index_cast %add3A_1254 : i32 to index
        %get3A_1256 = tpu.vector_load %arg20[%get3A_1255] {strides = array<i32>} : memref<16384xf32, #tpu.memory_space<vmem>>, vector<16xf32>,
        %broadcast_in_dim3A_1257 = arith.constant 25 : i32
        %broadcast_in_dim3A_1258 = vector.broadcast %broadcast_in_dim3A_1257 : i32 to vector<16xi32>
        %gather3A_1259 = tpu.vector_load_idx %arg23[%broadcast_in_dim3A_1258, %min3A_836] : memref<32x64xf32, #tpu.memory_space<vmem>>[vector<16xi32>, vector<16xi32>], vector<16xf32>,
        %select_n3A_1260 = arith.select %ge3A_813, %gather3A_1259, %get3A_1252 : vector<16xi1>, vector<16xf32>
        %gather3A_1261 = tpu.vector_load_idx %arg24[%broadcast_in_dim3A_1258, %min3A_845] : memref<32x64xf32, #tpu.memory_space<vmem>>[vector<16xi32>, vector<16xi32>], vector<16xf32>,
        %select_n3A_1262 = arith.select %ge3A_816, %gather3A_1261, %get3A_1256 : vector<16xi1>, vector<16xf32>
        %mul3A_1263 = arith.mulf %select_n3A_1260, %select_n3A_1262 : vector<16xf32>
        %add3A_1264 = arith.addf %add3A_1248, %mul3A_1263 : vector<16xf32>
        %add3A_1265 = arith.constant 13312 : i32
        %add3A_1266 = arith.addi %add3A_1265, %mul3A_806 : i32
        %get3A_1267 = arith.index_cast %add3A_1266 : i32 to index
        %get3A_1268 = tpu.vector_load %arg19[%get3A_1267] {strides = array<i32>} : memref<16384xf32, #tpu.memory_space<vmem>>, vector<16xf32>,
        %add3A_1269 = arith.constant 13312 : i32
        %add3A_1270 = arith.addi %add3A_1269, %mul3A_806 : i32
        %get3A_1271 = arith.index_cast %add3A_1270 : i32 to index
        %get3A_1272 = tpu.vector_load %arg20[%get3A_1271] {strides = array<i32>} : memref<16384xf32, #tpu.memory_space<vmem>>, vector<16xf32>,
        %broadcast_in_dim3A_1273 = arith.constant 26 : i32
        %broadcast_in_dim3A_1274 = vector.broadcast %broadcast_in_dim3A_1273 : i32 to vector<16xi32>
        %gather3A_1275 = tpu.vector_load_idx %arg23[%broadcast_in_dim3A_1274, %min3A_836] : memref<32x64xf32, #tpu.memory_space<vmem>>[vector<16xi32>, vector<16xi32>], vector<16xf32>,
        %select_n3A_1276 = arith.select %ge3A_813, %gather3A_1275, %get3A_1268 : vector<16xi1>, vector<16xf32>
        %gather3A_1277 = tpu.vector_load_idx %arg24[%broadcast_in_dim3A_1274, %min3A_845] : memref<32x64xf32, #tpu.memory_space<vmem>>[vector<16xi32>, vector<16xi32>], vector<16xf32>,
        %select_n3A_1278 = arith.select %ge3A_816, %gather3A_1277, %get3A_1272 : vector<16xi1>, vector<16xf32>
        %mul3A_1279 = arith.mulf %select_n3A_1276, %select_n3A_1278 : vector<16xf32>
        %add3A_1280 = arith.addf %add3A_1264, %mul3A_1279 : vector<16xf32>
        %add3A_1281 = arith.constant 13824 : i32
        %add3A_1282 = arith.addi %add3A_1281, %mul3A_806 : i32
        %get3A_1283 = arith.index_cast %add3A_1282 : i32 to index
        %get3A_1284 = tpu.vector_load %arg19[%get3A_1283] {strides = array<i32>} : memref<16384xf32, #tpu.memory_space<vmem>>, vector<16xf32>,
        %add3A_1285 = arith.constant 13824 : i32
        %add3A_1286 = arith.addi %add3A_1285, %mul3A_806 : i32
        %get3A_1287 = arith.index_cast %add3A_1286 : i32 to index
        %get3A_1288 = tpu.vector_load %arg20[%get3A_1287] {strides = array<i32>} : memref<16384xf32, #tpu.memory_space<vmem>>, vector<16xf32>,
        %broadcast_in_dim3A_1289 = arith.constant 27 : i32
        %broadcast_in_dim3A_1290 = vector.broadcast %broadcast_in_dim3A_1289 : i32 to vector<16xi32>
        %gather3A_1291 = tpu.vector_load_idx %arg23[%broadcast_in_dim3A_1290, %min3A_836] : memref<32x64xf32, #tpu.memory_space<vmem>>[vector<16xi32>, vector<16xi32>], vector<16xf32>,
        %select_n3A_1292 = arith.select %ge3A_813, %gather3A_1291, %get3A_1284 : vector<16xi1>, vector<16xf32>
        %gather3A_1293 = tpu.vector_load_idx %arg24[%broadcast_in_dim3A_1290, %min3A_845] : memref<32x64xf32, #tpu.memory_space<vmem>>[vector<16xi32>, vector<16xi32>], vector<16xf32>,
        %select_n3A_1294 = arith.select %ge3A_816, %gather3A_1293, %get3A_1288 : vector<16xi1>, vector<16xf32>
        %mul3A_1295 = arith.mulf %select_n3A_1292, %select_n3A_1294 : vector<16xf32>
        %add3A_1296 = arith.addf %add3A_1280, %mul3A_1295 : vector<16xf32>
        %add3A_1297 = arith.constant 14336 : i32
        %add3A_1298 = arith.addi %add3A_1297, %mul3A_806 : i32
        %get3A_1299 = arith.index_cast %add3A_1298 : i32 to index
        %get3A_1300 = tpu.vector_load %arg19[%get3A_1299] {strides = array<i32>} : memref<16384xf32, #tpu.memory_space<vmem>>, vector<16xf32>,
        %add3A_1301 = arith.constant 14336 : i32
        %add3A_1302 = arith.addi %add3A_1301, %mul3A_806 : i32
        %get3A_1303 = arith.index_cast %add3A_1302 : i32 to index
        %get3A_1304 = tpu.vector_load %arg20[%get3A_1303] {strides = array<i32>} : memref<16384xf32, #tpu.memory_space<vmem>>, vector<16xf32>,
        %broadcast_in_dim3A_1305 = arith.constant 28 : i32
        %broadcast_in_dim3A_1306 = vector.broadcast %broadcast_in_dim3A_1305 : i32 to vector<16xi32>
        %gather3A_1307 = tpu.vector_load_idx %arg23[%broadcast_in_dim3A_1306, %min3A_836] : memref<32x64xf32, #tpu.memory_space<vmem>>[vector<16xi32>, vector<16xi32>], vector<16xf32>,
        %select_n3A_1308 = arith.select %ge3A_813, %gather3A_1307, %get3A_1300 : vector<16xi1>, vector<16xf32>
        %gather3A_1309 = tpu.vector_load_idx %arg24[%broadcast_in_dim3A_1306, %min3A_845] : memref<32x64xf32, #tpu.memory_space<vmem>>[vector<16xi32>, vector<16xi32>], vector<16xf32>,
        %select_n3A_1310 = arith.select %ge3A_816, %gather3A_1309, %get3A_1304 : vector<16xi1>, vector<16xf32>
        %mul3A_1311 = arith.mulf %select_n3A_1308, %select_n3A_1310 : vector<16xf32>
        %add3A_1312 = arith.addf %add3A_1296, %mul3A_1311 : vector<16xf32>
        %add3A_1313 = arith.constant 14848 : i32
        %add3A_1314 = arith.addi %add3A_1313, %mul3A_806 : i32
        %get3A_1315 = arith.index_cast %add3A_1314 : i32 to index
        %get3A_1316 = tpu.vector_load %arg19[%get3A_1315] {strides = array<i32>} : memref<16384xf32, #tpu.memory_space<vmem>>, vector<16xf32>,
        %add3A_1317 = arith.constant 14848 : i32
        %add3A_1318 = arith.addi %add3A_1317, %mul3A_806 : i32
        %get3A_1319 = arith.index_cast %add3A_1318 : i32 to index
        %get3A_1320 = tpu.vector_load %arg20[%get3A_1319] {strides = array<i32>} : memref<16384xf32, #tpu.memory_space<vmem>>, vector<16xf32>,
        %broadcast_in_dim3A_1321 = arith.constant 29 : i32
        %broadcast_in_dim3A_1322 = vector.broadcast %broadcast_in_dim3A_1321 : i32 to vector<16xi32>
        %gather3A_1323 = tpu.vector_load_idx %arg23[%broadcast_in_dim3A_1322, %min3A_836] : memref<32x64xf32, #tpu.memory_space<vmem>>[vector<16xi32>, vector<16xi32>], vector<16xf32>,
        %select_n3A_1324 = arith.select %ge3A_813, %gather3A_1323, %get3A_1316 : vector<16xi1>, vector<16xf32>
        %gather3A_1325 = tpu.vector_load_idx %arg24[%broadcast_in_dim3A_1322, %min3A_845] : memref<32x64xf32, #tpu.memory_space<vmem>>[vector<16xi32>, vector<16xi32>], vector<16xf32>,
        %select_n3A_1326 = arith.select %ge3A_816, %gather3A_1325, %get3A_1320 : vector<16xi1>, vector<16xf32>
        %mul3A_1327 = arith.mulf %select_n3A_1324, %select_n3A_1326 : vector<16xf32>
        %add3A_1328 = arith.addf %add3A_1312, %mul3A_1327 : vector<16xf32>
        %add3A_1329 = arith.constant 15360 : i32
        %add3A_1330 = arith.addi %add3A_1329, %mul3A_806 : i32
        %get3A_1331 = arith.index_cast %add3A_1330 : i32 to index
        %get3A_1332 = tpu.vector_load %arg19[%get3A_1331] {strides = array<i32>} : memref<16384xf32, #tpu.memory_space<vmem>>, vector<16xf32>,
        %add3A_1333 = arith.constant 15360 : i32
        %add3A_1334 = arith.addi %add3A_1333, %mul3A_806 : i32
        %get3A_1335 = arith.index_cast %add3A_1334 : i32 to index
        %get3A_1336 = tpu.vector_load %arg20[%get3A_1335] {strides = array<i32>} : memref<16384xf32, #tpu.memory_space<vmem>>, vector<16xf32>,
        %broadcast_in_dim3A_1337 = arith.constant 30 : i32
        %broadcast_in_dim3A_1338 = vector.broadcast %broadcast_in_dim3A_1337 : i32 to vector<16xi32>
        %gather3A_1339 = tpu.vector_load_idx %arg23[%broadcast_in_dim3A_1338, %min3A_836] : memref<32x64xf32, #tpu.memory_space<vmem>>[vector<16xi32>, vector<16xi32>], vector<16xf32>,
        %select_n3A_1340 = arith.select %ge3A_813, %gather3A_1339, %get3A_1332 : vector<16xi1>, vector<16xf32>
        %gather3A_1341 = tpu.vector_load_idx %arg24[%broadcast_in_dim3A_1338, %min3A_845] : memref<32x64xf32, #tpu.memory_space<vmem>>[vector<16xi32>, vector<16xi32>], vector<16xf32>,
        %select_n3A_1342 = arith.select %ge3A_816, %gather3A_1341, %get3A_1336 : vector<16xi1>, vector<16xf32>
        %mul3A_1343 = arith.mulf %select_n3A_1340, %select_n3A_1342 : vector<16xf32>
        %add3A_1344 = arith.addf %add3A_1328, %mul3A_1343 : vector<16xf32>
        %add3A_1345 = arith.constant 15872 : i32
        %add3A_1346 = arith.addi %add3A_1345, %mul3A_806 : i32
        %get3A_1347 = arith.index_cast %add3A_1346 : i32 to index
        %get3A_1348 = tpu.vector_load %arg19[%get3A_1347] {strides = array<i32>} : memref<16384xf32, #tpu.memory_space<vmem>>, vector<16xf32>,
        %add3A_1349 = arith.constant 15872 : i32
        %add3A_1350 = arith.addi %add3A_1349, %mul3A_806 : i32
        %get3A_1351 = arith.index_cast %add3A_1350 : i32 to index
        %get3A_1352 = tpu.vector_load %arg20[%get3A_1351] {strides = array<i32>} : memref<16384xf32, #tpu.memory_space<vmem>>, vector<16xf32>,
        %broadcast_in_dim3A_1353 = arith.constant 31 : i32
        %broadcast_in_dim3A_1354 = vector.broadcast %broadcast_in_dim3A_1353 : i32 to vector<16xi32>
        %gather3A_1355 = tpu.vector_load_idx %arg23[%broadcast_in_dim3A_1354, %min3A_836] : memref<32x64xf32, #tpu.memory_space<vmem>>[vector<16xi32>, vector<16xi32>], vector<16xf32>,
        %select_n3A_1356 = arith.select %ge3A_813, %gather3A_1355, %get3A_1348 : vector<16xi1>, vector<16xf32>
        %gather3A_1357 = tpu.vector_load_idx %arg24[%broadcast_in_dim3A_1354, %min3A_845] : memref<32x64xf32, #tpu.memory_space<vmem>>[vector<16xi32>, vector<16xi32>], vector<16xf32>,
        %select_n3A_1358 = arith.select %ge3A_816, %gather3A_1357, %get3A_1352 : vector<16xi1>, vector<16xf32>
        %mul3A_1359 = arith.mulf %select_n3A_1356, %select_n3A_1358 : vector<16xf32>
        %add3A_1360 = arith.addf %add3A_1344, %mul3A_1359 : vector<16xf32>
        %neg3A = arith.constant 0.000000e+00 : f32
        %neg3A_1361 = vector.broadcast %neg3A : f32 to vector<16xf32>
        %neg3A_1362 = arith.subf %neg3A_1361, %add3A_1360 : vector<16xf32>
        %exp3A = math.exp %neg3A_1362 : vector<16xf32>
        %add3A_1363 = arith.constant 1.000000e+00 : f32
        %add3A_1364 = vector.broadcast %add3A_1363 : f32 to vector<16xf32>
        %add3A_1365 = arith.addf %add3A_1364, %exp3A : vector<16xf32>
        %div3A = arith.constant 1.000000e+00 : f32
        %div3A_1366 = vector.broadcast %div3A : f32 to vector<16xf32>
        %div3A_1367 = arith.divf %div3A_1366, %add3A_1365 : vector<16xf32>
        %mul3A_1368 = arith.constant 4.400000e+00 : f32
        %mul3A_1369 = vector.broadcast %mul3A_1368 : f32 to vector<16xf32>
        %mul3A_1370 = arith.mulf %div3A_1367, %mul3A_1369 : vector<16xf32>
        %add3A_1371 = arith.constant 8.000000e-01 : f32
        %add3A_1372 = vector.broadcast %add3A_1371 : f32 to vector<16xf32>
        %add3A_1373 = arith.addf %mul3A_1370, %add3A_1372 : vector<16xf32>
        %swap3A = arith.index_cast %mul3A_806 : i32 to index
        %swap3A_1374 = tpu.vector_load %arg27[%swap3A] {strides = array<i32>} : memref<512xf32, #tpu.memory_space<vmem>>, vector<16xf32>,
        tpu.vector_store %arg27[%swap3A], %add3A_1373 {strides = array<i32>} : memref<512xf32, #tpu.memory_space<vmem>>, vector<16xf32>,
      } else {
      }
      %not3A = arith.constant true
      %not3A_847 = arith.xori %reduce_or3A_830, %not3A : i1
      %convert_element_type3A_848 = arith.extui %not3A_847 : i1 to i32
      %cond3A_849 = arith.constant 0 : i32
      %cond3A_850 = arith.cmpi ne, %convert_element_type3A_848, %cond3A_849 : i32
      scf.if %cond3A_850 {
        %add3A_851 = arith.addf %get3A_818, %get3A_820 : vector<16xf32>
        %add3A_852 = arith.constant 0 : i32
        %add3A_853 = arith.addi %add3A_852, %mul3A_806 : i32
        %get3A_854 = arith.index_cast %add3A_853 : i32 to index
        %get3A_855 = tpu.vector_load %arg19[%get3A_854] {strides = array<i32>} : memref<16384xf32, #tpu.memory_space<vmem>>, vector<16xf32>,
        %add3A_856 = arith.constant 0 : i32
        %add3A_857 = arith.addi %add3A_856, %mul3A_806 : i32
        %get3A_858 = arith.index_cast %add3A_857 : i32 to index
        %get3A_859 = tpu.vector_load %arg20[%get3A_858] {strides = array<i32>} : memref<16384xf32, #tpu.memory_space<vmem>>, vector<16xf32>,
        %mul3A_860 = arith.mulf %get3A_855, %get3A_859 : vector<16xf32>
        %add3A_861 = arith.addf %add3A_851, %mul3A_860 : vector<16xf32>
        %add3A_862 = arith.constant 512 : i32
        %add3A_863 = arith.addi %add3A_862, %mul3A_806 : i32
        %get3A_864 = arith.index_cast %add3A_863 : i32 to index
        %get3A_865 = tpu.vector_load %arg19[%get3A_864] {strides = array<i32>} : memref<16384xf32, #tpu.memory_space<vmem>>, vector<16xf32>,
        %add3A_866 = arith.constant 512 : i32
        %add3A_867 = arith.addi %add3A_866, %mul3A_806 : i32
        %get3A_868 = arith.index_cast %add3A_867 : i32 to index
        %get3A_869 = tpu.vector_load %arg20[%get3A_868] {strides = array<i32>} : memref<16384xf32, #tpu.memory_space<vmem>>, vector<16xf32>,
        %mul3A_870 = arith.mulf %get3A_865, %get3A_869 : vector<16xf32>
        %add3A_871 = arith.addf %add3A_861, %mul3A_870 : vector<16xf32>
        %add3A_872 = arith.constant 1024 : i32
        %add3A_873 = arith.addi %add3A_872, %mul3A_806 : i32
        %get3A_874 = arith.index_cast %add3A_873 : i32 to index
        %get3A_875 = tpu.vector_load %arg19[%get3A_874] {strides = array<i32>} : memref<16384xf32, #tpu.memory_space<vmem>>, vector<16xf32>,
        %add3A_876 = arith.constant 1024 : i32
        %add3A_877 = arith.addi %add3A_876, %mul3A_806 : i32
        %get3A_878 = arith.index_cast %add3A_877 : i32 to index
        %get3A_879 = tpu.vector_load %arg20[%get3A_878] {strides = array<i32>} : memref<16384xf32, #tpu.memory_space<vmem>>, vector<16xf32>,
        %mul3A_880 = arith.mulf %get3A_875, %get3A_879 : vector<16xf32>
        %add3A_881 = arith.addf %add3A_871, %mul3A_880 : vector<16xf32>
        %add3A_882 = arith.constant 1536 : i32
        %add3A_883 = arith.addi %add3A_882, %mul3A_806 : i32
        %get3A_884 = arith.index_cast %add3A_883 : i32 to index
        %get3A_885 = tpu.vector_load %arg19[%get3A_884] {strides = array<i32>} : memref<16384xf32, #tpu.memory_space<vmem>>, vector<16xf32>,
        %add3A_886 = arith.constant 1536 : i32
        %add3A_887 = arith.addi %add3A_886, %mul3A_806 : i32
        %get3A_888 = arith.index_cast %add3A_887 : i32 to index
        %get3A_889 = tpu.vector_load %arg20[%get3A_888] {strides = array<i32>} : memref<16384xf32, #tpu.memory_space<vmem>>, vector<16xf32>,
        %mul3A_890 = arith.mulf %get3A_885, %get3A_889 : vector<16xf32>
        %add3A_891 = arith.addf %add3A_881, %mul3A_890 : vector<16xf32>
        %add3A_892 = arith.constant 2048 : i32
        %add3A_893 = arith.addi %add3A_892, %mul3A_806 : i32
        %get3A_894 = arith.index_cast %add3A_893 : i32 to index
        %get3A_895 = tpu.vector_load %arg19[%get3A_894] {strides = array<i32>} : memref<16384xf32, #tpu.memory_space<vmem>>, vector<16xf32>,
        %add3A_896 = arith.constant 2048 : i32
        %add3A_897 = arith.addi %add3A_896, %mul3A_806 : i32
        %get3A_898 = arith.index_cast %add3A_897 : i32 to index
        %get3A_899 = tpu.vector_load %arg20[%get3A_898] {strides = array<i32>} : memref<16384xf32, #tpu.memory_space<vmem>>, vector<16xf32>,
        %mul3A_900 = arith.mulf %get3A_895, %get3A_899 : vector<16xf32>
        %add3A_901 = arith.addf %add3A_891, %mul3A_900 : vector<16xf32>
        %add3A_902 = arith.constant 2560 : i32
        %add3A_903 = arith.addi %add3A_902, %mul3A_806 : i32
        %get3A_904 = arith.index_cast %add3A_903 : i32 to index
        %get3A_905 = tpu.vector_load %arg19[%get3A_904] {strides = array<i32>} : memref<16384xf32, #tpu.memory_space<vmem>>, vector<16xf32>,
        %add3A_906 = arith.constant 2560 : i32
        %add3A_907 = arith.addi %add3A_906, %mul3A_806 : i32
        %get3A_908 = arith.index_cast %add3A_907 : i32 to index
        %get3A_909 = tpu.vector_load %arg20[%get3A_908] {strides = array<i32>} : memref<16384xf32, #tpu.memory_space<vmem>>, vector<16xf32>,
        %mul3A_910 = arith.mulf %get3A_905, %get3A_909 : vector<16xf32>
        %add3A_911 = arith.addf %add3A_901, %mul3A_910 : vector<16xf32>
        %add3A_912 = arith.constant 3072 : i32
        %add3A_913 = arith.addi %add3A_912, %mul3A_806 : i32
        %get3A_914 = arith.index_cast %add3A_913 : i32 to index
        %get3A_915 = tpu.vector_load %arg19[%get3A_914] {strides = array<i32>} : memref<16384xf32, #tpu.memory_space<vmem>>, vector<16xf32>,
        %add3A_916 = arith.constant 3072 : i32
        %add3A_917 = arith.addi %add3A_916, %mul3A_806 : i32
        %get3A_918 = arith.index_cast %add3A_917 : i32 to index
        %get3A_919 = tpu.vector_load %arg20[%get3A_918] {strides = array<i32>} : memref<16384xf32, #tpu.memory_space<vmem>>, vector<16xf32>,
        %mul3A_920 = arith.mulf %get3A_915, %get3A_919 : vector<16xf32>
        %add3A_921 = arith.addf %add3A_911, %mul3A_920 : vector<16xf32>
        %add3A_922 = arith.constant 3584 : i32
        %add3A_923 = arith.addi %add3A_922, %mul3A_806 : i32
        %get3A_924 = arith.index_cast %add3A_923 : i32 to index
        %get3A_925 = tpu.vector_load %arg19[%get3A_924] {strides = array<i32>} : memref<16384xf32, #tpu.memory_space<vmem>>, vector<16xf32>,
        %add3A_926 = arith.constant 3584 : i32
        %add3A_927 = arith.addi %add3A_926, %mul3A_806 : i32
        %get3A_928 = arith.index_cast %add3A_927 : i32 to index
        %get3A_929 = tpu.vector_load %arg20[%get3A_928] {strides = array<i32>} : memref<16384xf32, #tpu.memory_space<vmem>>, vector<16xf32>,
        %mul3A_930 = arith.mulf %get3A_925, %get3A_929 : vector<16xf32>
        %add3A_931 = arith.addf %add3A_921, %mul3A_930 : vector<16xf32>
        %add3A_932 = arith.constant 4096 : i32
        %add3A_933 = arith.addi %add3A_932, %mul3A_806 : i32
        %get3A_934 = arith.index_cast %add3A_933 : i32 to index
        %get3A_935 = tpu.vector_load %arg19[%get3A_934] {strides = array<i32>} : memref<16384xf32, #tpu.memory_space<vmem>>, vector<16xf32>,
        %add3A_936 = arith.constant 4096 : i32
        %add3A_937 = arith.addi %add3A_936, %mul3A_806 : i32
        %get3A_938 = arith.index_cast %add3A_937 : i32 to index
        %get3A_939 = tpu.vector_load %arg20[%get3A_938] {strides = array<i32>} : memref<16384xf32, #tpu.memory_space<vmem>>, vector<16xf32>,
        %mul3A_940 = arith.mulf %get3A_935, %get3A_939 : vector<16xf32>
        %add3A_941 = arith.addf %add3A_931, %mul3A_940 : vector<16xf32>
        %add3A_942 = arith.constant 4608 : i32
        %add3A_943 = arith.addi %add3A_942, %mul3A_806 : i32
        %get3A_944 = arith.index_cast %add3A_943 : i32 to index
        %get3A_945 = tpu.vector_load %arg19[%get3A_944] {strides = array<i32>} : memref<16384xf32, #tpu.memory_space<vmem>>, vector<16xf32>,
        %add3A_946 = arith.constant 4608 : i32
        %add3A_947 = arith.addi %add3A_946, %mul3A_806 : i32
        %get3A_948 = arith.index_cast %add3A_947 : i32 to index
        %get3A_949 = tpu.vector_load %arg20[%get3A_948] {strides = array<i32>} : memref<16384xf32, #tpu.memory_space<vmem>>, vector<16xf32>,
        %mul3A_950 = arith.mulf %get3A_945, %get3A_949 : vector<16xf32>
        %add3A_951 = arith.addf %add3A_941, %mul3A_950 : vector<16xf32>
        %add3A_952 = arith.constant 5120 : i32
        %add3A_953 = arith.addi %add3A_952, %mul3A_806 : i32
        %get3A_954 = arith.index_cast %add3A_953 : i32 to index
        %get3A_955 = tpu.vector_load %arg19[%get3A_954] {strides = array<i32>} : memref<16384xf32, #tpu.memory_space<vmem>>, vector<16xf32>,
        %add3A_956 = arith.constant 5120 : i32
        %add3A_957 = arith.addi %add3A_956, %mul3A_806 : i32
        %get3A_958 = arith.index_cast %add3A_957 : i32 to index
        %get3A_959 = tpu.vector_load %arg20[%get3A_958] {strides = array<i32>} : memref<16384xf32, #tpu.memory_space<vmem>>, vector<16xf32>,
        %mul3A_960 = arith.mulf %get3A_955, %get3A_959 : vector<16xf32>
        %add3A_961 = arith.addf %add3A_951, %mul3A_960 : vector<16xf32>
        %add3A_962 = arith.constant 5632 : i32
        %add3A_963 = arith.addi %add3A_962, %mul3A_806 : i32
        %get3A_964 = arith.index_cast %add3A_963 : i32 to index
        %get3A_965 = tpu.vector_load %arg19[%get3A_964] {strides = array<i32>} : memref<16384xf32, #tpu.memory_space<vmem>>, vector<16xf32>,
        %add3A_966 = arith.constant 5632 : i32
        %add3A_967 = arith.addi %add3A_966, %mul3A_806 : i32
        %get3A_968 = arith.index_cast %add3A_967 : i32 to index
        %get3A_969 = tpu.vector_load %arg20[%get3A_968] {strides = array<i32>} : memref<16384xf32, #tpu.memory_space<vmem>>, vector<16xf32>,
        %mul3A_970 = arith.mulf %get3A_965, %get3A_969 : vector<16xf32>
        %add3A_971 = arith.addf %add3A_961, %mul3A_970 : vector<16xf32>
        %add3A_972 = arith.constant 6144 : i32
        %add3A_973 = arith.addi %add3A_972, %mul3A_806 : i32
        %get3A_974 = arith.index_cast %add3A_973 : i32 to index
        %get3A_975 = tpu.vector_load %arg19[%get3A_974] {strides = array<i32>} : memref<16384xf32, #tpu.memory_space<vmem>>, vector<16xf32>,
        %add3A_976 = arith.constant 6144 : i32
        %add3A_977 = arith.addi %add3A_976, %mul3A_806 : i32
        %get3A_978 = arith.index_cast %add3A_977 : i32 to index
        %get3A_979 = tpu.vector_load %arg20[%get3A_978] {strides = array<i32>} : memref<16384xf32, #tpu.memory_space<vmem>>, vector<16xf32>,
        %mul3A_980 = arith.mulf %get3A_975, %get3A_979 : vector<16xf32>
        %add3A_981 = arith.addf %add3A_971, %mul3A_980 : vector<16xf32>
        %add3A_982 = arith.constant 6656 : i32
        %add3A_983 = arith.addi %add3A_982, %mul3A_806 : i32
        %get3A_984 = arith.index_cast %add3A_983 : i32 to index
        %get3A_985 = tpu.vector_load %arg19[%get3A_984] {strides = array<i32>} : memref<16384xf32, #tpu.memory_space<vmem>>, vector<16xf32>,
        %add3A_986 = arith.constant 6656 : i32
        %add3A_987 = arith.addi %add3A_986, %mul3A_806 : i32
        %get3A_988 = arith.index_cast %add3A_987 : i32 to index
        %get3A_989 = tpu.vector_load %arg20[%get3A_988] {strides = array<i32>} : memref<16384xf32, #tpu.memory_space<vmem>>, vector<16xf32>,
        %mul3A_990 = arith.mulf %get3A_985, %get3A_989 : vector<16xf32>
        %add3A_991 = arith.addf %add3A_981, %mul3A_990 : vector<16xf32>
        %add3A_992 = arith.constant 7168 : i32
        %add3A_993 = arith.addi %add3A_992, %mul3A_806 : i32
        %get3A_994 = arith.index_cast %add3A_993 : i32 to index
        %get3A_995 = tpu.vector_load %arg19[%get3A_994] {strides = array<i32>} : memref<16384xf32, #tpu.memory_space<vmem>>, vector<16xf32>,
        %add3A_996 = arith.constant 7168 : i32
        %add3A_997 = arith.addi %add3A_996, %mul3A_806 : i32
        %get3A_998 = arith.index_cast %add3A_997 : i32 to index
        %get3A_999 = tpu.vector_load %arg20[%get3A_998] {strides = array<i32>} : memref<16384xf32, #tpu.memory_space<vmem>>, vector<16xf32>,
        %mul3A_1000 = arith.mulf %get3A_995, %get3A_999 : vector<16xf32>
        %add3A_1001 = arith.addf %add3A_991, %mul3A_1000 : vector<16xf32>
        %add3A_1002 = arith.constant 7680 : i32
        %add3A_1003 = arith.addi %add3A_1002, %mul3A_806 : i32
        %get3A_1004 = arith.index_cast %add3A_1003 : i32 to index
        %get3A_1005 = tpu.vector_load %arg19[%get3A_1004] {strides = array<i32>} : memref<16384xf32, #tpu.memory_space<vmem>>, vector<16xf32>,
        %add3A_1006 = arith.constant 7680 : i32
        %add3A_1007 = arith.addi %add3A_1006, %mul3A_806 : i32
        %get3A_1008 = arith.index_cast %add3A_1007 : i32 to index
        %get3A_1009 = tpu.vector_load %arg20[%get3A_1008] {strides = array<i32>} : memref<16384xf32, #tpu.memory_space<vmem>>, vector<16xf32>,
        %mul3A_1010 = arith.mulf %get3A_1005, %get3A_1009 : vector<16xf32>
        %add3A_1011 = arith.addf %add3A_1001, %mul3A_1010 : vector<16xf32>
        %add3A_1012 = arith.constant 8192 : i32
        %add3A_1013 = arith.addi %add3A_1012, %mul3A_806 : i32
        %get3A_1014 = arith.index_cast %add3A_1013 : i32 to index
        %get3A_1015 = tpu.vector_load %arg19[%get3A_1014] {strides = array<i32>} : memref<16384xf32, #tpu.memory_space<vmem>>, vector<16xf32>,
        %add3A_1016 = arith.constant 8192 : i32
        %add3A_1017 = arith.addi %add3A_1016, %mul3A_806 : i32
        %get3A_1018 = arith.index_cast %add3A_1017 : i32 to index
        %get3A_1019 = tpu.vector_load %arg20[%get3A_1018] {strides = array<i32>} : memref<16384xf32, #tpu.memory_space<vmem>>, vector<16xf32>,
        %mul3A_1020 = arith.mulf %get3A_1015, %get3A_1019 : vector<16xf32>
        %add3A_1021 = arith.addf %add3A_1011, %mul3A_1020 : vector<16xf32>
        %add3A_1022 = arith.constant 8704 : i32
        %add3A_1023 = arith.addi %add3A_1022, %mul3A_806 : i32
        %get3A_1024 = arith.index_cast %add3A_1023 : i32 to index
        %get3A_1025 = tpu.vector_load %arg19[%get3A_1024] {strides = array<i32>} : memref<16384xf32, #tpu.memory_space<vmem>>, vector<16xf32>,
        %add3A_1026 = arith.constant 8704 : i32
        %add3A_1027 = arith.addi %add3A_1026, %mul3A_806 : i32
        %get3A_1028 = arith.index_cast %add3A_1027 : i32 to index
        %get3A_1029 = tpu.vector_load %arg20[%get3A_1028] {strides = array<i32>} : memref<16384xf32, #tpu.memory_space<vmem>>, vector<16xf32>,
        %mul3A_1030 = arith.mulf %get3A_1025, %get3A_1029 : vector<16xf32>
        %add3A_1031 = arith.addf %add3A_1021, %mul3A_1030 : vector<16xf32>
        %add3A_1032 = arith.constant 9216 : i32
        %add3A_1033 = arith.addi %add3A_1032, %mul3A_806 : i32
        %get3A_1034 = arith.index_cast %add3A_1033 : i32 to index
        %get3A_1035 = tpu.vector_load %arg19[%get3A_1034] {strides = array<i32>} : memref<16384xf32, #tpu.memory_space<vmem>>, vector<16xf32>,
        %add3A_1036 = arith.constant 9216 : i32
        %add3A_1037 = arith.addi %add3A_1036, %mul3A_806 : i32
        %get3A_1038 = arith.index_cast %add3A_1037 : i32 to index
        %get3A_1039 = tpu.vector_load %arg20[%get3A_1038] {strides = array<i32>} : memref<16384xf32, #tpu.memory_space<vmem>>, vector<16xf32>,
        %mul3A_1040 = arith.mulf %get3A_1035, %get3A_1039 : vector<16xf32>
        %add3A_1041 = arith.addf %add3A_1031, %mul3A_1040 : vector<16xf32>
        %add3A_1042 = arith.constant 9728 : i32
        %add3A_1043 = arith.addi %add3A_1042, %mul3A_806 : i32
        %get3A_1044 = arith.index_cast %add3A_1043 : i32 to index
        %get3A_1045 = tpu.vector_load %arg19[%get3A_1044] {strides = array<i32>} : memref<16384xf32, #tpu.memory_space<vmem>>, vector<16xf32>,
        %add3A_1046 = arith.constant 9728 : i32
        %add3A_1047 = arith.addi %add3A_1046, %mul3A_806 : i32
        %get3A_1048 = arith.index_cast %add3A_1047 : i32 to index
        %get3A_1049 = tpu.vector_load %arg20[%get3A_1048] {strides = array<i32>} : memref<16384xf32, #tpu.memory_space<vmem>>, vector<16xf32>,
        %mul3A_1050 = arith.mulf %get3A_1045, %get3A_1049 : vector<16xf32>
        %add3A_1051 = arith.addf %add3A_1041, %mul3A_1050 : vector<16xf32>
        %add3A_1052 = arith.constant 10240 : i32
        %add3A_1053 = arith.addi %add3A_1052, %mul3A_806 : i32
        %get3A_1054 = arith.index_cast %add3A_1053 : i32 to index
        %get3A_1055 = tpu.vector_load %arg19[%get3A_1054] {strides = array<i32>} : memref<16384xf32, #tpu.memory_space<vmem>>, vector<16xf32>,
        %add3A_1056 = arith.constant 10240 : i32
        %add3A_1057 = arith.addi %add3A_1056, %mul3A_806 : i32
        %get3A_1058 = arith.index_cast %add3A_1057 : i32 to index
        %get3A_1059 = tpu.vector_load %arg20[%get3A_1058] {strides = array<i32>} : memref<16384xf32, #tpu.memory_space<vmem>>, vector<16xf32>,
        %mul3A_1060 = arith.mulf %get3A_1055, %get3A_1059 : vector<16xf32>
        %add3A_1061 = arith.addf %add3A_1051, %mul3A_1060 : vector<16xf32>
        %add3A_1062 = arith.constant 10752 : i32
        %add3A_1063 = arith.addi %add3A_1062, %mul3A_806 : i32
        %get3A_1064 = arith.index_cast %add3A_1063 : i32 to index
        %get3A_1065 = tpu.vector_load %arg19[%get3A_1064] {strides = array<i32>} : memref<16384xf32, #tpu.memory_space<vmem>>, vector<16xf32>,
        %add3A_1066 = arith.constant 10752 : i32
        %add3A_1067 = arith.addi %add3A_1066, %mul3A_806 : i32
        %get3A_1068 = arith.index_cast %add3A_1067 : i32 to index
        %get3A_1069 = tpu.vector_load %arg20[%get3A_1068] {strides = array<i32>} : memref<16384xf32, #tpu.memory_space<vmem>>, vector<16xf32>,
        %mul3A_1070 = arith.mulf %get3A_1065, %get3A_1069 : vector<16xf32>
        %add3A_1071 = arith.addf %add3A_1061, %mul3A_1070 : vector<16xf32>
        %add3A_1072 = arith.constant 11264 : i32
        %add3A_1073 = arith.addi %add3A_1072, %mul3A_806 : i32
        %get3A_1074 = arith.index_cast %add3A_1073 : i32 to index
        %get3A_1075 = tpu.vector_load %arg19[%get3A_1074] {strides = array<i32>} : memref<16384xf32, #tpu.memory_space<vmem>>, vector<16xf32>,
        %add3A_1076 = arith.constant 11264 : i32
        %add3A_1077 = arith.addi %add3A_1076, %mul3A_806 : i32
        %get3A_1078 = arith.index_cast %add3A_1077 : i32 to index
        %get3A_1079 = tpu.vector_load %arg20[%get3A_1078] {strides = array<i32>} : memref<16384xf32, #tpu.memory_space<vmem>>, vector<16xf32>,
        %mul3A_1080 = arith.mulf %get3A_1075, %get3A_1079 : vector<16xf32>
        %add3A_1081 = arith.addf %add3A_1071, %mul3A_1080 : vector<16xf32>
        %add3A_1082 = arith.constant 11776 : i32
        %add3A_1083 = arith.addi %add3A_1082, %mul3A_806 : i32
        %get3A_1084 = arith.index_cast %add3A_1083 : i32 to index
        %get3A_1085 = tpu.vector_load %arg19[%get3A_1084] {strides = array<i32>} : memref<16384xf32, #tpu.memory_space<vmem>>, vector<16xf32>,
        %add3A_1086 = arith.constant 11776 : i32
        %add3A_1087 = arith.addi %add3A_1086, %mul3A_806 : i32
        %get3A_1088 = arith.index_cast %add3A_1087 : i32 to index
        %get3A_1089 = tpu.vector_load %arg20[%get3A_1088] {strides = array<i32>} : memref<16384xf32, #tpu.memory_space<vmem>>, vector<16xf32>,
        %mul3A_1090 = arith.mulf %get3A_1085, %get3A_1089 : vector<16xf32>
        %add3A_1091 = arith.addf %add3A_1081, %mul3A_1090 : vector<16xf32>
        %add3A_1092 = arith.constant 12288 : i32
        %add3A_1093 = arith.addi %add3A_1092, %mul3A_806 : i32
        %get3A_1094 = arith.index_cast %add3A_1093 : i32 to index
        %get3A_1095 = tpu.vector_load %arg19[%get3A_1094] {strides = array<i32>} : memref<16384xf32, #tpu.memory_space<vmem>>, vector<16xf32>,
        %add3A_1096 = arith.constant 12288 : i32
        %add3A_1097 = arith.addi %add3A_1096, %mul3A_806 : i32
        %get3A_1098 = arith.index_cast %add3A_1097 : i32 to index
        %get3A_1099 = tpu.vector_load %arg20[%get3A_1098] {strides = array<i32>} : memref<16384xf32, #tpu.memory_space<vmem>>, vector<16xf32>,
        %mul3A_1100 = arith.mulf %get3A_1095, %get3A_1099 : vector<16xf32>
        %add3A_1101 = arith.addf %add3A_1091, %mul3A_1100 : vector<16xf32>
        %add3A_1102 = arith.constant 12800 : i32
        %add3A_1103 = arith.addi %add3A_1102, %mul3A_806 : i32
        %get3A_1104 = arith.index_cast %add3A_1103 : i32 to index
        %get3A_1105 = tpu.vector_load %arg19[%get3A_1104] {strides = array<i32>} : memref<16384xf32, #tpu.memory_space<vmem>>, vector<16xf32>,
        %add3A_1106 = arith.constant 12800 : i32
        %add3A_1107 = arith.addi %add3A_1106, %mul3A_806 : i32
        %get3A_1108 = arith.index_cast %add3A_1107 : i32 to index
        %get3A_1109 = tpu.vector_load %arg20[%get3A_1108] {strides = array<i32>} : memref<16384xf32, #tpu.memory_space<vmem>>, vector<16xf32>,
        %mul3A_1110 = arith.mulf %get3A_1105, %get3A_1109 : vector<16xf32>
        %add3A_1111 = arith.addf %add3A_1101, %mul3A_1110 : vector<16xf32>
        %add3A_1112 = arith.constant 13312 : i32
        %add3A_1113 = arith.addi %add3A_1112, %mul3A_806 : i32
        %get3A_1114 = arith.index_cast %add3A_1113 : i32 to index
        %get3A_1115 = tpu.vector_load %arg19[%get3A_1114] {strides = array<i32>} : memref<16384xf32, #tpu.memory_space<vmem>>, vector<16xf32>,
        %add3A_1116 = arith.constant 13312 : i32
        %add3A_1117 = arith.addi %add3A_1116, %mul3A_806 : i32
        %get3A_1118 = arith.index_cast %add3A_1117 : i32 to index
        %get3A_1119 = tpu.vector_load %arg20[%get3A_1118] {strides = array<i32>} : memref<16384xf32, #tpu.memory_space<vmem>>, vector<16xf32>,
        %mul3A_1120 = arith.mulf %get3A_1115, %get3A_1119 : vector<16xf32>
        %add3A_1121 = arith.addf %add3A_1111, %mul3A_1120 : vector<16xf32>
        %add3A_1122 = arith.constant 13824 : i32
        %add3A_1123 = arith.addi %add3A_1122, %mul3A_806 : i32
        %get3A_1124 = arith.index_cast %add3A_1123 : i32 to index
        %get3A_1125 = tpu.vector_load %arg19[%get3A_1124] {strides = array<i32>} : memref<16384xf32, #tpu.memory_space<vmem>>, vector<16xf32>,
        %add3A_1126 = arith.constant 13824 : i32
        %add3A_1127 = arith.addi %add3A_1126, %mul3A_806 : i32
        %get3A_1128 = arith.index_cast %add3A_1127 : i32 to index
        %get3A_1129 = tpu.vector_load %arg20[%get3A_1128] {strides = array<i32>} : memref<16384xf32, #tpu.memory_space<vmem>>, vector<16xf32>,
        %mul3A_1130 = arith.mulf %get3A_1125, %get3A_1129 : vector<16xf32>
        %add3A_1131 = arith.addf %add3A_1121, %mul3A_1130 : vector<16xf32>
        %add3A_1132 = arith.constant 14336 : i32
        %add3A_1133 = arith.addi %add3A_1132, %mul3A_806 : i32
        %get3A_1134 = arith.index_cast %add3A_1133 : i32 to index
        %get3A_1135 = tpu.vector_load %arg19[%get3A_1134] {strides = array<i32>} : memref<16384xf32, #tpu.memory_space<vmem>>, vector<16xf32>,
        %add3A_1136 = arith.constant 14336 : i32
        %add3A_1137 = arith.addi %add3A_1136, %mul3A_806 : i32
        %get3A_1138 = arith.index_cast %add3A_1137 : i32 to index
        %get3A_1139 = tpu.vector_load %arg20[%get3A_1138] {strides = array<i32>} : memref<16384xf32, #tpu.memory_space<vmem>>, vector<16xf32>,
        %mul3A_1140 = arith.mulf %get3A_1135, %get3A_1139 : vector<16xf32>
        %add3A_1141 = arith.addf %add3A_1131, %mul3A_1140 : vector<16xf32>
        %add3A_1142 = arith.constant 14848 : i32
        %add3A_1143 = arith.addi %add3A_1142, %mul3A_806 : i32
        %get3A_1144 = arith.index_cast %add3A_1143 : i32 to index
        %get3A_1145 = tpu.vector_load %arg19[%get3A_1144] {strides = array<i32>} : memref<16384xf32, #tpu.memory_space<vmem>>, vector<16xf32>,
        %add3A_1146 = arith.constant 14848 : i32
        %add3A_1147 = arith.addi %add3A_1146, %mul3A_806 : i32
        %get3A_1148 = arith.index_cast %add3A_1147 : i32 to index
        %get3A_1149 = tpu.vector_load %arg20[%get3A_1148] {strides = array<i32>} : memref<16384xf32, #tpu.memory_space<vmem>>, vector<16xf32>,
        %mul3A_1150 = arith.mulf %get3A_1145, %get3A_1149 : vector<16xf32>
        %add3A_1151 = arith.addf %add3A_1141, %mul3A_1150 : vector<16xf32>
        %add3A_1152 = arith.constant 15360 : i32
        %add3A_1153 = arith.addi %add3A_1152, %mul3A_806 : i32
        %get3A_1154 = arith.index_cast %add3A_1153 : i32 to index
        %get3A_1155 = tpu.vector_load %arg19[%get3A_1154] {strides = array<i32>} : memref<16384xf32, #tpu.memory_space<vmem>>, vector<16xf32>,
        %add3A_1156 = arith.constant 15360 : i32
        %add3A_1157 = arith.addi %add3A_1156, %mul3A_806 : i32
        %get3A_1158 = arith.index_cast %add3A_1157 : i32 to index
        %get3A_1159 = tpu.vector_load %arg20[%get3A_1158] {strides = array<i32>} : memref<16384xf32, #tpu.memory_space<vmem>>, vector<16xf32>,
        %mul3A_1160 = arith.mulf %get3A_1155, %get3A_1159 : vector<16xf32>
        %add3A_1161 = arith.addf %add3A_1151, %mul3A_1160 : vector<16xf32>
        %add3A_1162 = arith.constant 15872 : i32
        %add3A_1163 = arith.addi %add3A_1162, %mul3A_806 : i32
        %get3A_1164 = arith.index_cast %add3A_1163 : i32 to index
        %get3A_1165 = tpu.vector_load %arg19[%get3A_1164] {strides = array<i32>} : memref<16384xf32, #tpu.memory_space<vmem>>, vector<16xf32>,
        %add3A_1166 = arith.constant 15872 : i32
        %add3A_1167 = arith.addi %add3A_1166, %mul3A_806 : i32
        %get3A_1168 = arith.index_cast %add3A_1167 : i32 to index
        %get3A_1169 = tpu.vector_load %arg20[%get3A_1168] {strides = array<i32>} : memref<16384xf32, #tpu.memory_space<vmem>>, vector<16xf32>,
        %mul3A_1170 = arith.mulf %get3A_1165, %get3A_1169 : vector<16xf32>
        %add3A_1171 = arith.addf %add3A_1161, %mul3A_1170 : vector<16xf32>
        %neg3A = arith.constant 0.000000e+00 : f32
        %neg3A_1172 = vector.broadcast %neg3A : f32 to vector<16xf32>
        %neg3A_1173 = arith.subf %neg3A_1172, %add3A_1171 : vector<16xf32>
        %exp3A = math.exp %neg3A_1173 : vector<16xf32>
        %add3A_1174 = arith.constant 1.000000e+00 : f32
        %add3A_1175 = vector.broadcast %add3A_1174 : f32 to vector<16xf32>
        %add3A_1176 = arith.addf %add3A_1175, %exp3A : vector<16xf32>
        %div3A = arith.constant 1.000000e+00 : f32
        %div3A_1177 = vector.broadcast %div3A : f32 to vector<16xf32>
        %div3A_1178 = arith.divf %div3A_1177, %add3A_1176 : vector<16xf32>
        %mul3A_1179 = arith.constant 4.400000e+00 : f32
        %mul3A_1180 = vector.broadcast %mul3A_1179 : f32 to vector<16xf32>
        %mul3A_1181 = arith.mulf %div3A_1178, %mul3A_1180 : vector<16xf32>
        %add3A_1182 = arith.constant 8.000000e-01 : f32
        %add3A_1183 = vector.broadcast %add3A_1182 : f32 to vector<16xf32>
        %add3A_1184 = arith.addf %mul3A_1181, %add3A_1183 : vector<16xf32>
        %swap3A = arith.index_cast %mul3A_806 : i32 to index
        %swap3A_1185 = tpu.vector_load %arg27[%swap3A] {strides = array<i32>} : memref<512xf32, #tpu.memory_space<vmem>>, vector<16xf32>,
        tpu.vector_store %arg27[%swap3A], %add3A_1184 {strides = array<i32>} : memref<512xf32, #tpu.memory_space<vmem>>, vector<16xf32>,
      } else {
      }
    }
    %scan3A_803 = arith.constant 32 : i32
    "tpu.region"() ({
      %run_scoped3A = tpu.sem_alloc : memref<!tpu.dma_semaphore, #tpu.memory_space<semaphore_mem>>
      %dma_start3A_804 = tpu.memref_slice %arg12[%mul3A_2] : memref<16384xf32, #tpu.memory_space<hbm>> -> memref<512xf32, #tpu.memory_space<hbm>>
      %dma_start3A_805 = tpu.memref_slice %arg12[%mul3A_2] : memref<16384xf32, #tpu.memory_space<hbm>> -> memref<512xf32, #tpu.memory_space<hbm>>
      tpu.enqueue_dma source(%arg27 : memref<512xf32, #tpu.memory_space<vmem>>) target(%dma_start3A_805 : memref<512xf32, #tpu.memory_space<hbm>>) target_semaphore(%run_scoped3A : memref<!tpu.dma_semaphore, #tpu.memory_space<semaphore_mem>>)
      %dma_wait3A_806 = tpu.memref_slice %arg12[%mul3A_2] : memref<16384xf32, #tpu.memory_space<hbm>> -> memref<512xf32, #tpu.memory_space<hbm>>
      %dma_wait3A_807 = tpu.memref_slice %arg12[%mul3A_2] : memref<16384xf32, #tpu.memory_space<hbm>> -> memref<512xf32, #tpu.memory_space<hbm>>
      tpu.wait_dma2 semaphore(%run_scoped3A : memref<!tpu.dma_semaphore, #tpu.memory_space<semaphore_mem>>) src(%arg27 : memref<512xf32, #tpu.memory_space<vmem>>) dst(%dma_wait3A_807 : memref<512xf32, #tpu.memory_space<hbm>>)
      tpu.yield
    }) : () -> ()
    return
  }
}

</mosaic_0001>

<sc_bundles>
// kernel: kernel.3.cloned.1.call-start
scs
__scs_entry_jumppad:
0x0: {  	(pc) =	sbr.rel $0x88, $3  }
0x1: {  	(tag) =	ssettag $0x0;
	lr =	simm.s32 $0x1  }
0x2: {  	[smem:$0x3F9B] =	sst lr;
	_ =	strace $0xD0000000  }
0x3: {  	_ = 	snop  }
0x4: {  	_ = 	snop  }
0x5: {  	_ = 	snop  }
0x6: {  	_ = 	snop  }
0x7: {  	_ = 	snop  }
__scs_overlays_trampoline_lowered:
0x8: {  	[smem:$0x3FAA] =	sst s0  }
0x9: {  	[smem:$0x3FAB] =	sst s1  }
0xa: {  	[smem:$0x3FAC] =	sst s2  }
0xb: {  	[smem:$0x3FAD] =	sst s3  }
0xc: {  	[smem:$0x3FAE] =	sst s4  }
0xd: {  	[smem:$0x3FAF] =	sst s5  }
0xe: {  	[smem:$0x3FB0] =	sst s6  }
0xf: {  	[smem:$0x3FB1] =	sst s7  }
0x10: {  	[smem:$0x3FB2] =	sst s8  }
0x11: {  	[smem:$0x3FB3] =	sst s9;
	s0 =	simm.s32 @!p0 $0x0  }
0x12: {  	s1 =	sld [smem:$0x3F99];
	s0 =	simm.s32 @p0 $0x1  }
0x13: {  	[smem:$0x3FB4] =	sst s0;
	s0 =	simm.s32 @!p1 $0x0  }
0x14: {  	s2 =	sld [smem:$0x3F98];
	s0 =	simm.s32 @p1 $0x1  }
0x15: {  	[smem:$0x3FB5] =	sst s0;
	s0 =	simm.s32 @!p2 $0x0  }
0x16: {  	s3 =	sld [smem:$0x3FDB];
	s0 =	simm.s32 @p2 $0x1  }
0x17: {  	s4 =	simm.s32 $0x1BF5;
	[smem:$0x3FB7] =	sst s0  }
0x18: {  	s0 =	sld [smem:$0x3F9A];
	_ =	swait.ge [sflag:s4], $0x0  }
0x19: {  	s7 =	sld [smem:$0x3F9B]  }
0x1a: {  	s8 =	sadd.s32 $0xFFFFE003, lr  }
0x1b: {  	s9 =	sadd.s32 $0xFFFFFEF7, lr;
	s5 =	simm.s32 $0xFFFFFFFF;
	p2 =	slt.u32 s8, $0xFFFFF086  }
0x1c: {  	p1 =	slt.u32 s9, $0xF7A;
	s5 =	simm.s32 @!p2 $0x0  }
0x1d: {  	s5 =	simm.s32 @p1 $0x1;
	p0 =	seq.s32 s7, s2  }
0x1e: {  	s7 =	smul.u32 @!p0 $0xF7A, s2;
	p2 =	seq.s32 @!p0 s5, $0x0  }
0x1f: {  	s9 =	smul.u32 $0xF7A, s1;
	s8 =	simm.s32 @!p0 $0x1BF5;
	p2 =	por !p2, p0  }
0x20: {  	[sflag:s8] =	ssyncset.s32 @!p0 $0xFFFFF086;
	s6 =	sadd.s32 @!p0 s3, s7;
	s7 =	simm.s32 @!p0 $0x108  }
0x21: {  	s3 =	sadd.s32 s3, s9;
	s6 =	sadd.s32 @!p0 $0x88, s6;
	s7 =	simm.s32 @p2 $0x1082  }
0x22: {  	[simem:s7], [sflag:s8] =	dma.local @!p0 [hbm:s6], $0xF7A  }
0x23: {  	s9 =	sor.u32 $0xD0000000, s2;
	s6 =	simm.s32 $0x108;
	_ =	swait.ge @!p0 [sflag:s8], $0x0  }
0x24: {  	s3 =	sadd.s32 $0x88, s3;
	s6 =	simm.s32 @!p1 $0x1082;
	[sflag:s4] =	ssyncset.s32 $0xFFFFF086  }
0x25: {  	[simem:s6], [sflag:s4] =	dma.local [hbm:s3], $0xF7A  }
0x26: {  	[smem:$0x3F9B] =	sst s1;
	(tag) =	ssettag s2;
	_ =	strace s9  }
0x27: {  	s1 =	sld [smem:$0x3FAB]  }
0x28: {  	s2 =	sld [smem:$0x3FAC]  }
0x29: {  	s4 =	sld [smem:$0x3FAE]  }
0x2a: {  	p0 =	seq.s32 s5, $0x0;
	s5 =	sld [smem:$0x3FAF]  }
0x2b: {  	s6 =	sld [smem:$0x3FB0]  }
0x2c: {  	s7 =	sld [smem:$0x3FB1]  }
0x2d: {  	s3 =	simm.s32 $0x108;
	s8 =	sld [smem:$0x3FB2]  }
0x2e: {  	s3 =	simm.s32 @!p0 $0x1082;
	s9 =	sld [smem:$0x3FB3]  }
0x2f: {  	lr =	sadd.s32 s0, s3;
	s0 =	sld [smem:$0x3FAA]  }
0x30: {  	s3 =	sld [smem:$0x3FAD]  }
0x31: {  	[smem:$0x3FB6] =	sst s10  }
0x32: {  	s10 =	sld [smem:$0x3FB4];
	_ =	sdelay $0x3  }
0x33: {  	p0 =	seq.s32 s10, $0x1;
	s10 =	sld [smem:$0x3FB6];
	_ =	sdelay $0x3  }
0x34: {  	[smem:$0x3FB6] =	sst s10  }
0x35: {  	s10 =	sld [smem:$0x3FB5];
	_ =	sdelay $0x3  }
0x36: {  	p1 =	seq.s32 s10, $0x1;
	s10 =	sld [smem:$0x3FB6];
	_ =	sdelay $0x3  }
0x37: {  	[smem:$0x3FB6] =	sst s10  }
0x38: {  	s10 =	sld [smem:$0x3FB7]  }
0x39: {  	_ = 	snop;
	(pc) =	sbr.ind lr, $3  }
0x3a: {  	_ = 	snop  }
0x3b: {  	_ = 	snop  }
0x3c: {  	p2 =	seq.s32 s10, $0x1;
	s10 =	sld [smem:$0x3FB6]  }
0x3d: {  	_ =	shalt  }
0x3e: {  	_ =	shalt  }
0x3f: {  	_ =	shalt  }
0x40: {  	_ =	shalt  }
0x41: {  	_ =	shalt  }
0x42: {  	_ =	shalt  }
0x43: {  	_ =	shalt  }
0x44: {  	_ =	shalt  }
0x45: {  	_ =	shalt  }
0x46: {  	_ =	shalt  }
0x47: {  	_ =	shalt  }
0x48: {  	_ =	shalt  }
0x49: {  	_ =	shalt  }
0x4a: {  	_ =	shalt  }
0x4b: {  	_ =	shalt  }
0x4c: {  	_ =	shalt  }
0x4d: {  	_ =	shalt  }
0x4e: {  	_ =	shalt  }
0x4f: {  	_ =	shalt  }
0x50: {  	_ =	shalt  }
0x51: {  	_ =	shalt  }
0x52: {  	_ =	shalt  }
0x53: {  	_ =	shalt  }
0x54: {  	_ =	shalt  }
0x55: {  	_ =	shalt  }
0x56: {  	_ =	shalt  }
0x57: {  	_ =	shalt  }
0x58: {  	_ =	shalt  }
0x59: {  	_ =	shalt  }
0x5a: {  	_ =	shalt  }
0x5b: {  	_ =	shalt  }
0x5c: {  	_ =	shalt  }
0x5d: {  	_ =	shalt  }
0x5e: {  	_ =	shalt  }
0x5f: {  	_ =	shalt  }
0x60: {  	_ =	shalt  }
0x61: {  	_ =	shalt  }
0x62: {  	_ =	shalt  }
0x63: {  	_ =	shalt  }
0x64: {  	_ =	shalt  }
0x65: {  	_ =	shalt  }
0x66: {  	_ =	shalt  }
0x67: {  	_ =	shalt  }
0x68: {  	_ =	shalt  }
0x69: {  	_ =	shalt  }
0x6a: {  	_ =	shalt  }
0x6b: {  	_ =	shalt  }
0x6c: {  	_ =	shalt  }
0x6d: {  	_ =	shalt  }
0x6e: {  	_ =	shalt  }
0x6f: {  	_ =	shalt  }
0x70: {  	_ =	shalt  }
0x71: {  	_ =	shalt  }
0x72: {  	_ =	shalt  }
0x73: {  	_ =	shalt  }
0x74: {  	_ =	shalt  }
0x75: {  	_ =	shalt  }
0x76: {  	_ =	shalt  }
0x77: {  	_ =	shalt  }
0x78: {  	_ =	shalt  }
0x79: {  	_ =	shalt  }
0x7a: {  	_ =	shalt  }
0x7b: {  	_ =	shalt  }
0x7c: {  	_ =	shalt  }
0x7d: {  	_ =	shalt  }
0x7e: {  	_ =	shalt  }
0x7f: {  	_ =	shalt  }
0x80: {  	_ =	shalt  }
0x81: {  	_ =	shalt  }
0x82: {  	_ =	shalt  }
0x83: {  	_ =	shalt  }
0x84: {  	_ =	shalt  }
0x85: {  	_ =	shalt  }
0x86: {  	_ =	shalt  }
0x87: {  	_ =	shalt  }
.Lfunc_end0:
.L_simem_size_0:
called_computation_lowered:
.L_overlay_start_0:
0x88: {  	s2 =	sld [smem:$0x3FD9]  }
0x89: {  	s3 =	sld [smem:$0x3FFE];
	_ =	sdelay $0x1  }
0x8a: {  	s1 =	srdreg.scid  }
0x8b: {  	s0 =	sand.u32 $0x1, s1  }
0x8c: {  	s17 =	sshll.u32 s0, $0xA;
	s2 =	sadd.s32 s3, s2  }
0x8d: {  	s2 =	sadd.s32 s2, s17  }
0x8e: {  	[smem:$0x3FC2] =	sst s2  }
0x8f: {  	_ = 	snop  }
0x90: {  	s2 =	sld [smem:$0x3FC9]  }
0x91: {  	s18 =	sld [smem:$0x3FC8]  }
0x92: {  	s4 =	sld [smem:$0x3FD0];
	(tm) =	ssettm $0x1  }
0x93: {  	s5 =	sld [smem:$0x3FFB];
	_ =	sdelay $0x3  }
0x94: {  	_ =	strace s5  }
0x95: {  	s5 =	sld [smem:$0x3FFC];
	_ =	sdelay $0x3  }
0x96: {  	_ =	strace s5  }
0x97: {  	s5 =	sld [smem:$0x3FFD];
	_ =	sdelay $0x3  }
0x98: {  	_ =	strace s5  }
0x99: {  	_ =	strace $0x8FFFFFFF  }
0x9a: {  	s19 =	sld [smem:$0x3FDB];
	_ =	sdelay $0x1  }
0x9b: {  	s6 =	simm.s32 $_scs_section_size  }
0x9c: {  	s7 =	simm.s32 $_size__tile_overlayer_lowered;
	s8 =	simm.s32 $_tile_overlayer_lowered  }
0x9d: {  	s22 =	simm.s32 $0x1BFF;
	s21 =	sshll.u32 s8, $0x1;
	s5 =	sadd.s32 s6, s19  }
0x9e: {  	s9 =	simm.s32 $0x0;
	s20 =	sshll.u32 s7, $0x1;
	s7 =	sadd.s32 s21, s5  }
0x9f: {  	[timem:s9], [sflag:s22] =	dma.local [hbm:s7], s20  }
0xa0: {  	_ =	swait.ge [sflag:s22], s20  }
0xa1: {  	s6 =	ssub.s32 $0x0, s20;
	[sflag:s22] =	ssyncset.done $0x0  }
0xa2: {  	[sflag:s22] =	ssyncadd.s32 s6;
	_ =	sdelay $0x1  }
0xa3: {  	s23 =	simm.s32 $0x1B8B  }
0xa4: {  	_ =	swait.ge [sflag:s23], $0x1  }
0xa5: {  	[sflag:s23] =	ssyncset.done $0x0  }
0xa6: {  	s25 =	simm.s32 $0x1B8E;
	s24 =	sld [smem:$0x3FFE];
	[sflag:s23] =	ssyncadd.s32 $0xFFFFFFFF  }
0xa7: {  	s26 =	simm.s32 $execute0_lowered;
	[smem:$0x3FD2] =	sst s25  }
0xa8: {  	s7 =	sshll.u32 s26, $0x1;
	_ =	strace $0x80000046;
	[dreg:$0x1] =	wrdreg $0xFFFFFFFF  }
0xa9: {  	s28 =	simm.s32 $_size_execute0_lowered;
	s5 =	sadd.s32 s5, s7;
	[dreg:$0x0] =	wrdreg $0x0  }
0xaa: {  	s7 =	sshll.u32 s28, $0x1;
	[dreg:$0x2] =	wrdreg s5  }
0xab: {  	[dreg:$0x3] =	wrdreg s7  }
0xac: {  	[dreg:$0x4] =	wrdreg $0xC0  }
0xad: {  	_ =	task [dreg:s9], $0x5FFFF  }
0xae: {  	[dreg:$0x1] =	wrdreg $0xFFFFFFFF  }
0xaf: {  	[dreg:$0x0] =	wrdreg $0x60  }
0xb0: {  	[dreg:$0x2] =	wrdreg s2  }
0xb1: {  	[dreg:$0x3] =	wrdreg s18  }
0xb2: {  	[dreg:$0x4] =	wrdreg s24  }
0xb3: {  	[dreg:$0x5] =	wrdreg s4  }
0xb4: {  	[dreg:$0x6] =	wrdreg $0x9  }
0xb5: {  	_ =	task.clear_ibuf [dreg:s9], $0x7FFFF;
	_ =	strace $0x90000046  }
0xb6: {  	s29 =	simm.s32 $0x9;
	_ =	strace $0x80000048  }
0xb7: {  	_ =	swait.ge [sflag:s29], $0x1  }
0xb8: {  	[sflag:s29] =	ssyncadd.s32 $0xFFFFFFFF  }
0xb9: {  	_ =	strace $0x90000048  }
0xba: {  	_ =	sfence  }
0xbb: {  	s30 =	sld [smem:$0x0];
	_ =	sdelay $0x2  }
0xbc: {  	s31 =	sshll.u32 s1, $0xD;
	s1 =	sshrl.u32 s1, $0x2  }
0xbd: {  	s3 =	sand.u32 $0x4000, s31;
	s1 =	sadd.s32 s1, s30  }
0xbe: {  	s0 =	sor.u32 s3, s0;
	s1 =	sshll.u32 s1, $0x11  }
0xbf: {  	s0 =	sor.u32 s1, s0  }
0xc0: {  	s0 =	sadd.s32 $0x8F2B, s0  }
0xc1: {  	[sflag:s0] =	ssyncadd.remote.s32 $0x1  }
0xc2: {  	_ =	sfence.sel $0xFFFF  }
0xc3: {  	[dreg:$0x0] =	wrdreg $0xFFFFFFFF;
	(pc) =	sbr.abs _section_cstart, $3  }
0xc4: {  	[dreg:$0x1] =	wrdreg $0xFFFFFFFF  }
0xc5: {  	_ =	task.clear_ibuf [dreg:s9], $0x2FFFF;
	_ =	strace $0x9FFFFFFF  }
0xc6: {  	(tm) =	ssettm $0x7FFFFFFF  }
0xc7: {  	_ =	shalt  }
tec
execute0_lowered:
.L_overlay_start_1:
0x0: {  	(tag) =	ssettag $0x1  }
0x1: {  	s6 =	rddreg [dreg:$0x0]  }
0x2: {  	s9 =	rddreg [dreg:$0x1]  }
0x3: {  	s1 =	rddreg [dreg:$0x2]  }
0x4: {  	s12 =	rddreg [dreg:$0x3];
	s2 =	simm.s32 $0x0  }
0x5: {  	[smem:$0x7FF] =	sst s2;
	s0 =	sadd.s32 $0x3D800, s1  }
0x6: {  	s22 =	sadd.s32 $0x40E000, s1;
	_ =	strace $0x80000047;
	[dreg:$0x5] =	wrdreg s0  }
0x7: {  	s23 =	sadd.s32 $0x200, s1;
	[dreg:$0x6] =	wrdreg s22  }
0x8: {  	s24 =	sadd.s32 $0x1EE00, s1;
	[dreg:$0x7] =	wrdreg s23  }
0x9: {  	s25 =	sadd.s32 $0x7DE800, s1;
	[dreg:$0x8] =	wrdreg s24  }
0xa: {  	s26 =	sadd.s32 $0x7DEA00, s1;
	[dreg:$0x9] =	wrdreg s25  }
0xb: {  	s28 =	sadd.s32 $0x1EC00, s1;
	[dreg:$0xa] =	wrdreg s26  }
0xc: {  	s29 =	sadd.s32 $0x3D810, s1;
	[dreg:$0xb] =	wrdreg s28  }
0xd: {  	s30 =	sadd.s32 $0x40E010, s1;
	[dreg:$0xc] =	wrdreg s29  }
0xe: {  	s31 =	sadd.s32 $0x40E020, s1;
	[dreg:$0xd] =	wrdreg s30  }
0xf: {  	s3 =	sadd.s32 $0x3D820, s1;
	[dreg:$0xe] =	wrdreg s31  }
0x10: {  	s4 =	sadd.s32 $0x3D830, s1;
	[dreg:$0xf] =	wrdreg s3  }
0x11: {  	s5 =	sadd.s32 $0x40E030, s1;
	[dreg:$0x10] =	wrdreg s4  }
0x12: {  	s7 =	sadd.s32 $0x3D840, s1;
	[dreg:$0x11] =	wrdreg s5  }
0x13: {  	s8 =	sadd.s32 $0x40E040, s1;
	[dreg:$0x12] =	wrdreg s7  }
0x14: {  	s10 =	sadd.s32 $0x3D850, s1;
	[dreg:$0x13] =	wrdreg s8  }
0x15: {  	s11 =	sadd.s32 $0x40E050, s1;
	[dreg:$0x14] =	wrdreg s10  }
0x16: {  	s13 =	sadd.s32 $0x40E060, s1;
	[dreg:$0x15] =	wrdreg s11  }
0x17: {  	s14 =	sadd.s32 $0x3D860, s1;
	[dreg:$0x16] =	wrdreg s13  }
0x18: {  	s15 =	sadd.s32 $0x3D870, s1;
	[dreg:$0x17] =	wrdreg s14  }
0x19: {  	s16 =	sadd.s32 $0x40E070, s1;
	s17 =	sadd.s32 $0x131A00, s1;
	[dreg:$0x18] =	wrdreg s15  }
0x1a: {  	s18 =	sadd.s32 $0x502200, s1;
	s19 =	sadd.s32 $0x131A10, s1;
	[dreg:$0x19] =	wrdreg s16  }
0x1b: {  	s20 =	sadd.s32 $0x502210, s1;
	s21 =	sadd.s32 $0x131A20, s1;
	[dreg:$0x1a] =	wrdreg s17  }
0x1c: {  	[dreg:$0x1c] =	wrdreg s19;
	s22 =	sadd.s32 $0x502220, s1;
	s23 =	sadd.s32 $0x131A30, s1  }
0x1d: {  	[dreg:$0x1e] =	wrdreg s21;
	s24 =	sadd.s32 $0x502230, s1;
	s25 =	sadd.s32 $0x131A40, s1  }
0x1e: {  	s26 =	sadd.s32 $0x502240, s1;
	[smem:$0x7E0] =	sst s23  }
0x1f: {  	s28 =	sadd.s32 $0x131A50, s1;
	[smem:$0x7E1] =	sst s24  }
0x20: {  	s29 =	sadd.s32 $0x502250, s1;
	[smem:$0x7E2] =	sst s25  }
0x21: {  	s30 =	sadd.s32 $0x131A60, s1;
	[smem:$0x7E3] =	sst s26  }
0x22: {  	s31 =	sadd.s32 $0x502260, s1;
	[smem:$0x7E4] =	sst s28  }
0x23: {  	s3 =	sadd.s32 $0x131A70, s1;
	[smem:$0x7E5] =	sst s29  }
0x24: {  	s4 =	sadd.s32 $0x502270, s1;
	[smem:$0x7E6] =	sst s30  }
0x25: {  	s5 =	sadd.s32 $0x225C00, s1;
	[smem:$0x7E7] =	sst s31  }
0x26: {  	s7 =	sadd.s32 $0x5F6400, s1;
	[smem:$0x7E8] =	sst s3  }
0x27: {  	s8 =	sadd.s32 $0x225C10, s1;
	[smem:$0x7E9] =	sst s4  }
0x28: {  	s10 =	sadd.s32 $0x5F6410, s1;
	[smem:$0x7EA] =	sst s5  }
0x29: {  	s11 =	sadd.s32 $0x225C20, s1;
	[smem:$0x7EB] =	sst s7  }
0x2a: {  	s13 =	sadd.s32 $0x5F6420, s1;
	[smem:$0x7EC] =	sst s8  }
0x2b: {  	s15 =	sadd.s32 $0x5F6430, s1;
	[smem:$0x7ED] =	sst s10  }
0x2c: {  	s16 =	sadd.s32 $0x225C40, s1;
	[smem:$0x7EE] =	sst s11  }
0x2d: {  	s17 =	sadd.s32 $0x5F6440, s1;
	[smem:$0x7EF] =	sst s13  }
0x2e: {  	s19 =	sadd.s32 $0x5F6450, s1;
	[smem:$0x7F1] =	sst s15  }
0x2f: {  	s21 =	sadd.s32 $0x5F6460, s1;
	[smem:$0x7F2] =	sst s16  }
0x30: {  	s3 =	sadd.s32 $0x225C30, s1;
	[smem:$0x7F3] =	sst s17  }
0x31: {  	s4 =	sadd.s32 $0x225C50, s1;
	[smem:$0x7F5] =	sst s19  }
0x32: {  	s5 =	sadd.s32 $0x225C60, s1;
	[smem:$0x7F7] =	sst s21  }
0x33: {  	[dreg:$0x1f] =	wrdreg s22;
	s22 =	sadd.s32 $0x225C70, s1;
	s23 =	sadd.s32 $0x5F6470, s1  }
0x34: {  	[dreg:$0x1b] =	wrdreg s18;
	s25 =	sadd.s32 $0x319E00, s1;
	s26 =	sadd.s32 $0x6EA600, s1  }
0x35: {  	[dreg:$0x1d] =	wrdreg s20;
	s29 =	sadd.s32 $0x319E10, s1;
	s30 =	sadd.s32 $0x6EA610, s1  }
0x36: {  	s7 =	sadd.s32 $0x319E40, s1;
	[smem:$0x7F0] =	sst s3  }
0x37: {  	s8 =	sadd.s32 $0x6EA640, s1;
	[smem:$0x7F4] =	sst s4  }
0x38: {  	s10 =	sadd.s32 $0x319E50, s1;
	[smem:$0x7F6] =	sst s5  }
0x39: {  	s14 =	srdreg.scid;
	s11 =	sadd.s32 $0x6EA650, s1;
	[smem:$0x7F8] =	sst s22  }
0x3a: {  	s0 =	sand.u32 $0x1, s14;
	s14 =	sadd.s32 $0x6EA660, s1;
	[smem:$0x7F9] =	sst s23  }
0x3b: {  	s16 =	sadd.s32 $0x319E70, s1;
	[smem:$0x7FA] =	sst s25  }
0x3c: {  	s17 =	sadd.s32 $0x6EA670, s1;
	s19 =	simm.s32 $0x200;
	[smem:$0x7FB] =	sst s26  }
0x3d: {  	s21 =	simm.s32 $0x9800;
	s18 =	ssub.s32 $0x2, s0;
	[smem:$0x7FC] =	sst s29  }
0x3e: {  	s24 =	sshll.u32 s0, $0x6;
	[smem:$0x7FD] =	sst s30;
	s0 =	sadd.s32 $0x319E20, s1  }
0x3f: {  	s28 =	stileid.u32;
	s3 =	sadd.s32 $0x6EA620, s1;
	s4 =	sadd.s32 $0x319E30, s1  }
0x40: {  	s31 =	sshll.u32 s28, $0x7;
	s5 =	sadd.s32 $0x6EA630, s1;
	s22 =	simm.s32 $0x400  }
.Ltmp0:
0x41: {  	s23 =	simm.s32 $0x600;
	s25 =	simm.s32 $0x1;
	(pc) =	sbr.rel .LBB2_1-.Ltmp0, $4  }
0x42: {  	s26 =	simm.s32 $0x0;
	s20 =	sshrl.u32 s18, $0x1;
	s13 =	sor.u32 s24, s31  }
0x43: {  	s24 =	simm.s32 $0x2;
	s15 =	ssub.s32 s18, s20;
	s6 =	sadd.s32 s6, s13  }
0x44: {  	s9 =	sadd.s32 s9, s13;
	s12 =	sadd.s32 s12, s13;
	s13 =	sadd.s32 $0x319E60, s1  }
0x45: {  	v8 =	vimm.f32 $0.0e+00;
	s18 =	simm.s32 $0x3;
	s20 =	simm.s32 $0x9000;
	s15 =	smax.u32 s15, $0x1  }
.LBB2_8:
0x46: {  	s26 =	sadd.s32 $0x1, s26  }
0x47: {  	p0 =	sne.s32 s26, s15  }
.Ltmp1:
0x48: {  	s28 =	simm.s32 $0xA080;
	(pc) =	sbr.rel @!p0 .LBB2_9-.Ltmp1, $4  }
0x49: {  	[hbm4b:s12+s2] =	stream.linear.scatter [tilespmem:s28], [sflag:$0x3], $0x200, $0x38;
	[tilespmem:$0xA280] =	vst v63  }
0x4a: {  	_ =	swait.ge [sflag:s18], $0x200  }
0x4b: {  	[sflag:s18] =	ssyncset.done $0x0  }
0x4c: {  	[sflag:s18] =	ssyncadd.s32 $0xFFFFFE00  }
.LBB2_1:
0x4d: {  	[tilespmem:s2], [sflag:$0x3] =	stream.linear.gather [hbm4b:s6+s2], $0x200, $0x38;
	[tilespmem:$0xA280] =	vst v63  }
0x4e: {  	_ =	swait.ge [sflag:s18], $0x200  }
0x4f: {  	[sflag:s18] =	ssyncset.done $0x0  }
0x50: {  	[sflag:s18] =	ssyncadd.s32 $0xFFFFFE00  }
0x51: {  	[tilespmem:s19], [sflag:$0x3] =	stream.linear.gather [hbm4b:s9+s2], $0x200, $0x38;
	[tilespmem:$0xA280] =	vst v63  }
0x52: {  	_ =	swait.ge [sflag:s18], $0x200  }
0x53: {  	[sflag:s18] =	ssyncset.done $0x0  }
0x54: {  	s28 =	rddreg [dreg:$0x9];
	[sflag:s18] =	ssyncadd.s32 $0xFFFFFE00  }
0x55: {  	[tilespmem:s20], [sflag:$0x2] =	stream.linear.gather [hbm4b:s28+s2], $0x800, $0x38;
	[tilespmem:$0xA280] =	vst v63  }
0x56: {  	s28 =	rddreg [dreg:$0xa]  }
0x57: {  	[tilespmem:s21], [sflag:$0x2] =	stream.linear.gather [hbm4b:s28+s2], $0x800, $0x38;
	[tilespmem:$0xA280] =	vst v63  }
0x58: {  	s28 =	simm.s32 $0xA000  }
0x59: {  	[tilespmem:s28], [sflag:$0x2] =	stream.linear.gather [hbm4b:s1+s2], $0x40, $0x38;
	[tilespmem:$0xA280] =	vst v63  }
0x5a: {  	s29 =	simm.s32 $0xA040;
	s28 =	rddreg [dreg:$0xb]  }
0x5b: {  	[tilespmem:s29], [sflag:$0x2] =	stream.linear.gather [hbm4b:s28+s2], $0x40, $0x38;
	[tilespmem:$0xA280] =	vst v63  }
0x5c: {  	s29 =	simm.s32 $0x0  }
0x5d: {  	v2 =	vld [tilespmem:s29+$0x200]  }
0x5e: {  	v3 =	vld [tilespmem:s29+$0x0];
	_ =	sdelay $0x3  }
0x5f: {  	s28 =	simm.s32 $0x10;
	vm0 =	vlt.s32 v2, $0xF41FF  }
0x60: {  	v1 =	vld [tilespmem:s28+$0x200];
	vm1 =	vlt.s32 v3, $0xF41FF;
	v4 =	vnsel vm0, $0xF41FF, v2  }
0x61: {  	v2 =	vld [tilespmem:s28+$0x0];
	v3 =	vnsel vm1, $0xF41FF, v3;
	v5 =	vshll.u32 v4, $0x3  }
0x62: {  	[tilespmem:s29+$0xA00] =	vst v4;
	v6 =	vshll.u32 v3, $0x3;
	v4 =	vand.u32 $0x7F, v4;
	v5 =	vand.u32 $0xFFFFFC00, v5  }
0x63: {  	[tilespmem:s29+$0x800] =	vst v3;
	v3 =	vand.u32 $0x7F, v3;
	v6 =	vand.u32 $0xFFFFFC00, v6;
	v4 =	vor.u32 v4, v5  }
0x64: {  	s30 =	simm.s32 $0x80;
	v3 =	vor.u32 v3, v6;
	[tilespmem:s29+$0x600] =	vst v4  }
.LBB2_2:
0x65: {  	s31 =	sshra.s32 s30, $0x2;
	p0 =	sne.s32 s30, $0x7C0;
	s30 =	sadd.s32 $0x40, s30;
	vm0 =	vlt.s32 v1, $0xF41FF;
	[tilespmem:s29+$0x400] =	vst v3  }
.Ltmp2:
0x66: {  	s29 =	smov.u32 s28;
	vm1 =	vlt.s32 v2, $0xF41FF;
	v3 =	vnsel vm0, $0xF41FF, v1;
	v1 =	vld [tilespmem:s31+$0x200];
	s28 =	smov.u32 s31;
	(pc) =	sbr.rel @p0 .LBB2_2-.Ltmp2, $4  }
0x67: {  	v4 =	vnsel vm1, $0xF41FF, v2;
	v2 =	vld [tilespmem:s28+$0x0];
	v5 =	vshll.u32 v3, $0x3;
	[tilespmem:s29+$0xA00] =	vst v3  }
0x68: {  	v3 =	vand.u32 $0x7F, v3;
	v6 =	vshll.u32 v4, $0x3;
	[tilespmem:s29+$0x800] =	vst v4;
	v5 =	vand.u32 $0xFFFFFC00, v5  }
0x69: {  	v4 =	vand.u32 $0x7F, v4;
	v6 =	vand.u32 $0xFFFFFC00, v6;
	v5 =	vor.u32 v3, v5  }
0x6a: {  	v3 =	vor.u32 v4, v6;
	[tilespmem:s29+$0x600] =	vst v5  }
0x6b: {  	vm0 =	vlt.s32 v1, $0xF41FF  }
0x6c: {  	v1 =	vnsel vm0, $0xF41FF, v1;
	vm15 =	vlt.s32 v2, $0xF41FF  }
0x6d: {  	[tilespmem:s29+$0x400] =	vst v3;
	v2 =	vnsel vm15, $0xF41FF, v2;
	v63 =	vshll.u32 v1, $0x3  }
0x6e: {  	[tilespmem:s28+$0xA00] =	vst v1;
	v1 =	vand.u32 $0x7F, v1;
	v4 =	vshll.u32 v2, $0x3;
	v3 =	vand.u32 $0xFFFFFC00, v63  }
0x6f: {  	[tilespmem:s28+$0x800] =	vst v2;
	v2 =	vand.u32 $0x7F, v2;
	v4 =	vand.u32 $0xFFFFFC00, v4;
	v1 =	vor.u32 v1, v3  }
0x70: {  	v2 =	vor.u32 v2, v4;
	[tilespmem:s28+$0x600] =	vst v1  }
0x71: {  	s31 =	rddreg [dreg:$0x7];
	s30 =	simm.s32 $0x8C00;
	[tilespmem:s28+$0x400] =	vst v2;
	s28 =	simm.s32 $0x0  }
0x72: {  	[tilespmem:s30], [sflag:$0x2] =	stream.indirect.gather [hbm4b:s31+s19], $0x1, s28, s19, $0xb8;
	[tilespmem:$0xA280] =	vst v63  }
0x73: {  	s29 =	rddreg [dreg:$0x8];
	s31 =	simm.s32 $0x8E00  }
0x74: {  	[tilespmem:s31], [sflag:$0x2] =	stream.indirect.gather [hbm4b:s29+s19], $0x1, s19, s19, $0xb8;
	[tilespmem:$0xA280] =	vst v63  }
0x75: {  	s29 =	rddreg [dreg:$0x5];
	s31 =	simm.s32 $0xC00  }
0x76: {  	[tilespmem:s31], [sflag:$0x1] =	stream.indirect.gather [hbm4b:s29+s19], $0x1, s22, s19, $0xb8;
	[tilespmem:$0xA280] =	vst v63  }
0x77: {  	s29 =	rddreg [dreg:$0x6];
	s31 =	simm.s32 $0x4C00  }
0x78: {  	[tilespmem:s31], [sflag:$0x1] =	stream.indirect.gather [hbm4b:s29+s19], $0x1, s23, s19, $0xb8;
	[tilespmem:$0xA280] =	vst v63  }
0x79: {  	s29 =	rddreg [dreg:$0xc];
	s31 =	simm.s32 $0xE00  }
0x7a: {  	[tilespmem:s31], [sflag:$0x1] =	stream.indirect.gather [hbm4b:s29+s19], $0x1, s22, s19, $0xb8;
	[tilespmem:$0xA280] =	vst v63  }
0x7b: {  	s29 =	rddreg [dreg:$0xd];
	s31 =	simm.s32 $0x4E00  }
0x7c: {  	[tilespmem:s31], [sflag:$0x1] =	stream.indirect.gather [hbm4b:s29+s19], $0x1, s23, s19, $0xb8;
	[tilespmem:$0xA280] =	vst v63  }
0x7d: {  	s29 =	rddreg [dreg:$0xf];
	s31 =	simm.s32 $0x1000  }
0x7e: {  	[tilespmem:s31], [sflag:$0x1] =	stream.indirect.gather [hbm4b:s29+s19], $0x1, s22, s19, $0xb8;
	[tilespmem:$0xA280] =	vst v63  }
0x7f: {  	s29 =	rddreg [dreg:$0xe];
	s31 =	simm.s32 $0x5000  }
0x80: {  	[tilespmem:s31], [sflag:$0x1] =	stream.indirect.gather [hbm4b:s29+s19], $0x1, s23, s19, $0xb8;
	[tilespmem:$0xA280] =	vst v63  }
0x81: {  	s29 =	rddreg [dreg:$0x10];
	s31 =	simm.s32 $0x1200  }
0x82: {  	[tilespmem:s31], [sflag:$0x1] =	stream.indirect.gather [hbm4b:s29+s19], $0x1, s22, s19, $0xb8;
	[tilespmem:$0xA280] =	vst v63  }
0x83: {  	s29 =	rddreg [dreg:$0x11];
	s31 =	simm.s32 $0x5200  }
0x84: {  	[tilespmem:s31], [sflag:$0x1] =	stream.indirect.gather [hbm4b:s29+s19], $0x1, s23, s19, $0xb8;
	[tilespmem:$0xA280] =	vst v63  }
0x85: {  	s29 =	rddreg [dreg:$0x12];
	s31 =	simm.s32 $0x1400  }
0x86: {  	[tilespmem:s31], [sflag:$0x1] =	stream.indirect.gather [hbm4b:s29+s19], $0x1, s22, s19, $0xb8;
	[tilespmem:$0xA280] =	vst v63  }
0x87: {  	s29 =	rddreg [dreg:$0x13];
	s31 =	simm.s32 $0x5400  }
0x88: {  	[tilespmem:s31], [sflag:$0x1] =	stream.indirect.gather [hbm4b:s29+s19], $0x1, s23, s19, $0xb8;
	[tilespmem:$0xA280] =	vst v63  }
0x89: {  	s29 =	rddreg [dreg:$0x14];
	s31 =	simm.s32 $0x1600  }
0x8a: {  	[tilespmem:s31], [sflag:$0x1] =	stream.indirect.gather [hbm4b:s29+s19], $0x1, s22, s19, $0xb8;
	[tilespmem:$0xA280] =	vst v63  }
0x8b: {  	s29 =	rddreg [dreg:$0x15];
	s31 =	simm.s32 $0x5600  }
0x8c: {  	[tilespmem:s31], [sflag:$0x1] =	stream.indirect.gather [hbm4b:s29+s19], $0x1, s23, s19, $0xb8;
	[tilespmem:$0xA280] =	vst v63  }
0x8d: {  	s29 =	rddreg [dreg:$0x17];
	s31 =	simm.s32 $0x1800  }
0x8e: {  	[tilespmem:s31], [sflag:$0x1] =	stream.indirect.gather [hbm4b:s29+s19], $0x1, s22, s19, $0xb8;
	[tilespmem:$0xA280] =	vst v63  }
0x8f: {  	s29 =	rddreg [dreg:$0x16];
	s31 =	simm.s32 $0x5800  }
0x90: {  	[tilespmem:s31], [sflag:$0x1] =	stream.indirect.gather [hbm4b:s29+s19], $0x1, s23, s19, $0xb8;
	[tilespmem:$0xA280] =	vst v63  }
0x91: {  	s29 =	rddreg [dreg:$0x18];
	s31 =	simm.s32 $0x1A00  }
0x92: {  	[tilespmem:s31], [sflag:$0x1] =	stream.indirect.gather [hbm4b:s29+s19], $0x1, s22, s19, $0xb8;
	[tilespmem:$0xA280] =	vst v63  }
0x93: {  	s29 =	rddreg [dreg:$0x19];
	s31 =	simm.s32 $0x5A00  }
0x94: {  	[tilespmem:s31], [sflag:$0x1] =	stream.indirect.gather [hbm4b:s29+s19], $0x1, s23, s19, $0xb8;
	[tilespmem:$0xA280] =	vst v63  }
0x95: {  	s29 =	rddreg [dreg:$0x1a];
	s31 =	simm.s32 $0x1C00  }
0x96: {  	[tilespmem:s31], [sflag:$0x1] =	stream.indirect.gather [hbm4b:s29+s19], $0x1, s22, s19, $0xb8;
	[tilespmem:$0xA280] =	vst v63  }
0x97: {  	s29 =	rddreg [dreg:$0x1b];
	s31 =	simm.s32 $0x5C00  }
0x98: {  	[tilespmem:s31], [sflag:$0x1] =	stream.indirect.gather [hbm4b:s29+s19], $0x1, s23, s19, $0xb8;
	[tilespmem:$0xA280] =	vst v63  }
0x99: {  	s29 =	rddreg [dreg:$0x1c];
	s31 =	simm.s32 $0x1E00  }
0x9a: {  	[tilespmem:s31], [sflag:$0x1] =	stream.indirect.gather [hbm4b:s29+s19], $0x1, s22, s19, $0xb8;
	[tilespmem:$0xA280] =	vst v63  }
0x9b: {  	s29 =	rddreg [dreg:$0x1d];
	s31 =	simm.s32 $0x5E00  }
0x9c: {  	[tilespmem:s31], [sflag:$0x1] =	stream.indirect.gather [hbm4b:s29+s19], $0x1, s23, s19, $0xb8;
	[tilespmem:$0xA280] =	vst v63  }
0x9d: {  	s29 =	rddreg [dreg:$0x1e];
	s31 =	simm.s32 $0x2000  }
0x9e: {  	[tilespmem:s31], [sflag:$0x1] =	stream.indirect.gather [hbm4b:s29+s19], $0x1, s22, s19, $0xb8;
	[tilespmem:$0xA280] =	vst v63  }
0x9f: {  	s29 =	rddreg [dreg:$0x1f];
	s31 =	simm.s32 $0x6000  }
0xa0: {  	[tilespmem:s31], [sflag:$0x1] =	stream.indirect.gather [hbm4b:s29+s19], $0x1, s23, s19, $0xb8;
	[tilespmem:$0xA280] =	vst v63  }
0xa1: {  	s29 =	sld [smem:$0x7E0];
	_ =	sdelay $0x1  }
0xa2: {  	s31 =	simm.s32 $0x2200  }
0xa3: {  	[tilespmem:s31], [sflag:$0x1] =	stream.indirect.gather [hbm4b:s29+s19], $0x1, s22, s19, $0xb8;
	[tilespmem:$0xA280] =	vst v63  }
0xa4: {  	s29 =	sld [smem:$0x7E1];
	_ =	sdelay $0x1  }
0xa5: {  	s31 =	simm.s32 $0x6200  }
0xa6: {  	[tilespmem:s31], [sflag:$0x1] =	stream.indirect.gather [hbm4b:s29+s19], $0x1, s23, s19, $0xb8;
	[tilespmem:$0xA280] =	vst v63  }
0xa7: {  	s29 =	sld [smem:$0x7E2];
	_ =	sdelay $0x1  }
0xa8: {  	s31 =	simm.s32 $0x2400  }
0xa9: {  	[tilespmem:s31], [sflag:$0x1] =	stream.indirect.gather [hbm4b:s29+s19], $0x1, s22, s19, $0xb8;
	[tilespmem:$0xA280] =	vst v63  }
0xaa: {  	s29 =	sld [smem:$0x7E3];
	_ =	sdelay $0x1  }
0xab: {  	s31 =	simm.s32 $0x6400  }
0xac: {  	[tilespmem:s31], [sflag:$0x1] =	stream.indirect.gather [hbm4b:s29+s19], $0x1, s23, s19, $0xb8;
	[tilespmem:$0xA280] =	vst v63  }
0xad: {  	s29 =	sld [smem:$0x7E4];
	_ =	sdelay $0x1  }
0xae: {  	s31 =	simm.s32 $0x2600  }
0xaf: {  	[tilespmem:s31], [sflag:$0x1] =	stream.indirect.gather [hbm4b:s29+s19], $0x1, s22, s19, $0xb8;
	[tilespmem:$0xA280] =	vst v63  }
0xb0: {  	s29 =	sld [smem:$0x7E5];
	_ =	sdelay $0x1  }
0xb1: {  	s31 =	simm.s32 $0x6600  }
0xb2: {  	[tilespmem:s31], [sflag:$0x1] =	stream.indirect.gather [hbm4b:s29+s19], $0x1, s23, s19, $0xb8;
	[tilespmem:$0xA280] =	vst v63  }
0xb3: {  	s29 =	sld [smem:$0x7E6];
	_ =	sdelay $0x1  }
0xb4: {  	s31 =	simm.s32 $0x2800  }
0xb5: {  	[tilespmem:s31], [sflag:$0x1] =	stream.indirect.gather [hbm4b:s29+s19], $0x1, s22, s19, $0xb8;
	[tilespmem:$0xA280] =	vst v63  }
0xb6: {  	s29 =	sld [smem:$0x7E7];
	_ =	sdelay $0x1  }
0xb7: {  	s31 =	simm.s32 $0x6800  }
0xb8: {  	[tilespmem:s31], [sflag:$0x1] =	stream.indirect.gather [hbm4b:s29+s19], $0x1, s23, s19, $0xb8;
	[tilespmem:$0xA280] =	vst v63  }
0xb9: {  	s29 =	sld [smem:$0x7E8];
	_ =	sdelay $0x1  }
0xba: {  	s31 =	simm.s32 $0x2A00  }
0xbb: {  	[tilespmem:s31], [sflag:$0x1] =	stream.indirect.gather [hbm4b:s29+s19], $0x1, s22, s19, $0xb8;
	[tilespmem:$0xA280] =	vst v63  }
0xbc: {  	s29 =	sld [smem:$0x7E9];
	_ =	sdelay $0x1  }
0xbd: {  	s31 =	simm.s32 $0x6A00  }
0xbe: {  	[tilespmem:s31], [sflag:$0x1] =	stream.indirect.gather [hbm4b:s29+s19], $0x1, s23, s19, $0xb8;
	[tilespmem:$0xA280] =	vst v63  }
0xbf: {  	s29 =	sld [smem:$0x7EA];
	_ =	sdelay $0x1  }
0xc0: {  	s31 =	simm.s32 $0x2C00  }
0xc1: {  	[tilespmem:s31], [sflag:$0x1] =	stream.indirect.gather [hbm4b:s29+s19], $0x1, s22, s19, $0xb8;
	[tilespmem:$0xA280] =	vst v63  }
0xc2: {  	s29 =	sld [smem:$0x7EB];
	_ =	sdelay $0x1  }
0xc3: {  	s31 =	simm.s32 $0x6C00  }
0xc4: {  	[tilespmem:s31], [sflag:$0x1] =	stream.indirect.gather [hbm4b:s29+s19], $0x1, s23, s19, $0xb8;
	[tilespmem:$0xA280] =	vst v63  }
0xc5: {  	s29 =	sld [smem:$0x7EC];
	_ =	sdelay $0x1  }
0xc6: {  	s31 =	simm.s32 $0x2E00  }
0xc7: {  	[tilespmem:s31], [sflag:$0x1] =	stream.indirect.gather [hbm4b:s29+s19], $0x1, s22, s19, $0xb8;
	[tilespmem:$0xA280] =	vst v63  }
0xc8: {  	s29 =	sld [smem:$0x7ED];
	_ =	sdelay $0x1  }
0xc9: {  	s31 =	simm.s32 $0x6E00  }
0xca: {  	[tilespmem:s31], [sflag:$0x1] =	stream.indirect.gather [hbm4b:s29+s19], $0x1, s23, s19, $0xb8;
	[tilespmem:$0xA280] =	vst v63  }
0xcb: {  	s29 =	sld [smem:$0x7EE];
	_ =	sdelay $0x1  }
0xcc: {  	s31 =	simm.s32 $0x3000  }
0xcd: {  	[tilespmem:s31], [sflag:$0x1] =	stream.indirect.gather [hbm4b:s29+s19], $0x1, s22, s19, $0xb8;
	[tilespmem:$0xA280] =	vst v63  }
0xce: {  	s29 =	sld [smem:$0x7EF];
	_ =	sdelay $0x1  }
0xcf: {  	s31 =	simm.s32 $0x7000  }
0xd0: {  	[tilespmem:s31], [sflag:$0x1] =	stream.indirect.gather [hbm4b:s29+s19], $0x1, s23, s19, $0xb8;
	[tilespmem:$0xA280] =	vst v63  }
0xd1: {  	s29 =	sld [smem:$0x7F0];
	_ =	sdelay $0x1  }
0xd2: {  	s31 =	simm.s32 $0x3200  }
0xd3: {  	[tilespmem:s31], [sflag:$0x1] =	stream.indirect.gather [hbm4b:s29+s19], $0x1, s22, s19, $0xb8;
	[tilespmem:$0xA280] =	vst v63  }
0xd4: {  	s29 =	sld [smem:$0x7F1];
	_ =	sdelay $0x1  }
0xd5: {  	s31 =	simm.s32 $0x7200  }
0xd6: {  	[tilespmem:s31], [sflag:$0x1] =	stream.indirect.gather [hbm4b:s29+s19], $0x1, s23, s19, $0xb8;
	[tilespmem:$0xA280] =	vst v63  }
0xd7: {  	s29 =	sld [smem:$0x7F2];
	_ =	sdelay $0x1  }
0xd8: {  	s31 =	simm.s32 $0x3400  }
0xd9: {  	[tilespmem:s31], [sflag:$0x1] =	stream.indirect.gather [hbm4b:s29+s19], $0x1, s22, s19, $0xb8;
	[tilespmem:$0xA280] =	vst v63  }
0xda: {  	s29 =	sld [smem:$0x7F3];
	_ =	sdelay $0x1  }
0xdb: {  	s31 =	simm.s32 $0x7400  }
0xdc: {  	[tilespmem:s31], [sflag:$0x1] =	stream.indirect.gather [hbm4b:s29+s19], $0x1, s23, s19, $0xb8;
	[tilespmem:$0xA280] =	vst v63  }
0xdd: {  	s29 =	sld [smem:$0x7F4];
	_ =	sdelay $0x1  }
0xde: {  	s31 =	simm.s32 $0x3600  }
0xdf: {  	[tilespmem:s31], [sflag:$0x1] =	stream.indirect.gather [hbm4b:s29+s19], $0x1, s22, s19, $0xb8;
	[tilespmem:$0xA280] =	vst v63  }
0xe0: {  	s29 =	sld [smem:$0x7F5];
	_ =	sdelay $0x1  }
0xe1: {  	s31 =	simm.s32 $0x7600  }
0xe2: {  	[tilespmem:s31], [sflag:$0x1] =	stream.indirect.gather [hbm4b:s29+s19], $0x1, s23, s19, $0xb8;
	[tilespmem:$0xA280] =	vst v63  }
0xe3: {  	s29 =	sld [smem:$0x7F6];
	_ =	sdelay $0x1  }
0xe4: {  	s31 =	simm.s32 $0x3800  }
0xe5: {  	[tilespmem:s31], [sflag:$0x1] =	stream.indirect.gather [hbm4b:s29+s19], $0x1, s22, s19, $0xb8;
	[tilespmem:$0xA280] =	vst v63  }
0xe6: {  	s29 =	sld [smem:$0x7F7];
	_ =	sdelay $0x1  }
0xe7: {  	s31 =	simm.s32 $0x7800  }
0xe8: {  	[tilespmem:s31], [sflag:$0x1] =	stream.indirect.gather [hbm4b:s29+s19], $0x1, s23, s19, $0xb8;
	[tilespmem:$0xA280] =	vst v63  }
0xe9: {  	s29 =	sld [smem:$0x7F8];
	_ =	sdelay $0x1  }
0xea: {  	s31 =	simm.s32 $0x3A00  }
0xeb: {  	[tilespmem:s31], [sflag:$0x1] =	stream.indirect.gather [hbm4b:s29+s19], $0x1, s22, s19, $0xb8;
	[tilespmem:$0xA280] =	vst v63  }
0xec: {  	s29 =	sld [smem:$0x7F9];
	_ =	sdelay $0x1  }
0xed: {  	s31 =	simm.s32 $0x7A00  }
0xee: {  	[tilespmem:s31], [sflag:$0x1] =	stream.indirect.gather [hbm4b:s29+s19], $0x1, s23, s19, $0xb8;
	[tilespmem:$0xA280] =	vst v63  }
0xef: {  	s29 =	sld [smem:$0x7FA];
	_ =	sdelay $0x1  }
0xf0: {  	s31 =	simm.s32 $0x3C00  }
0xf1: {  	[tilespmem:s31], [sflag:$0x1] =	stream.indirect.gather [hbm4b:s29+s19], $0x1, s22, s19, $0xb8;
	[tilespmem:$0xA280] =	vst v63  }
0xf2: {  	s29 =	sld [smem:$0x7FB];
	_ =	sdelay $0x1  }
0xf3: {  	s31 =	simm.s32 $0x7C00  }
0xf4: {  	[tilespmem:s31], [sflag:$0x1] =	stream.indirect.gather [hbm4b:s29+s19], $0x1, s23, s19, $0xb8;
	[tilespmem:$0xA280] =	vst v63  }
0xf5: {  	s29 =	sld [smem:$0x7FC];
	_ =	sdelay $0x1  }
0xf6: {  	s31 =	simm.s32 $0x3E00  }
0xf7: {  	[tilespmem:s31], [sflag:$0x1] =	stream.indirect.gather [hbm4b:s29+s19], $0x1, s22, s19, $0xb8;
	[tilespmem:$0xA280] =	vst v63  }
0xf8: {  	s29 =	sld [smem:$0x7FD];
	_ =	sdelay $0x1  }
0xf9: {  	s31 =	simm.s32 $0x7E00  }
0xfa: {  	[tilespmem:s31], [sflag:$0x1] =	stream.indirect.gather [hbm4b:s29+s19], $0x1, s23, s19, $0xb8;
	[tilespmem:$0xA280] =	vst v63  }
0xfb: {  	s30 =	simm.s32 $0x4000  }
0xfc: {  	[tilespmem:s30], [sflag:$0x1] =	stream.indirect.gather [hbm4b:s0+s19], $0x1, s22, s19, $0xb8;
	[tilespmem:$0xA280] =	vst v63  }
0xfd: {  	s31 =	simm.s32 $0x8000  }
0xfe: {  	[tilespmem:s31], [sflag:$0x1] =	stream.indirect.gather [hbm4b:s3+s19], $0x1, s23, s19, $0xb8;
	[tilespmem:$0xA280] =	vst v63  }
0xff: {  	s30 =	simm.s32 $0x4200  }
0x100: {  	[tilespmem:s30], [sflag:$0x1] =	stream.indirect.gather [hbm4b:s4+s19], $0x1, s22, s19, $0xb8;
	[tilespmem:$0xA280] =	vst v63  }
0x101: {  	s31 =	simm.s32 $0x8200  }
0x102: {  	[tilespmem:s31], [sflag:$0x1] =	stream.indirect.gather [hbm4b:s5+s19], $0x1, s23, s19, $0xb8;
	[tilespmem:$0xA280] =	vst v63  }
0x103: {  	s30 =	simm.s32 $0x4400  }
0x104: {  	[tilespmem:s30], [sflag:$0x1] =	stream.indirect.gather [hbm4b:s7+s19], $0x1, s22, s19, $0xb8;
	[tilespmem:$0xA280] =	vst v63  }
0x105: {  	s31 =	simm.s32 $0x8400  }
0x106: {  	[tilespmem:s31], [sflag:$0x1] =	stream.indirect.gather [hbm4b:s8+s19], $0x1, s23, s19, $0xb8;
	[tilespmem:$0xA280] =	vst v63  }
0x107: {  	s30 =	simm.s32 $0x4600  }
0x108: {  	[tilespmem:s30], [sflag:$0x1] =	stream.indirect.gather [hbm4b:s10+s19], $0x1, s22, s19, $0xb8;
	[tilespmem:$0xA280] =	vst v63  }
0x109: {  	s31 =	simm.s32 $0x8600  }
0x10a: {  	[tilespmem:s31], [sflag:$0x1] =	stream.indirect.gather [hbm4b:s11+s19], $0x1, s23, s19, $0xb8;
	[tilespmem:$0xA280] =	vst v63  }
0x10b: {  	s30 =	simm.s32 $0x4800  }
0x10c: {  	[tilespmem:s30], [sflag:$0x1] =	stream.indirect.gather [hbm4b:s13+s19], $0x1, s22, s19, $0xb8;
	[tilespmem:$0xA280] =	vst v63  }
0x10d: {  	s31 =	simm.s32 $0x8800  }
0x10e: {  	[tilespmem:s31], [sflag:$0x1] =	stream.indirect.gather [hbm4b:s14+s19], $0x1, s23, s19, $0xb8;
	[tilespmem:$0xA280] =	vst v63  }
0x10f: {  	s30 =	simm.s32 $0x4A00  }
0x110: {  	[tilespmem:s30], [sflag:$0x1] =	stream.indirect.gather [hbm4b:s16+s19], $0x1, s22, s19, $0xb8;
	[tilespmem:$0xA280] =	vst v63  }
0x111: {  	s31 =	simm.s32 $0x8A00  }
0x112: {  	[tilespmem:s31], [sflag:$0x1] =	stream.indirect.gather [hbm4b:s17+s19], $0x1, s23, s19, $0xb8;
	[tilespmem:$0xA280] =	vst v63  }
0x113: {  	_ =	swait.ge [sflag:s24], $0x800  }
0x114: {  	[sflag:s24] =	ssyncset.done $0x0  }
0x115: {  	[sflag:s24] =	ssyncadd.s32 $0xFFFFF800  }
0x116: {  	_ =	swait.ge [sflag:s24], $0x800  }
0x117: {  	[sflag:s24] =	ssyncset.done $0x0  }
0x118: {  	[sflag:s24] =	ssyncadd.s32 $0xFFFFF800  }
0x119: {  	_ =	swait.ge [sflag:s24], $0x40  }
0x11a: {  	[sflag:s24] =	ssyncset.done $0x0  }
0x11b: {  	[sflag:s24] =	ssyncadd.s32 $0xFFFFFFC0  }
0x11c: {  	_ =	swait.ge [sflag:s24], $0x40  }
0x11d: {  	[sflag:s24] =	ssyncset.done $0x0  }
0x11e: {  	[sflag:s24] =	ssyncadd.s32 $0xFFFFFFC0  }
0x11f: {  	_ =	swait.ge [sflag:s24], $0x200  }
0x120: {  	[sflag:s24] =	ssyncset.done $0x0  }
0x121: {  	[sflag:s24] =	ssyncadd.s32 $0xFFFFFE00  }
0x122: {  	_ =	swait.ge [sflag:s24], $0x200  }
0x123: {  	[sflag:s24] =	ssyncset.done $0x0  }
0x124: {  	[sflag:s24] =	ssyncadd.s32 $0xFFFFFE00  }
0x125: {  	_ =	swait.ge [sflag:s25], $0x200  }
0x126: {  	[sflag:s25] =	ssyncset.done $0x0  }
0x127: {  	[sflag:s25] =	ssyncadd.s32 $0xFFFFFE00  }
0x128: {  	_ =	swait.ge [sflag:s25], $0x200  }
0x129: {  	[sflag:s25] =	ssyncset.done $0x0  }
0x12a: {  	[sflag:s25] =	ssyncadd.s32 $0xFFFFFE00  }
0x12b: {  	_ =	swait.ge [sflag:s25], $0x200  }
0x12c: {  	[sflag:s25] =	ssyncset.done $0x0  }
0x12d: {  	[sflag:s25] =	ssyncadd.s32 $0xFFFFFE00  }
0x12e: {  	_ =	swait.ge [sflag:s25], $0x200  }
0x12f: {  	[sflag:s25] =	ssyncset.done $0x0  }
0x130: {  	[sflag:s25] =	ssyncadd.s32 $0xFFFFFE00  }
0x131: {  	_ =	swait.ge [sflag:s25], $0x200  }
0x132: {  	[sflag:s25] =	ssyncset.done $0x0  }
0x133: {  	[sflag:s25] =	ssyncadd.s32 $0xFFFFFE00  }
0x134: {  	_ =	swait.ge [sflag:s25], $0x200  }
0x135: {  	[sflag:s25] =	ssyncset.done $0x0  }
0x136: {  	[sflag:s25] =	ssyncadd.s32 $0xFFFFFE00  }
0x137: {  	_ =	swait.ge [sflag:s25], $0x200  }
0x138: {  	[sflag:s25] =	ssyncset.done $0x0  }
0x139: {  	[sflag:s25] =	ssyncadd.s32 $0xFFFFFE00  }
0x13a: {  	_ =	swait.ge [sflag:s25], $0x200  }
0x13b: {  	[sflag:s25] =	ssyncset.done $0x0  }
0x13c: {  	[sflag:s25] =	ssyncadd.s32 $0xFFFFFE00  }
0x13d: {  	_ =	swait.ge [sflag:s25], $0x200  }
0x13e: {  	[sflag:s25] =	ssyncset.done $0x0  }
0x13f: {  	[sflag:s25] =	ssyncadd.s32 $0xFFFFFE00  }
0x140: {  	_ =	swait.ge [sflag:s25], $0x200  }
0x141: {  	[sflag:s25] =	ssyncset.done $0x0  }
0x142: {  	[sflag:s25] =	ssyncadd.s32 $0xFFFFFE00  }
0x143: {  	_ =	swait.ge [sflag:s25], $0x200  }
0x144: {  	[sflag:s25] =	ssyncset.done $0x0  }
0x145: {  	[sflag:s25] =	ssyncadd.s32 $0xFFFFFE00  }
0x146: {  	_ =	swait.ge [sflag:s25], $0x200  }
0x147: {  	[sflag:s25] =	ssyncset.done $0x0  }
0x148: {  	[sflag:s25] =	ssyncadd.s32 $0xFFFFFE00  }
0x149: {  	_ =	swait.ge [sflag:s25], $0x200  }
0x14a: {  	[sflag:s25] =	ssyncset.done $0x0  }
0x14b: {  	[sflag:s25] =	ssyncadd.s32 $0xFFFFFE00  }
0x14c: {  	_ =	swait.ge [sflag:s25], $0x200  }
0x14d: {  	[sflag:s25] =	ssyncset.done $0x0  }
0x14e: {  	[sflag:s25] =	ssyncadd.s32 $0xFFFFFE00  }
0x14f: {  	_ =	swait.ge [sflag:s25], $0x200  }
0x150: {  	[sflag:s25] =	ssyncset.done $0x0  }
0x151: {  	[sflag:s25] =	ssyncadd.s32 $0xFFFFFE00  }
0x152: {  	_ =	swait.ge [sflag:s25], $0x200  }
0x153: {  	[sflag:s25] =	ssyncset.done $0x0  }
0x154: {  	[sflag:s25] =	ssyncadd.s32 $0xFFFFFE00  }
0x155: {  	_ =	swait.ge [sflag:s25], $0x200  }
0x156: {  	[sflag:s25] =	ssyncset.done $0x0  }
0x157: {  	[sflag:s25] =	ssyncadd.s32 $0xFFFFFE00  }
0x158: {  	_ =	swait.ge [sflag:s25], $0x200  }
0x159: {  	[sflag:s25] =	ssyncset.done $0x0  }
0x15a: {  	[sflag:s25] =	ssyncadd.s32 $0xFFFFFE00  }
0x15b: {  	_ =	swait.ge [sflag:s25], $0x200  }
0x15c: {  	[sflag:s25] =	ssyncset.done $0x0  }
0x15d: {  	[sflag:s25] =	ssyncadd.s32 $0xFFFFFE00  }
0x15e: {  	_ =	swait.ge [sflag:s25], $0x200  }
0x15f: {  	[sflag:s25] =	ssyncset.done $0x0  }
0x160: {  	[sflag:s25] =	ssyncadd.s32 $0xFFFFFE00  }
0x161: {  	_ =	swait.ge [sflag:s25], $0x200  }
0x162: {  	[sflag:s25] =	ssyncset.done $0x0  }
0x163: {  	[sflag:s25] =	ssyncadd.s32 $0xFFFFFE00  }
0x164: {  	_ =	swait.ge [sflag:s25], $0x200  }
0x165: {  	[sflag:s25] =	ssyncset.done $0x0  }
0x166: {  	[sflag:s25] =	ssyncadd.s32 $0xFFFFFE00  }
0x167: {  	_ =	swait.ge [sflag:s25], $0x200  }
0x168: {  	[sflag:s25] =	ssyncset.done $0x0  }
0x169: {  	[sflag:s25] =	ssyncadd.s32 $0xFFFFFE00  }
0x16a: {  	_ =	swait.ge [sflag:s25], $0x200  }
0x16b: {  	[sflag:s25] =	ssyncset.done $0x0  }
0x16c: {  	[sflag:s25] =	ssyncadd.s32 $0xFFFFFE00  }
0x16d: {  	_ =	swait.ge [sflag:s25], $0x200  }
0x16e: {  	[sflag:s25] =	ssyncset.done $0x0  }
0x16f: {  	[sflag:s25] =	ssyncadd.s32 $0xFFFFFE00  }
0x170: {  	_ =	swait.ge [sflag:s25], $0x200  }
0x171: {  	[sflag:s25] =	ssyncset.done $0x0  }
0x172: {  	[sflag:s25] =	ssyncadd.s32 $0xFFFFFE00  }
0x173: {  	_ =	swait.ge [sflag:s25], $0x200  }
0x174: {  	[sflag:s25] =	ssyncset.done $0x0  }
0x175: {  	[sflag:s25] =	ssyncadd.s32 $0xFFFFFE00  }
0x176: {  	_ =	swait.ge [sflag:s25], $0x200  }
0x177: {  	[sflag:s25] =	ssyncset.done $0x0  }
0x178: {  	[sflag:s25] =	ssyncadd.s32 $0xFFFFFE00  }
0x179: {  	_ =	swait.ge [sflag:s25], $0x200  }
0x17a: {  	[sflag:s25] =	ssyncset.done $0x0  }
0x17b: {  	[sflag:s25] =	ssyncadd.s32 $0xFFFFFE00  }
0x17c: {  	_ =	swait.ge [sflag:s25], $0x200  }
0x17d: {  	[sflag:s25] =	ssyncset.done $0x0  }
0x17e: {  	[sflag:s25] =	ssyncadd.s32 $0xFFFFFE00  }
0x17f: {  	_ =	swait.ge [sflag:s25], $0x200  }
0x180: {  	[sflag:s25] =	ssyncset.done $0x0  }
0x181: {  	[sflag:s25] =	ssyncadd.s32 $0xFFFFFE00  }
0x182: {  	_ =	swait.ge [sflag:s25], $0x200  }
0x183: {  	[sflag:s25] =	ssyncset.done $0x0  }
0x184: {  	[sflag:s25] =	ssyncadd.s32 $0xFFFFFE00  }
0x185: {  	_ =	swait.ge [sflag:s25], $0x200  }
0x186: {  	[sflag:s25] =	ssyncset.done $0x0  }
0x187: {  	[sflag:s25] =	ssyncadd.s32 $0xFFFFFE00  }
0x188: {  	_ =	swait.ge [sflag:s25], $0x200  }
0x189: {  	[sflag:s25] =	ssyncset.done $0x0  }
0x18a: {  	[sflag:s25] =	ssyncadd.s32 $0xFFFFFE00  }
0x18b: {  	_ =	swait.ge [sflag:s25], $0x200  }
0x18c: {  	[sflag:s25] =	ssyncset.done $0x0  }
0x18d: {  	[sflag:s25] =	ssyncadd.s32 $0xFFFFFE00  }
0x18e: {  	_ =	swait.ge [sflag:s25], $0x200  }
0x18f: {  	[sflag:s25] =	ssyncset.done $0x0  }
0x190: {  	[sflag:s25] =	ssyncadd.s32 $0xFFFFFE00  }
0x191: {  	_ =	swait.ge [sflag:s25], $0x200  }
0x192: {  	[sflag:s25] =	ssyncset.done $0x0  }
0x193: {  	[sflag:s25] =	ssyncadd.s32 $0xFFFFFE00  }
0x194: {  	_ =	swait.ge [sflag:s25], $0x200  }
0x195: {  	[sflag:s25] =	ssyncset.done $0x0  }
0x196: {  	[sflag:s25] =	ssyncadd.s32 $0xFFFFFE00  }
0x197: {  	_ =	swait.ge [sflag:s25], $0x200  }
0x198: {  	[sflag:s25] =	ssyncset.done $0x0  }
0x199: {  	[sflag:s25] =	ssyncadd.s32 $0xFFFFFE00  }
0x19a: {  	_ =	swait.ge [sflag:s25], $0x200  }
0x19b: {  	[sflag:s25] =	ssyncset.done $0x0  }
0x19c: {  	[sflag:s25] =	ssyncadd.s32 $0xFFFFFE00  }
0x19d: {  	_ =	swait.ge [sflag:s25], $0x200  }
0x19e: {  	[sflag:s25] =	ssyncset.done $0x0  }
0x19f: {  	[sflag:s25] =	ssyncadd.s32 $0xFFFFFE00  }
0x1a0: {  	_ =	swait.ge [sflag:s25], $0x200  }
0x1a1: {  	[sflag:s25] =	ssyncset.done $0x0  }
0x1a2: {  	[sflag:s25] =	ssyncadd.s32 $0xFFFFFE00  }
0x1a3: {  	_ =	swait.ge [sflag:s25], $0x200  }
0x1a4: {  	[sflag:s25] =	ssyncset.done $0x0  }
0x1a5: {  	[sflag:s25] =	ssyncadd.s32 $0xFFFFFE00  }
0x1a6: {  	_ =	swait.ge [sflag:s25], $0x200  }
0x1a7: {  	[sflag:s25] =	ssyncset.done $0x0  }
0x1a8: {  	[sflag:s25] =	ssyncadd.s32 $0xFFFFFE00  }
0x1a9: {  	_ =	swait.ge [sflag:s25], $0x200  }
0x1aa: {  	[sflag:s25] =	ssyncset.done $0x0  }
0x1ab: {  	[sflag:s25] =	ssyncadd.s32 $0xFFFFFE00  }
0x1ac: {  	_ =	swait.ge [sflag:s25], $0x200  }
0x1ad: {  	[sflag:s25] =	ssyncset.done $0x0  }
0x1ae: {  	[sflag:s25] =	ssyncadd.s32 $0xFFFFFE00  }
0x1af: {  	_ =	swait.ge [sflag:s25], $0x200  }
0x1b0: {  	[sflag:s25] =	ssyncset.done $0x0  }
0x1b1: {  	[sflag:s25] =	ssyncadd.s32 $0xFFFFFE00  }
0x1b2: {  	_ =	swait.ge [sflag:s25], $0x200  }
0x1b3: {  	[sflag:s25] =	ssyncset.done $0x0  }
0x1b4: {  	[sflag:s25] =	ssyncadd.s32 $0xFFFFFE00  }
0x1b5: {  	_ =	swait.ge [sflag:s25], $0x200  }
0x1b6: {  	[sflag:s25] =	ssyncset.done $0x0  }
0x1b7: {  	[sflag:s25] =	ssyncadd.s32 $0xFFFFFE00  }
0x1b8: {  	_ =	swait.ge [sflag:s25], $0x200  }
0x1b9: {  	[sflag:s25] =	ssyncset.done $0x0  }
0x1ba: {  	[sflag:s25] =	ssyncadd.s32 $0xFFFFFE00  }
0x1bb: {  	_ =	swait.ge [sflag:s25], $0x200  }
0x1bc: {  	[sflag:s25] =	ssyncset.done $0x0  }
0x1bd: {  	[sflag:s25] =	ssyncadd.s32 $0xFFFFFE00  }
0x1be: {  	_ =	swait.ge [sflag:s25], $0x200  }
0x1bf: {  	[sflag:s25] =	ssyncset.done $0x0  }
0x1c0: {  	[sflag:s25] =	ssyncadd.s32 $0xFFFFFE00  }
0x1c1: {  	_ =	swait.ge [sflag:s25], $0x200  }
0x1c2: {  	[sflag:s25] =	ssyncset.done $0x0  }
0x1c3: {  	[sflag:s25] =	ssyncadd.s32 $0xFFFFFE00  }
0x1c4: {  	_ =	swait.ge [sflag:s25], $0x200  }
0x1c5: {  	[sflag:s25] =	ssyncset.done $0x0  }
0x1c6: {  	[sflag:s25] =	ssyncadd.s32 $0xFFFFFE00  }
0x1c7: {  	_ =	swait.ge [sflag:s25], $0x200  }
0x1c8: {  	[sflag:s25] =	ssyncset.done $0x0  }
0x1c9: {  	[sflag:s25] =	ssyncadd.s32 $0xFFFFFE00  }
0x1ca: {  	_ =	swait.ge [sflag:s25], $0x200  }
0x1cb: {  	[sflag:s25] =	ssyncset.done $0x0  }
0x1cc: {  	[sflag:s25] =	ssyncadd.s32 $0xFFFFFE00  }
0x1cd: {  	_ =	swait.ge [sflag:s25], $0x200  }
0x1ce: {  	[sflag:s25] =	ssyncset.done $0x0  }
0x1cf: {  	[sflag:s25] =	ssyncadd.s32 $0xFFFFFE00  }
0x1d0: {  	_ =	swait.ge [sflag:s25], $0x200  }
0x1d1: {  	[sflag:s25] =	ssyncset.done $0x0  }
0x1d2: {  	[sflag:s25] =	ssyncadd.s32 $0xFFFFFE00  }
0x1d3: {  	_ =	swait.ge [sflag:s25], $0x200  }
0x1d4: {  	[sflag:s25] =	ssyncset.done $0x0  }
0x1d5: {  	[sflag:s25] =	ssyncadd.s32 $0xFFFFFE00  }
0x1d6: {  	_ =	swait.ge [sflag:s25], $0x200  }
0x1d7: {  	[sflag:s25] =	ssyncset.done $0x0  }
0x1d8: {  	[sflag:s25] =	ssyncadd.s32 $0xFFFFFE00  }
0x1d9: {  	_ =	swait.ge [sflag:s25], $0x200  }
0x1da: {  	[sflag:s25] =	ssyncset.done $0x0  }
0x1db: {  	[sflag:s25] =	ssyncadd.s32 $0xFFFFFE00  }
0x1dc: {  	_ =	swait.ge [sflag:s25], $0x200  }
0x1dd: {  	[sflag:s25] =	ssyncset.done $0x0  }
0x1de: {  	[sflag:s25] =	ssyncadd.s32 $0xFFFFFE00  }
0x1df: {  	_ =	swait.ge [sflag:s25], $0x200  }
.Ltmp3:
0x1e0: {  	[sflag:s25] =	ssyncset.done $0x0;
	(pc) =	sbr.rel .LBB2_4-.Ltmp3, $4  }
0x1e1: {  	[sflag:s25] =	ssyncadd.s32 $0xFFFFFE00  }
0x1e2: {  	_ =	swait.ge [sflag:s25], $0x200  }
0x1e3: {  	[sflag:s25] =	ssyncset.done $0x0  }
0x1e4: {  	[sflag:s25] =	ssyncadd.s32 $0xFFFFFE00  }
.LBB2_6:
0x1e5: {  	v0 =	vld [tilespmem:s29+$0xC00]  }
0x1e6: {  	v1 =	vld [tilespmem:s29+$0x4C00]  }
0x1e7: {  	v2 =	vld [tilespmem:s29+$0xE00]  }
0x1e8: {  	v3 =	vld [tilespmem:s29+$0x4E00]  }
0x1e9: {  	v4 =	vld [tilespmem:s29+$0x1000]  }
0x1ea: {  	v5 =	vld [tilespmem:s29+$0x5000]  }
0x1eb: {  	v6 =	vld [tilespmem:s29+$0x5200];
	v0 =	vmul.f32 v1, v0  }
0x1ec: {  	v1 =	vld [tilespmem:s29+$0x1200]  }
0x1ed: {  	v7 =	vld [tilespmem:s29+$0x5400];
	v2 =	vmul.f32 v3, v2;
	v0 =	vadd.f32 v0, v9  }
0x1ee: {  	v3 =	vld [tilespmem:s29+$0x1400]  }
0x1ef: {  	v46 =	vld [tilespmem:s29+$0x1600];
	v0 =	vadd.f32 v2, v0;
	v2 =	vmul.f32 v5, v4  }
0x1f0: {  	v47 =	vld [tilespmem:s29+$0x5600]  }
0x1f1: {  	v1 =	vmul.f32 v6, v1;
	v6 =	vld [tilespmem:s29+$0x5800];
	v0 =	vadd.f32 v2, v0  }
0x1f2: {  	v2 =	vld [tilespmem:s29+$0x1800]  }
0x1f3: {  	v0 =	vadd.f32 v1, v0;
	v1 =	vmul.f32 v7, v3;
	v3 =	vld [tilespmem:s29+$0x1A00]  }
0x1f4: {  	v7 =	vld [tilespmem:s29+$0x5A00]  }
0x1f5: {  	v48 =	vld [tilespmem:s29+$0x1C00];
	v0 =	vadd.f32 v1, v0;
	v1 =	vmul.f32 v47, v46  }
0x1f6: {  	v49 =	vld [tilespmem:s29+$0x5C00]  }
0x1f7: {  	v0 =	vadd.f32 v1, v0;
	v1 =	vmul.f32 v6, v2;
	v2 =	vld [tilespmem:s29+$0x1E00]  }
0x1f8: {  	v6 =	vld [tilespmem:s29+$0x5E00]  }
0x1f9: {  	v0 =	vadd.f32 v1, v0;
	v1 =	vmul.f32 v7, v3;
	v3 =	vld [tilespmem:s29+$0x2000]  }
0x1fa: {  	v7 =	vld [tilespmem:s29+$0x6000]  }
0x1fb: {  	v50 =	vld [tilespmem:s29+$0x2200];
	v0 =	vadd.f32 v1, v0;
	v1 =	vmul.f32 v49, v48  }
0x1fc: {  	v51 =	vld [tilespmem:s29+$0x6200]  }
0x1fd: {  	v0 =	vadd.f32 v1, v0;
	v1 =	vmul.f32 v6, v2;
	v2 =	vld [tilespmem:s29+$0x2400]  }
0x1fe: {  	v6 =	vld [tilespmem:s29+$0x6400]  }
0x1ff: {  	v0 =	vadd.f32 v1, v0;
	v1 =	vmul.f32 v7, v3;
	v3 =	vld [tilespmem:s29+$0x2600]  }
0x200: {  	v7 =	vld [tilespmem:s29+$0x6600]  }
0x201: {  	v52 =	vld [tilespmem:s29+$0x2800];
	v0 =	vadd.f32 v1, v0;
	v1 =	vmul.f32 v51, v50  }
0x202: {  	v53 =	vld [tilespmem:s29+$0x6800]  }
0x203: {  	v0 =	vadd.f32 v1, v0;
	v1 =	vmul.f32 v6, v2;
	v2 =	vld [tilespmem:s29+$0x2A00]  }
0x204: {  	v6 =	vld [tilespmem:s29+$0x6A00]  }
0x205: {  	v0 =	vadd.f32 v1, v0;
	v1 =	vmul.f32 v7, v3;
	v3 =	vld [tilespmem:s29+$0x2C00]  }
0x206: {  	v7 =	vld [tilespmem:s29+$0x6C00]  }
0x207: {  	v54 =	vld [tilespmem:s29+$0x2E00];
	v0 =	vadd.f32 v1, v0;
	v1 =	vmul.f32 v53, v52  }
0x208: {  	v55 =	vld [tilespmem:s29+$0x6E00]  }
0x209: {  	v0 =	vadd.f32 v1, v0;
	v1 =	vmul.f32 v6, v2;
	v2 =	vld [tilespmem:s29+$0x3000]  }
0x20a: {  	v6 =	vld [tilespmem:s29+$0x7000]  }
0x20b: {  	v0 =	vadd.f32 v1, v0;
	v1 =	vmul.f32 v7, v3;
	v3 =	vld [tilespmem:s29+$0x3200]  }
0x20c: {  	v7 =	vld [tilespmem:s29+$0x7200]  }
0x20d: {  	v56 =	vld [tilespmem:s29+$0x3400];
	v0 =	vadd.f32 v1, v0;
	v1 =	vmul.f32 v55, v54  }
0x20e: {  	v57 =	vld [tilespmem:s29+$0x7400]  }
0x20f: {  	v0 =	vadd.f32 v1, v0;
	v1 =	vmul.f32 v6, v2;
	v2 =	vld [tilespmem:s29+$0x3600]  }
0x210: {  	v6 =	vld [tilespmem:s29+$0x7600]  }
0x211: {  	v0 =	vadd.f32 v1, v0;
	v1 =	vmul.f32 v7, v3;
	v3 =	vld [tilespmem:s29+$0x3800]  }
0x212: {  	v7 =	vld [tilespmem:s29+$0x7800]  }
0x213: {  	v58 =	vld [tilespmem:s29+$0x3A00];
	v0 =	vadd.f32 v1, v0;
	v1 =	vmul.f32 v57, v56  }
0x214: {  	v59 =	vld [tilespmem:s29+$0x7A00]  }
0x215: {  	v0 =	vadd.f32 v1, v0;
	v1 =	vmul.f32 v6, v2;
	v2 =	vld [tilespmem:s29+$0x3C00]  }
0x216: {  	v6 =	vld [tilespmem:s29+$0x7C00]  }
0x217: {  	v0 =	vadd.f32 v1, v0;
	v1 =	vmul.f32 v7, v3;
	v3 =	vld [tilespmem:s29+$0x3E00]  }
0x218: {  	v7 =	vld [tilespmem:s29+$0x7E00]  }
0x219: {  	v60 =	vld [tilespmem:s29+$0x4000];
	v0 =	vadd.f32 v1, v0;
	v1 =	vmul.f32 v59, v58  }
0x21a: {  	v61 =	vld [tilespmem:s29+$0x8000]  }
0x21b: {  	v0 =	vadd.f32 v1, v0;
	v1 =	vmul.f32 v6, v2;
	v2 =	vld [tilespmem:s29+$0x4200]  }
0x21c: {  	v6 =	vld [tilespmem:s29+$0x8200]  }
0x21d: {  	v0 =	vadd.f32 v1, v0;
	v1 =	vmul.f32 v7, v3;
	v3 =	vld [tilespmem:s29+$0x4400]  }
0x21e: {  	v7 =	vld [tilespmem:s29+$0x8400]  }
0x21f: {  	v62 =	vld [tilespmem:s29+$0x4600];
	v0 =	vadd.f32 v1, v0;
	v1 =	vmul.f32 v61, v60  }
0x220: {  	v63 =	vld [tilespmem:s29+$0x8600]  }
0x221: {  	v0 =	vadd.f32 v1, v0;
	v1 =	vmul.f32 v6, v2;
	v2 =	vld [tilespmem:s29+$0x4800]  }
0x222: {  	v6 =	vld [tilespmem:s29+$0x8800]  }
0x223: {  	v0 =	vadd.f32 v1, v0;
	v1 =	vmul.f32 v7, v3;
	v3 =	vld [tilespmem:s29+$0x4A00]  }
0x224: {  	v7 =	vld [tilespmem:s29+$0x8A00]  }
0x225: {  	v0 =	vadd.f32 v1, v0;
	v1 =	vmul.f32 v63, v62;
	_ =	sdelay $0x1  }
0x226: {  	v0 =	vadd.f32 v1, v0;
	v1 =	vmul.f32 v6, v2;
	_ =	sdelay $0x1  }
0x227: {  	v0 =	vadd.f32 v1, v0;
	v1 =	vmul.f32 v7, v3;
	_ =	sdelay $0x1  }
0x228: {  	v1 =	vadd.f32 v1, v0  }
.LBB2_7:
0x229: {  	_ = 	snop  }
0x22a: {  	v0 =	vsub.f32 $0.0e+00, v1;
	_ =	sdelay $0x1  }
0x22b: {  	v0 =	vmul.f32 $1.442695020e+00, v0;
	_ =	sdelay $0x1  }
0x22c: {  	(erf) = vpow2.f32 v0;
	_ =	sdelay $0x8  }
0x22d: {  	v0 =	vpop (erf)  }
0x22e: {  	v0 =	vadd.f32 $1.000000000e+00, v0;
	_ =	sdelay $0x1  }
0x22f: {  	(erf) = vrcp.f32 v0;
	_ =	sdelay $0x7  }
0x230: {  	s28 =	sadd.s32 $0x40, s28  }
0x231: {  	p0 =	sne.s32 s28, $0x800;
	v0 =	vpop (erf)  }
.Ltmp4:
0x232: {  	v0 =	vmul.f32 $4.400000100e+00, v0;
	(pc) =	sbr.rel @!p0 .LBB2_8-.Ltmp4, $3  }
0x233: {  	_ = 	snop  }
0x234: {  	v0 =	vadd.f32 $8.000000110e-01, v0;
	_ =	sdelay $0x1  }
0x235: {  	[tilespmem:s29+$0xA080] =	vst v0  }
.LBB2_4:
0x236: {  	s29 =	sshra.s32 s28, $0x2  }
0x237: {  	v1 =	vld [tilespmem:s29+$0x0]  }
0x238: {  	v2 =	vld [tilespmem:s29+$0x200];
	_ =	sdelay $0x4  }
0x239: {  	vm0 =	vgt.s32 v1, $0xF41FF;
	vm1 =	vgt.s32 v2, $0xF41FF  }
0x23a: {  	vm2 =	vmor vm0, vm1  }
0x23b: {  	v3 =	vsel vm2, $0x3F800000, v8  }
0x23c: {  	(xrf0) =	vmax.scan.msk.f32 $0xffff, v3;
	_ =	sdelay $0x5  }
0x23d: {  	v3, _, _ =	vpop (xrf0)  }
0x23e: {  	(v2sf) =	vpush v3, $0xF;
	_ =	sdelay $0xe  }
0x23f: {  	v4 =	vld [tilespmem:s29+$0x8E00];
	s30 =	spop (v2sf)  }
0x240: {  	v3 =	vld [tilespmem:s29+$0x8C00];
	p0 =	sgt.f32 s30, $0.0e+00  }
.Ltmp5:
0x241: {  	_ = 	snop;
	(pc) =	sbr.rel @!p0 .LBB2_6-.Ltmp5, $2  }
0x242: {  	_ =	sdelay $0x2  }
0x243: {  	v9 =	vadd.f32 v4, v3  }
0x244: {  	v30 =	vld [tilespmem:s29+$0xC00]  }
0x245: {  	v31 =	vld [tilespmem:s29+$0x4C00]  }
0x246: {  	v14 =	vld [tilespmem:s29+$0xE00]  }
0x247: {  	v15 =	vld [tilespmem:s29+$0x4E00]  }
0x248: {  	v18 =	vld [tilespmem:s29+$0x1000]  }
0x249: {  	v19 =	vld [tilespmem:s29+$0x5000]  }
0x24a: {  	v22 =	vld [tilespmem:s29+$0x1200]  }
0x24b: {  	v23 =	vld [tilespmem:s29+$0x5200]  }
0x24c: {  	v26 =	vld [tilespmem:s29+$0x1400]  }
0x24d: {  	v27 =	vld [tilespmem:s29+$0x5400]  }
0x24e: {  	v34 =	vld [tilespmem:s29+$0x1600]  }
0x24f: {  	v35 =	vld [tilespmem:s29+$0x5600]  }
0x250: {  	v38 =	vld [tilespmem:s29+$0x1800]  }
0x251: {  	v39 =	vld [tilespmem:s29+$0x5800]  }
0x252: {  	v42 =	vld [tilespmem:s29+$0x1A00]  }
0x253: {  	v1 =	vadd.s32 $0xFFF0BE00, v1;
	v43 =	vld [tilespmem:s29+$0x5A00]  }
0x254: {  	v2 =	vadd.s32 $0xFFF0BE00, v2;
	v46 =	vld [tilespmem:s29+$0x1C00];
	vm2 =	vgt.s32 v1, $0x0  }
0x255: {  	v53 =	vld [tilespmem:s29+$0x5C00];
	vm15 =	vgt.s32 v2, $0x0;
	v1 =	vnsel vm2, $0x0, v1  }
0x256: {  	v55 =	vld [tilespmem:s29+$0x1E00];
	v3 =	vnsel vm15, $0x0, v2;
	v2 =	vmin.u32 v1, $0x3F  }
0x257: {  	v47 =	vld [tilespmem:s29+$0x5E00];
	v1 =	vmin.u32 v3, $0x3F  }
0x258: {  	v50 =	vld [tilespmem:s29+$0x2000];
	v3 =	vor.u32 $0x40, v2  }
0x259: {  	v10 =	vld [tilespmem:s29+$0x2800];
	v4 =	vor.u32 $0x40, v1  }
0x25a: {  	v11 =	vld [tilespmem:s29+$0x6800];
	v6 =	vor.u32 $0x80, v2  }
0x25b: {  	v58 =	vor.u32 $0xC0, v2;
	v12 =	vld.idx.msk [tilespmem:v2+s20+$0x0], $0xffff  }
0x25c: {  	v59 =	vor.u32 $0x100, v1;
	v13 =	vld.idx.msk [tilespmem:v1+s21+$0x0], $0xffff  }
0x25d: {  	v60 =	vor.u32 $0x180, v2;
	v16 =	vld.idx.msk [tilespmem:v3+s20+$0x0], $0xffff  }
0x25e: {  	v3 =	vor.u32 $0x80, v1;
	v17 =	vld.idx.msk [tilespmem:v4+s21+$0x0], $0xffff  }
0x25f: {  	v61 =	vor.u32 $0x1C0, v1;
	v20 =	vld.idx.msk [tilespmem:v6+s20+$0x0], $0xffff  }
0x260: {  	v62 =	vor.u32 $0x240, v2;
	v24 =	vld.idx.msk [tilespmem:v58+s20+$0x0], $0xffff  }
0x261: {  	v7 =	vor.u32 $0x280, v1;
	v29 =	vld.idx.msk [tilespmem:v59+s21+$0x0], $0xffff  }
0x262: {  	v63 =	vor.u32 $0x2C0, v2;
	v36 =	vld.idx.msk [tilespmem:v60+s20+$0x0], $0xffff  }
0x263: {  	v21 =	vld.idx.msk [tilespmem:v3+s21+$0x0], $0xffff;
	v3 =	vor.u32 $0x100, v2  }
0x264: {  	v8 =	vor.u32 $0x300, v2;
	v41 =	vld.idx.msk [tilespmem:v61+s21+$0x0], $0xffff  }
0x265: {  	v48 =	vld.idx.msk [tilespmem:v62+s20+$0x0], $0xffff  }
0x266: {  	v6 =	vor.u32 $0xC0, v1;
	v52 =	vld.idx.msk [tilespmem:v7+s21+$0x0], $0xffff  }
0x267: {  	v7 =	vor.u32 $0x340, v2;
	v56 =	vld.idx.msk [tilespmem:v63+s20+$0x0], $0xffff  }
0x268: {  	v28 =	vld.idx.msk [tilespmem:v3+s20+$0x0], $0xffff;
	v3 =	vor.u32 $0x140, v1  }
0x269: {  	v4 =	vor.u32 $0x340, v1;
	v58 =	vld.idx.msk [tilespmem:v8+s20+$0x0], $0xffff  }
0x26a: {  	v8 =	vor.u32 $0x380, v1;
	v12 =	vsel vm0, v12, v30;
	v30 =	vld [tilespmem:s29+$0x2A00]  }
0x26b: {  	v25 =	vld.idx.msk [tilespmem:v6+s21+$0x0], $0xffff  }
0x26c: {  	v6 =	vor.u32 $0x140, v2;
	v60 =	vld.idx.msk [tilespmem:v7+s20+$0x0], $0xffff  }
0x26d: {  	v33 =	vld.idx.msk [tilespmem:v3+s21+$0x0], $0xffff;
	v3 =	vor.u32 $0x1C0, v2  }
0x26e: {  	v59 =	vld.idx.msk [tilespmem:v4+s21+$0x0], $0xffff  }
0x26f: {  	v13 =	vsel vm1, v13, v31;
	v61 =	vld.idx.msk [tilespmem:v8+s21+$0x0], $0xffff  }
0x270: {  	v12 =	vmul.f32 v13, v12;
	v13 =	vld [tilespmem:s29+$0x6A00]  }
0x271: {  	v32 =	vld.idx.msk [tilespmem:v6+s20+$0x0], $0xffff;
	v6 =	vor.u32 $0x180, v1  }
0x272: {  	v40 =	vld.idx.msk [tilespmem:v3+s20+$0x0], $0xffff;
	v3 =	vor.u32 $0x200, v1  }
0x273: {  	v14 =	vsel vm0, v16, v14;
	v16 =	vld [tilespmem:s29+$0x2C00]  }
0x274: {  	v31 =	vsel vm0, v20, v18;
	v18 =	vld [tilespmem:s29+$0x2E00]  }
0x275: {  	v20 =	vld [tilespmem:s29+$0x3000]  }
0x276: {  	v37 =	vld.idx.msk [tilespmem:v6+s21+$0x0], $0xffff;
	v6 =	vor.u32 $0x200, v2  }
0x277: {  	v45 =	vld.idx.msk [tilespmem:v3+s21+$0x0], $0xffff;
	v3 =	vor.u32 $0x280, v2  }
0x278: {  	v15 =	vsel vm1, v17, v15;
	v17 =	vld [tilespmem:s29+$0x7000]  }
0x279: {  	v24 =	vsel vm0, v24, v22;
	v22 =	vld [tilespmem:s29+$0x7400]  }
0x27a: {  	v7 =	vor.u32 $0x3C0, v1;
	v29 =	vsel vm1, v29, v27;
	v27 =	vld [tilespmem:s29+$0x7600]  }
0x27b: {  	v44 =	vld.idx.msk [tilespmem:v6+s20+$0x0], $0xffff;
	v6 =	vor.u32 $0x240, v1  }
0x27c: {  	v51 =	vld.idx.msk [tilespmem:v3+s20+$0x0], $0xffff;
	v3 =	vor.u32 $0x300, v1  }
0x27d: {  	v8 =	vor.u32 $0x440, v2;
	v9 =	vadd.f32 v12, v9;
	v12 =	vmul.f32 v15, v14;
	v14 =	vld [tilespmem:s29+$0x6C00]  }
0x27e: {  	v15 =	vld [tilespmem:s29+$0x6E00]  }
0x27f: {  	v63 =	vld.idx.msk [tilespmem:v7+s21+$0x0], $0xffff  }
0x280: {  	v49 =	vld.idx.msk [tilespmem:v6+s21+$0x0], $0xffff;
	v6 =	vor.u32 $0x2C0, v1  }
0x281: {  	v57 =	vld.idx.msk [tilespmem:v3+s21+$0x0], $0xffff;
	v3 =	vor.u32 $0x3C0, v2  }
0x282: {  	v5 =	vld.idx.msk [tilespmem:v8+s20+$0x0], $0xffff  }
0x283: {  	v8 =	vld [tilespmem:s29+$0x6600]  }
0x284: {  	v21 =	vsel vm1, v21, v19;
	v25 =	vsel vm1, v25, v23;
	v19 =	vor.u32 $0x500, v2;
	v23 =	vld [tilespmem:s29+$0x3200]  }
0x285: {  	v9 =	vadd.f32 v12, v9;
	v31 =	vmul.f32 v21, v31;
	v54 =	vld.idx.msk [tilespmem:v6+s21+$0x0], $0xffff;
	v6 =	vor.u32 $0x380, v2  }
0x286: {  	v4 =	vor.u32 $0x400, v2;
	v0 =	vld.idx.msk [tilespmem:v3+s20+$0x0], $0xffff  }
0x287: {  	v21 =	vld [tilespmem:s29+$0x7200];
	v9 =	vadd.f32 v31, v9  }
0x288: {  	v31 =	vmul.f32 v25, v24;
	v24 =	vor.u32 $0x500, v1;
	v28 =	vsel vm0, v28, v26;
	v26 =	vld [tilespmem:s29+$0x3400]  }
0x289: {  	v19 =	vld.idx.msk [tilespmem:v19+s20+$0x0], $0xffff  }
0x28a: {  	v25 =	vor.u32 $0x540, v2;
	v62 =	vld.idx.msk [tilespmem:v6+s20+$0x0], $0xffff  }
0x28b: {  	v6 =	vor.u32 $0x400, v1;
	[tilespmem:$0x1FF70] =	vst v0;
	v0 =	vld.idx.msk [tilespmem:v4+s20+$0x0], $0xffff  }
0x28c: {  	v9 =	vadd.f32 v31, v9;
	v13 =	vsel vm1, v63, v13;
	v63 =	vld [tilespmem:s29+$0x4200];
	v31 =	vmul.f32 v29, v28  }
0x28d: {  	v24 =	vld.idx.msk [tilespmem:v24+s21+$0x0], $0xffff  }
0x28e: {  	v48 =	vsel vm0, v48, v55;
	v55 =	vor.u32 $0x5C0, v2;
	v9 =	vadd.f32 v31, v9;
	v31 =	vld [tilespmem:s29+$0x3600]  }
0x28f: {  	v25 =	vld.idx.msk [tilespmem:v25+s20+$0x0], $0xffff;
	v33 =	vsel vm1, v33, v35;
	v3 =	vor.u32 $0x440, v1  }
0x290: {  	v35 =	vsel vm0, v36, v38;
	v36 =	vsel vm1, v37, v39;
	[tilespmem:$0x1FF80] =	vst v0;
	v0 =	vld.idx.msk [tilespmem:v6+s21+$0x0], $0xffff  }
0x291: {  	v32 =	vsel vm0, v32, v34;
	v37 =	vor.u32 $0x540, v1;
	v38 =	vmul.f32 v36, v35;
	v35 =	vld [tilespmem:s29+$0x3800]  }
0x292: {  	v34 =	vmul.f32 v33, v32;
	v32 =	vld [tilespmem:s29+$0x7800];
	v39 =	vsel vm0, v40, v42;
	v42 =	vor.u32 $0x580, v2  }
0x293: {  	v33 =	vld.idx.msk [tilespmem:v55+s20+$0x0], $0xffff  }
0x294: {  	v7 =	vor.u32 $0x480, v2;
	v3 =	vld.idx.msk [tilespmem:v3+s21+$0x0], $0xffff  }
0x295: {  	v9 =	vadd.f32 v34, v9;
	v34 =	vld [tilespmem:s29+$0x3A00];
	v40 =	vsel vm1, v41, v43;
	[tilespmem:$0x1FF90] =	vst v0;
	v0 =	vor.u32 $0x4C0, v2  }
0x296: {  	v43 =	vsel vm0, v44, v46;
	v29 =	vld.idx.msk [tilespmem:v37+s21+$0x0], $0xffff;
	v44 =	vsel vm1, v45, v53;
	v45 =	vor.u32 $0x580, v1  }
0x297: {  	v28 =	vld.idx.msk [tilespmem:v42+s20+$0x0], $0xffff;
	v42 =	vor.u32 $0x600, v1  }
0x298: {  	v9 =	vadd.f32 v38, v9;
	v38 =	vld [tilespmem:s29+$0x8200]  }
0x299: {  	v4 =	vor.u32 $0x480, v1;
	[tilespmem:$0x1FFB0] =	vst v3;
	v3 =	vld.idx.msk [tilespmem:v7+s20+$0x0], $0xffff  }
0x29a: {  	[tilespmem:$0x1FFA0] =	vst v5;
	v5 =	vor.u32 $0x4C0, v1;
	v0 =	vld.idx.msk [tilespmem:v0+s20+$0x0], $0xffff  }
0x29b: {  	v11 =	vsel vm1, v61, v11;
	v12 =	vld.idx.msk [tilespmem:v45+s21+$0x0], $0xffff;
	v10 =	vsel vm0, v62, v10  }
0x29c: {  	v45 =	vmul.f32 v11, v10;
	v10 =	vld.idx.msk [tilespmem:v42+s21+$0x0], $0xffff  }
0x29d: {  	v11 =	vld [tilespmem:$0x1FF70]  }
0x29e: {  	[tilespmem:$0x1FFC0] =	vst v3;
	v3 =	vld.idx.msk [tilespmem:v4+s21+$0x0], $0xffff  }
0x29f: {  	[tilespmem:$0x1FFE0] =	vst v0;
	v0 =	vld.idx.msk [tilespmem:v5+s21+$0x0], $0xffff  }
0x2a0: {  	v6 =	vld [tilespmem:s29+$0x6400]  }
0x2a1: {  	v7 =	vld [tilespmem:s29+$0x2600]  }
0x2a2: {  	v41 =	vmul.f32 v40, v39;
	v5 =	vld [tilespmem:s29+$0x6000]  }
0x2a3: {  	[tilespmem:$0x1FFD0] =	vst v3;
	v3 =	vld [tilespmem:s29+$0x6200]  }
0x2a4: {  	v9 =	vadd.f32 v41, v9;
	v46 =	vmul.f32 v44, v43;
	[tilespmem:$0x1FFF0] =	vst v0;
	v0 =	vld [tilespmem:s29+$0x2200]  }
0x2a5: {  	v49 =	vsel vm1, v49, v47;
	v47 =	vor.u32 $0x680, v2;
	v11 =	vsel vm0, v11, v30;
	v30 =	vld [tilespmem:s29+$0x3E00]  }
0x2a6: {  	v53 =	vmul.f32 v49, v48;
	v9 =	vadd.f32 v46, v9;
	v4 =	vld [tilespmem:s29+$0x2400]  }
0x2a7: {  	v40 =	vsel vm0, v51, v50;
	v48 =	vld [tilespmem:$0x1FF80];
	v5 =	vsel vm1, v52, v5  }
0x2a8: {  	v9 =	vadd.f32 v53, v9;
	v53 =	vld [tilespmem:$0x1FFB0];
	v5 =	vmul.f32 v5, v40  }
0x2a9: {  	v46 =	vmul.f32 v13, v11;
	v11 =	vld [tilespmem:s29+$0x7E00];
	v3 =	vsel vm1, v54, v3;
	v0 =	vsel vm0, v56, v0  }
0x2aa: {  	v50 =	vor.u32 $0x680, v1;
	v13 =	vld.idx.msk [tilespmem:v47+s20+$0x0], $0xffff;
	v5 =	vadd.f32 v5, v9;
	v0 =	vmul.f32 v3, v0  }
0x2ab: {  	v47 =	vld [tilespmem:s29+$0x8400];
	v6 =	vsel vm1, v57, v6;
	v4 =	vsel vm0, v58, v4  }
0x2ac: {  	v49 =	vld [tilespmem:$0x1FF90];
	v4 =	vmul.f32 v6, v4;
	v0 =	vadd.f32 v0, v5  }
0x2ad: {  	v6 =	vsel vm0, v60, v7;
	v7 =	vsel vm1, v59, v8;
	v8 =	vld [tilespmem:s29+$0x3C00]  }
0x2ae: {  	v57 =	vld [tilespmem:$0x1FFD0];
	v43 =	vmul.f32 v7, v6;
	v0 =	vadd.f32 v4, v0  }
0x2af: {  	v60 =	vld.idx.msk [tilespmem:v50+s21+$0x0], $0xffff  }
0x2b0: {  	v44 =	vor.u32 $0x640, v1;
	v52 =	vld [tilespmem:$0x1FFA0];
	v0 =	vadd.f32 v43, v0  }
0x2b1: {  	v58 =	vor.u32 $0x6C0, v1;
	v6 =	vld [tilespmem:s29+$0x7C00]  }
0x2b2: {  	v7 =	vor.u32 $0x640, v2;
	v56 =	vld [tilespmem:$0x1FFC0];
	v0 =	vadd.f32 v45, v0  }
0x2b3: {  	v16 =	vsel vm0, v48, v16;
	v14 =	vsel vm1, v49, v14;
	v61 =	vld [tilespmem:$0x1FFE0]  }
0x2b4: {  	v19 =	vsel vm0, v19, v26;
	v51 =	vmul.f32 v14, v16;
	v62 =	vld [tilespmem:$0x1FFF0];
	v0 =	vadd.f32 v46, v0  }
0x2b5: {  	v55 =	vor.u32 $0x6C0, v2;
	v15 =	vsel vm1, v53, v15;
	v14 =	vld.idx.msk [tilespmem:v44+s21+$0x0], $0xffff;
	v16 =	vsel vm0, v52, v18  }
0x2b6: {  	v22 =	vsel vm1, v24, v22;
	v42 =	vld.idx.msk [tilespmem:v58+s21+$0x0], $0xffff;
	v54 =	vmul.f32 v15, v16;
	v0 =	vadd.f32 v51, v0  }
0x2b7: {  	v41 =	vor.u32 $0x5C0, v1;
	v17 =	vsel vm1, v57, v17;
	v7 =	vld.idx.msk [tilespmem:v7+s20+$0x0], $0xffff;
	v20 =	vsel vm0, v56, v20  }
0x2b8: {  	v40 =	vor.u32 $0x700, v1;
	v18 =	vld [tilespmem:s29+$0x4000];
	v59 =	vmul.f32 v17, v20;
	v0 =	vadd.f32 v54, v0  }
0x2b9: {  	v9 =	vor.u32 $0x600, v2;
	v3 =	vld [tilespmem:s29+$0x7A00];
	v21 =	vsel vm1, v62, v21;
	v20 =	vsel vm0, v61, v23  }
0x2ba: {  	v50 =	vor.u32 $0x740, v1;
	v15 =	vld [tilespmem:s29+$0x8000];
	v36 =	vmul.f32 v21, v20;
	v0 =	vadd.f32 v59, v0  }
0x2bb: {  	v6 =	vsel vm1, v10, v6;
	v10 =	vor.u32 $0x780, v1;
	v1 =	vor.u32 $0x7C0, v1;
	v16 =	vld.idx.msk [tilespmem:v55+s20+$0x0], $0xffff  }
0x2bc: {  	v5 =	vld.idx.msk [tilespmem:v41+s21+$0x0], $0xffff;
	v41 =	vmul.f32 v22, v19;
	v0 =	vadd.f32 v36, v0  }
0x2bd: {  	v39 =	vor.u32 $0x700, v2;
	v44 =	vsel vm1, v29, v27;
	v52 =	vld.idx.msk [tilespmem:v40+s21+$0x0], $0xffff;
	v43 =	vsel vm0, v25, v31  }
0x2be: {  	v48 =	vor.u32 $0x740, v2;
	v9 =	vld.idx.msk [tilespmem:v9+s20+$0x0], $0xffff;
	v46 =	vmul.f32 v44, v43;
	v0 =	vadd.f32 v41, v0  }
0x2bf: {  	v12 =	vsel vm1, v12, v32;
	v49 =	vsel vm0, v28, v35;
	v55 =	vld [tilespmem:s29+$0x8600]  }
0x2c0: {  	v1 =	vld.idx.msk [tilespmem:v1+s21+$0x0], $0xffff;
	v56 =	vor.u32 $0x780, v2;
	v51 =	vmul.f32 v12, v49;
	v0 =	vadd.f32 v46, v0  }
0x2c1: {  	v53 =	vsel vm0, v33, v34;
	v57 =	vsel vm1, v60, v15;
	v60 =	vld [tilespmem:s29+$0x4A00];
	v3 =	vsel vm1, v5, v3  }
0x2c2: {  	v21 =	vld.idx.msk [tilespmem:v39+s20+$0x0], $0xffff;
	v3 =	vmul.f32 v3, v53;
	v0 =	vadd.f32 v51, v0  }
0x2c3: {  	v8 =	vsel vm0, v9, v8;
	v9 =	vld.idx.msk [tilespmem:v48+s20+$0x0], $0xffff  }
0x2c4: {  	v45 =	vld [tilespmem:s29+$0x4400];
	v0 =	vadd.f32 v3, v0;
	v3 =	vmul.f32 v6, v8  }
0x2c5: {  	v7 =	vsel vm0, v7, v30;
	v58 =	vld.idx.msk [tilespmem:v56+s20+$0x0], $0xffff;
	v8 =	vsel vm1, v14, v11  }
0x2c6: {  	v2 =	vor.u32 $0x7C0, v2;
	v54 =	vld [tilespmem:s29+$0x4600];
	v0 =	vadd.f32 v3, v0;
	v3 =	vmul.f32 v8, v7  }
0x2c7: {  	v6 =	vld.idx.msk [tilespmem:v50+s21+$0x0], $0xffff;
	v8 =	vsel vm0, v13, v18  }
0x2c8: {  	v11 =	vld [tilespmem:s29+$0x4800];
	v0 =	vadd.f32 v3, v0;
	v3 =	vmul.f32 v57, v8  }
0x2c9: {  	v59 =	vsel vm1, v42, v38;
	v8 =	vld.idx.msk [tilespmem:v10+s21+$0x0], $0xffff;
	v10 =	vsel vm0, v16, v63  }
0x2ca: {  	v7 =	vld [tilespmem:s29+$0x8800];
	v0 =	vadd.f32 v3, v0;
	v3 =	vmul.f32 v59, v10  }
0x2cb: {  	v2 =	vld.idx.msk [tilespmem:v2+s20+$0x0], $0xffff;
	v12 =	vsel vm1, v52, v47;
	v61 =	vsel vm0, v21, v45  }
0x2cc: {  	v10 =	vld [tilespmem:s29+$0x8A00];
	v0 =	vadd.f32 v3, v0;
	v3 =	vmul.f32 v12, v61  }
0x2cd: {  	v5 =	vsel vm0, v9, v54;
	v4 =	vsel vm1, v6, v55  }
0x2ce: {  	v0 =	vadd.f32 v3, v0;
	v3 =	vmul.f32 v4, v5  }
0x2cf: {  	v62 =	vsel vm0, v58, v11;
	v63 =	vsel vm1, v8, v7  }
.Ltmp6:
0x2d0: {  	v0 =	vadd.f32 v3, v0;
	v3 =	vmul.f32 v63, v62;
	(pc) =	sbr.rel .LBB2_7-.Ltmp6, $3  }
0x2d1: {  	v2 =	vsel vm0, v2, v60;
	v1 =	vsel vm1, v1, v10  }
0x2d2: {  	v1 =	vmul.f32 v1, v2;
	v0 =	vadd.f32 v3, v0;
	_ =	sdelay $0x1  }
0x2d3: {  	v8 =	vimm.f32 $0.0e+00;
	v1 =	vadd.f32 v1, v0  }
.LBB2_9:
0x2d4: {  	_ =	sfence.sel $0x180000  }
0x2d5: {  	[bflag:$0x0] =	sbarrier.arrive $0xFFFF  }
0x2d6: {  	_ =	strace $0x90000047  }
0x2d7: {  	s0 =	stileid.u32;
	[bflag:$0x2] =	sbarrier.arrive $0xFFFF  }
0x2d8: {  	p0 =	sne.s32 s0, $0x0;
	s0 =	rddreg [dreg:$0x4]  }
0x2d9: {  	s0 =	sadd.s32 @!p0 $0x100000, s0  }
0x2da: {  	[sflag:s0] =	ssyncadd.tile.s32 @!p0 $0x1;
	_ =	shalt  }
.Lfunc_end2:
_tile_overlayer_lowered:
.L_overlay_start_2:
0x2db: {  	(tag) =	ssettag $0x2  }
0x2dc: {  	s0 =	rddreg [dreg:$0x0];
	s2 =	stileid.u32  }
0x2dd: {  	s1 =	rddreg [dreg:$0x1];
	p0 =	sne.s32 s2, $0x0  }
0x2de: {  	s3 =	rddreg [dreg:$0x2];
	[bflag:$0x3] =	sbarrier.arrive $0xFFFF;
	s2 =	simm.s32 @!p0 $0x1C03  }
0x2df: {  	[timem:s3], [sflag:s2] =	dma.local @!p0 [hbm:s0], s1  }
0x2e0: {  	s0 =	simm.s32 @!p0 $0x3  }
0x2e1: {  	_ =	swait.ge @!p0 [sflag:s0], s1  }
0x2e2: {  	s1 =	ssub.s32 @!p0 $0x0, s1;
	[sflag:s0] =	ssyncset.done @!p0 $0x0  }
0x2e3: {  	[sflag:s0] =	ssyncadd.s32 @!p0 s1  }
0x2e4: {  	[bflag:$0x3] =	sbarrier.arrive $0xFFFF  }
0x2e5: {  	_ =	shalt  }

</sc_bundles>
